<compile_context>
chip_gen: v7x
topology: tpu7x:2x2x1
jax: 0.10.2.dev20260603
libtpu: 0.0.44.dev20260713+nightly
codegen_flags: <defaults>
</compile_context>

<pallas_src>
import functools

import jax
import jax.numpy as jnp
from jax import lax
from jax.experimental import pallas as pl
from jax.experimental.pallas import tpu as pltpu
from jax.experimental.pallas import tpu_sc as plsc

_NC, _NS, _L = 2, 16, 16
_NW = _NC * _NS
_R = 16
_UNROLL = 1


@functools.lru_cache(maxsize=None)
def _make_sc_kernel(B, S, D):
    rows_per_w = S // _NW
    nchunks = rows_per_w // _R

    mesh = plsc.VectorSubcoreMesh(core_axis_name="c", subcore_axis_name="s")

    @functools.partial(
        pl.kernel,
        out_type=jax.ShapeDtypeStruct((B * S, D), jnp.float32),
        mesh=mesh,
        scratch_types=[pltpu.VMEM((4, _R, D), jnp.float32),
                       pltpu.VMEM((2, _R, D), jnp.float32)]
                      + [pltpu.SemaphoreType.DMA] * 10,
        compiler_params=pltpu.CompilerParams(use_tc_tiling_on_sc=True),
    )
    def sc_add(x_hbm, pos_hbm, out_hbm, xb, pb, *sems):
        in_sems, out_sems, pos_sems = sems[0:4], sems[4:8], sems[8:10]
        wid = lax.axis_index("s") * _NC + lax.axis_index("c")
        base_row = wid * rows_per_w

        def issue_x(cc, b, slot):
            row0 = b * S + base_row + cc * _R
            pltpu.async_copy(x_hbm.at[pl.ds(row0, _R), :],
                             xb.at[slot], in_sems[slot])

        def wait_x(slot):
            pltpu.make_async_copy(x_hbm.at[pl.ds(0, _R), :],
                                  xb.at[slot], in_sems[slot]).wait()

        def issue_pos(cc, slot):
            pltpu.async_copy(pos_hbm.at[pl.ds(base_row + cc * _R, _R), :],
                             pb.at[slot], pos_sems[slot])

        def wait_pos(slot):
            pltpu.make_async_copy(pos_hbm.at[pl.ds(0, _R), :],
                                  pb.at[slot], pos_sems[slot]).wait()

        _H = _R // 2

        def issue_out_half(cc, b, slot, h):
            row0 = b * S + base_row + cc * _R + h * _H
            pltpu.async_copy(xb.at[slot, pl.ds(h * _H, _H), :],
                             out_hbm.at[pl.ds(row0, _H), :],
                             out_sems[slot])

        def wait_out(slot):
            for h in range(2):
                pltpu.make_async_copy(xb.at[slot, pl.ds(h * _H, _H), :],
                                      out_hbm.at[pl.ds(0, _H), :],
                                      out_sems[slot]).wait()

        def compute_half(xslot, pslot, h):
            @plsc.parallel_loop(0, D // _L, unroll=_UNROLL)
            def _(c):
                off = c * _L
                for r in range(h * _H, (h + 1) * _H):
                    plsc.addupdate(xb.at[xslot, r, pl.ds(off, _L)],
                                   pb[pslot, r, pl.ds(off, _L)])

        issue_x(0, 0, 0)
        issue_x(0, 1, 1)
        issue_x(0, 2, 2)
        issue_pos(0, 0)
        issue_pos(1, 1)

        def body(cc, cc2, even, b):
            nslot = (b + 2) % 4
            if b == 0:
                @pl.when(cc >= 1)
                def _():
                    wait_out(nslot)
                    issue_x(cc, b + 2, nslot)
            elif b == 1:
                @pl.when(cc >= 1)
                def _():
                    wait_out(nslot)
                issue_x(cc, b + 2, nslot)
            else:
                wait_out(nslot)

                @pl.when(cc < nchunks - 1)
                def _():
                    issue_x(cc + 1, b - 2, nslot)
            if b == 0:
                @pl.when(even & (cc >= 1) & (cc < nchunks - 1))
                def _():
                    issue_pos(cc + 1, 1)

                @pl.when(jnp.logical_not(even) & (cc < nchunks - 1))
                def _():
                    issue_pos(cc + 1, 0)

                @pl.when(even)
                def _():
                    wait_pos(0)

                @pl.when(jnp.logical_not(even))
                def _():
                    wait_pos(1)
            wait_x(b)
            compute_half(b, cc2, 0)
            issue_out_half(cc, b, b, 0)
            compute_half(b, cc2, 1)
            issue_out_half(cc, b, b, 1)

        def outer(cc, carry):
            cc2 = lax.rem(cc, 2)
            even = cc2 == 0
            for b in range(B):
                body(cc, cc2, even, b)
            return carry

        lax.fori_loop(0, nchunks, outer, 0)
        wait_out(2)
        wait_out(3)

    return sc_add


def kernel(x, pos_embedding):
    B, S, D = x.shape
    sc_add = _make_sc_kernel(B, S, D)
    out = sc_add(x.reshape(B * S, D), pos_embedding[:S])
    return out.reshape(B, S, D)

# --- scband reference (transcript-rebuilt; emitter-appended) ---
"""Pipeline reference for scband-learned-positional-embedding-48756468744659 (READ-ONLY COPY).

The authoritative reference and input builder live on the scoring server;
editing this copy changes nothing except your own understanding.
"""

import jax, jax.numpy as jnp
import numpy as np

MAX_SEQ_LEN = 8192
D_MODEL = 1024
BATCH = 4
SEQ_LEN = 8192

def setup_inputs(seed: int = 0) -> dict:
    key = jax.random.key(seed)
    k1, k2 = jax.random.split(key)
    x = jax.random.normal(k1, (BATCH, SEQ_LEN, D_MODEL), dtype=jnp.float32)
    pos_embedding = jax.random.normal(k2, (MAX_SEQ_LEN, D_MODEL), dtype=jnp.float32) * 0.02
    return {"x": x, "pos_embedding": pos_embedding}

def reference(x, pos_embedding):
    batch_size, seq_len, d_model = x.shape
    positions = jnp.arange(seq_len)
    positions = jnp.broadcast_to(positions[None, :], (batch_size, seq_len))
    pos_emb = jnp.take(pos_embedding, positions, axis=0)
    out = x + pos_emb
    # dropout p=0.0 (eval/identity)
    return out

if __name__ == "__main__":
    import jax
    _d = setup_inputs()
    print(jax.jit(kernel)(*tuple(_d.values())))

</pallas_src>

<mosaic_0001>
#map = affine_map<(d0, d1) -> (0, 0)>
module attributes {stable_mosaic.version = 14 : i64} {
  func.func @sc_add(%arg0: i32, %arg1: i32, %arg2: memref<32768x1024xf32, #tpu.memory_space<hbm>>, %arg3: memref<8192x1024xf32, #tpu.memory_space<hbm>>, %arg4: memref<32768x1024xf32, #tpu.memory_space<hbm>>, %arg5: memref<4x16x1024xf32, #tpu.memory_space<vmem>>, %arg6: memref<2x16x1024xf32, #tpu.memory_space<vmem>>, %arg7: memref<!tpu.dma_semaphore, #tpu.memory_space<semaphore_mem>>, %arg8: memref<!tpu.dma_semaphore, #tpu.memory_space<semaphore_mem>>, %arg9: memref<!tpu.dma_semaphore, #tpu.memory_space<semaphore_mem>>, %arg10: memref<!tpu.dma_semaphore, #tpu.memory_space<semaphore_mem>>, %arg11: memref<!tpu.dma_semaphore, #tpu.memory_space<semaphore_mem>>, %arg12: memref<!tpu.dma_semaphore, #tpu.memory_space<semaphore_mem>>, %arg13: memref<!tpu.dma_semaphore, #tpu.memory_space<semaphore_mem>>, %arg14: memref<!tpu.dma_semaphore, #tpu.memory_space<semaphore_mem>>, %arg15: memref<!tpu.dma_semaphore, #tpu.memory_space<semaphore_mem>>, %arg16: memref<!tpu.dma_semaphore, #tpu.memory_space<semaphore_mem>>) attributes {dimension_semantics = [#tpu.dimension_semantics<core_parallel>, #tpu.dimension_semantics<subcore_parallel>], iteration_bounds = array<i64: 2, 16>, scalar_prefetch = 0 : i64, scratch_operands = 12 : i64, tpu.core_type = #tpu.core_type<sc_vector_subcore>, window_params = [{transform_indices = #map}, {transform_indices = #map}, {transform_indices = #map}]} {
    %mul3A = arith.constant 2 : i32
    %mul3A_0 = arith.muli %arg1, %mul3A : i32
    %add3A = arith.addi %mul3A_0, %arg0 : i32
    %mul3A_1 = arith.constant 256 : i32
    %mul3A_2 = arith.muli %add3A, %mul3A_1 : i32
    %add3A_3 = arith.constant 0 : i32
    %add3A_4 = arith.addi %add3A_3, %mul3A_2 : i32
    %add3A_5 = arith.constant 0 : i32
    %add3A_6 = arith.addi %add3A_4, %add3A_5 : i32
    %dma_start3A = arith.constant 0 : i32
    %dma_start3A_7 = arith.constant 0 : i32
    %dma_start3A_8 = arith.constant 0 : i32
    %dma_start3A_9 = tpu.memref_slice %arg5[%dma_start3A, %dma_start3A_7, %dma_start3A_8] : memref<4x16x1024xf32, #tpu.memory_space<vmem>> -> memref<1x16x1024xf32, #tpu.memory_space<vmem>>
    %dma_start3A_10 = tpu.memref_squeeze %dma_start3A_9 : memref<1x16x1024xf32, #tpu.memory_space<vmem>> -> memref<16x1024xf32, #tpu.memory_space<vmem>>
    %dma_start3A_11 = arith.constant 0 : i32
    %dma_start3A_12 = tpu.memref_slice %arg2[%add3A_6, %dma_start3A_11] : memref<32768x1024xf32, #tpu.memory_space<hbm>> -> memref<16x1024xf32, #tpu.memory_space<hbm>>
    %dma_start3A_13 = arith.constant 0 : i32
    %dma_start3A_14 = arith.constant 0 : i32
    %dma_start3A_15 = tpu.memref_slice %arg5[%dma_start3A, %dma_start3A_13, %dma_start3A_14] : memref<4x16x1024xf32, #tpu.memory_space<vmem>> -> memref<1x16x1024xf32, #tpu.memory_space<vmem>>
    %dma_start3A_16 = tpu.memref_squeeze %dma_start3A_15 : memref<1x16x1024xf32, #tpu.memory_space<vmem>> -> memref<16x1024xf32, #tpu.memory_space<vmem>>
    %dma_start3A_17 = arith.constant 0 : i32
    %dma_start3A_18 = tpu.memref_slice %arg2[%add3A_6, %dma_start3A_17] : memref<32768x1024xf32, #tpu.memory_space<hbm>> -> memref<16x1024xf32, #tpu.memory_space<hbm>>
    tpu.enqueue_dma source(%dma_start3A_18 : memref<16x1024xf32, #tpu.memory_space<hbm>>) target(%dma_start3A_16 : memref<16x1024xf32, #tpu.memory_space<vmem>>) target_semaphore(%arg7 : memref<!tpu.dma_semaphore, #tpu.memory_space<semaphore_mem>>)
    %add3A_19 = arith.constant 8192 : i32
    %add3A_20 = arith.addi %add3A_19, %mul3A_2 : i32
    %add3A_21 = arith.constant 0 : i32
    %add3A_22 = arith.addi %add3A_20, %add3A_21 : i32
    %dma_start3A_23 = arith.constant 1 : i32
    %dma_start3A_24 = arith.constant 0 : i32
    %dma_start3A_25 = arith.constant 0 : i32
    %dma_start3A_26 = tpu.memref_slice %arg5[%dma_start3A_23, %dma_start3A_24, %dma_start3A_25] : memref<4x16x1024xf32, #tpu.memory_space<vmem>> -> memref<1x16x1024xf32, #tpu.memory_space<vmem>>
    %dma_start3A_27 = tpu.memref_squeeze %dma_start3A_26 : memref<1x16x1024xf32, #tpu.memory_space<vmem>> -> memref<16x1024xf32, #tpu.memory_space<vmem>>
    %dma_start3A_28 = arith.constant 0 : i32
    %dma_start3A_29 = tpu.memref_slice %arg2[%add3A_22, %dma_start3A_28] : memref<32768x1024xf32, #tpu.memory_space<hbm>> -> memref<16x1024xf32, #tpu.memory_space<hbm>>
    %dma_start3A_30 = arith.constant 0 : i32
    %dma_start3A_31 = arith.constant 0 : i32
    %dma_start3A_32 = tpu.memref_slice %arg5[%dma_start3A_23, %dma_start3A_30, %dma_start3A_31] : memref<4x16x1024xf32, #tpu.memory_space<vmem>> -> memref<1x16x1024xf32, #tpu.memory_space<vmem>>
    %dma_start3A_33 = tpu.memref_squeeze %dma_start3A_32 : memref<1x16x1024xf32, #tpu.memory_space<vmem>> -> memref<16x1024xf32, #tpu.memory_space<vmem>>
    %dma_start3A_34 = arith.constant 0 : i32
    %dma_start3A_35 = tpu.memref_slice %arg2[%add3A_22, %dma_start3A_34] : memref<32768x1024xf32, #tpu.memory_space<hbm>> -> memref<16x1024xf32, #tpu.memory_space<hbm>>
    tpu.enqueue_dma source(%dma_start3A_35 : memref<16x1024xf32, #tpu.memory_space<hbm>>) target(%dma_start3A_33 : memref<16x1024xf32, #tpu.memory_space<vmem>>) target_semaphore(%arg8 : memref<!tpu.dma_semaphore, #tpu.memory_space<semaphore_mem>>)
    %add3A_36 = arith.constant 16384 : i32
    %add3A_37 = arith.addi %add3A_36, %mul3A_2 : i32
    %add3A_38 = arith.constant 0 : i32
    %add3A_39 = arith.addi %add3A_37, %add3A_38 : i32
    %dma_start3A_40 = arith.constant 2 : i32
    %dma_start3A_41 = arith.constant 0 : i32
    %dma_start3A_42 = arith.constant 0 : i32
    %dma_start3A_43 = tpu.memref_slice %arg5[%dma_start3A_40, %dma_start3A_41, %dma_start3A_42] : memref<4x16x1024xf32, #tpu.memory_space<vmem>> -> memref<1x16x1024xf32, #tpu.memory_space<vmem>>
    %dma_start3A_44 = tpu.memref_squeeze %dma_start3A_43 : memref<1x16x1024xf32, #tpu.memory_space<vmem>> -> memref<16x1024xf32, #tpu.memory_space<vmem>>
    %dma_start3A_45 = arith.constant 0 : i32
    %dma_start3A_46 = tpu.memref_slice %arg2[%add3A_39, %dma_start3A_45] : memref<32768x1024xf32, #tpu.memory_space<hbm>> -> memref<16x1024xf32, #tpu.memory_space<hbm>>
    %dma_start3A_47 = arith.constant 0 : i32
    %dma_start3A_48 = arith.constant 0 : i32
    %dma_start3A_49 = tpu.memref_slice %arg5[%dma_start3A_40, %dma_start3A_47, %dma_start3A_48] : memref<4x16x1024xf32, #tpu.memory_space<vmem>> -> memref<1x16x1024xf32, #tpu.memory_space<vmem>>
    %dma_start3A_50 = tpu.memref_squeeze %dma_start3A_49 : memref<1x16x1024xf32, #tpu.memory_space<vmem>> -> memref<16x1024xf32, #tpu.memory_space<vmem>>
    %dma_start3A_51 = arith.constant 0 : i32
    %dma_start3A_52 = tpu.memref_slice %arg2[%add3A_39, %dma_start3A_51] : memref<32768x1024xf32, #tpu.memory_space<hbm>> -> memref<16x1024xf32, #tpu.memory_space<hbm>>
    tpu.enqueue_dma source(%dma_start3A_52 : memref<16x1024xf32, #tpu.memory_space<hbm>>) target(%dma_start3A_50 : memref<16x1024xf32, #tpu.memory_space<vmem>>) target_semaphore(%arg9 : memref<!tpu.dma_semaphore, #tpu.memory_space<semaphore_mem>>)
    %add3A_53 = arith.constant 0 : i32
    %add3A_54 = arith.addi %mul3A_2, %add3A_53 : i32
    %dma_start3A_55 = arith.constant 0 : i32
    %dma_start3A_56 = arith.constant 0 : i32
    %dma_start3A_57 = arith.constant 0 : i32
    %dma_start3A_58 = tpu.memref_slice %arg6[%dma_start3A_55, %dma_start3A_56, %dma_start3A_57] : memref<2x16x1024xf32, #tpu.memory_space<vmem>> -> memref<1x16x1024xf32, #tpu.memory_space<vmem>>
    %dma_start3A_59 = tpu.memref_squeeze %dma_start3A_58 : memref<1x16x1024xf32, #tpu.memory_space<vmem>> -> memref<16x1024xf32, #tpu.memory_space<vmem>>
    %dma_start3A_60 = arith.constant 0 : i32
    %dma_start3A_61 = tpu.memref_slice %arg3[%add3A_54, %dma_start3A_60] : memref<8192x1024xf32, #tpu.memory_space<hbm>> -> memref<16x1024xf32, #tpu.memory_space<hbm>>
    %dma_start3A_62 = arith.constant 0 : i32
    %dma_start3A_63 = arith.constant 0 : i32
    %dma_start3A_64 = tpu.memref_slice %arg6[%dma_start3A_55, %dma_start3A_62, %dma_start3A_63] : memref<2x16x1024xf32, #tpu.memory_space<vmem>> -> memref<1x16x1024xf32, #tpu.memory_space<vmem>>
    %dma_start3A_65 = tpu.memref_squeeze %dma_start3A_64 : memref<1x16x1024xf32, #tpu.memory_space<vmem>> -> memref<16x1024xf32, #tpu.memory_space<vmem>>
    %dma_start3A_66 = arith.constant 0 : i32
    %dma_start3A_67 = tpu.memref_slice %arg3[%add3A_54, %dma_start3A_66] : memref<8192x1024xf32, #tpu.memory_space<hbm>> -> memref<16x1024xf32, #tpu.memory_space<hbm>>
    tpu.enqueue_dma source(%dma_start3A_67 : memref<16x1024xf32, #tpu.memory_space<hbm>>) target(%dma_start3A_65 : memref<16x1024xf32, #tpu.memory_space<vmem>>) target_semaphore(%arg15 : memref<!tpu.dma_semaphore, #tpu.memory_space<semaphore_mem>>)
    %add3A_68 = arith.constant 16 : i32
    %add3A_69 = arith.addi %mul3A_2, %add3A_68 : i32
    %dma_start3A_70 = arith.constant 1 : i32
    %dma_start3A_71 = arith.constant 0 : i32
    %dma_start3A_72 = arith.constant 0 : i32
    %dma_start3A_73 = tpu.memref_slice %arg6[%dma_start3A_70, %dma_start3A_71, %dma_start3A_72] : memref<2x16x1024xf32, #tpu.memory_space<vmem>> -> memref<1x16x1024xf32, #tpu.memory_space<vmem>>
    %dma_start3A_74 = tpu.memref_squeeze %dma_start3A_73 : memref<1x16x1024xf32, #tpu.memory_space<vmem>> -> memref<16x1024xf32, #tpu.memory_space<vmem>>
    %dma_start3A_75 = arith.constant 0 : i32
    %dma_start3A_76 = tpu.memref_slice %arg3[%add3A_69, %dma_start3A_75] : memref<8192x1024xf32, #tpu.memory_space<hbm>> -> memref<16x1024xf32, #tpu.memory_space<hbm>>
    %dma_start3A_77 = arith.constant 0 : i32
    %dma_start3A_78 = arith.constant 0 : i32
    %dma_start3A_79 = tpu.memref_slice %arg6[%dma_start3A_70, %dma_start3A_77, %dma_start3A_78] : memref<2x16x1024xf32, #tpu.memory_space<vmem>> -> memref<1x16x1024xf32, #tpu.memory_space<vmem>>
    %dma_start3A_80 = tpu.memref_squeeze %dma_start3A_79 : memref<1x16x1024xf32, #tpu.memory_space<vmem>> -> memref<16x1024xf32, #tpu.memory_space<vmem>>
    %dma_start3A_81 = arith.constant 0 : i32
    %dma_start3A_82 = tpu.memref_slice %arg3[%add3A_69, %dma_start3A_81] : memref<8192x1024xf32, #tpu.memory_space<hbm>> -> memref<16x1024xf32, #tpu.memory_space<hbm>>
    tpu.enqueue_dma source(%dma_start3A_82 : memref<16x1024xf32, #tpu.memory_space<hbm>>) target(%dma_start3A_80 : memref<16x1024xf32, #tpu.memory_space<vmem>>) target_semaphore(%arg16 : memref<!tpu.dma_semaphore, #tpu.memory_space<semaphore_mem>>)
    %scan3A = arith.constant 0 : i32
    %scan3A_83 = arith.constant 0 : i32
    %scan3A_84 = arith.constant 16 : i32
    %scan3A_85 = arith.addi %scan3A_83, %scan3A_84 : i32
    %scan3A_86 = arith.constant 1 : i32
    scf.for %scan3A_147 = %scan3A_83 to %scan3A_85 step %scan3A_86  : i32 {
      %rem3A = arith.constant 2 : i32
      %rem3A_148 = arith.remsi %scan3A_147, %rem3A : i32
      %eq3A = arith.constant 0 : i32
      %eq3A_149 = arith.cmpi eq, %rem3A_148, %eq3A : i32
      %ge3A = arith.constant 1 : i32
      %ge3A_150 = arith.cmpi sge, %scan3A_147, %ge3A : i32
      %convert_element_type3A = arith.extui %ge3A_150 : i1 to i32
      %cond3A = arith.constant 0 : i32
      %cond3A_151 = arith.cmpi ne, %convert_element_type3A, %cond3A : i32
      scf.if %cond3A_151 {
        %dma_wait3A_510 = arith.constant 2 : i32
        %dma_wait3A_511 = arith.constant 0 : i32
        %dma_wait3A_512 = arith.constant 0 : i32
        %dma_wait3A_513 = tpu.memref_slice %arg5[%dma_wait3A_510, %dma_wait3A_511, %dma_wait3A_512] : memref<4x16x1024xf32, #tpu.memory_space<vmem>> -> memref<1x8x1024xf32, #tpu.memory_space<vmem>>
        %dma_wait3A_514 = tpu.memref_squeeze %dma_wait3A_513 : memref<1x8x1024xf32, #tpu.memory_space<vmem>> -> memref<8x1024xf32, #tpu.memory_space<vmem>>
        %dma_wait3A_515 = arith.constant 0 : i32
        %dma_wait3A_516 = arith.constant 0 : i32
        %dma_wait3A_517 = tpu.memref_slice %arg4[%dma_wait3A_515, %dma_wait3A_516] : memref<32768x1024xf32, #tpu.memory_space<hbm>> -> memref<8x1024xf32, #tpu.memory_space<hbm>>
        %dma_wait3A_518 = arith.constant 0 : i32
        %dma_wait3A_519 = arith.constant 0 : i32
        %dma_wait3A_520 = tpu.memref_slice %arg4[%dma_wait3A_518, %dma_wait3A_519] : memref<32768x1024xf32, #tpu.memory_space<hbm>> -> memref<8x1024xf32, #tpu.memory_space<hbm>>
        %dma_wait3A_521 = arith.constant 0 : i32
        %dma_wait3A_522 = arith.constant 0 : i32
        %dma_wait3A_523 = tpu.memref_slice %arg5[%dma_wait3A_510, %dma_wait3A_521, %dma_wait3A_522] : memref<4x16x1024xf32, #tpu.memory_space<vmem>> -> memref<1x8x1024xf32, #tpu.memory_space<vmem>>
        %dma_wait3A_524 = tpu.memref_squeeze %dma_wait3A_523 : memref<1x8x1024xf32, #tpu.memory_space<vmem>> -> memref<8x1024xf32, #tpu.memory_space<vmem>>
        tpu.wait_dma2 semaphore(%arg13 : memref<!tpu.dma_semaphore, #tpu.memory_space<semaphore_mem>>) src(%dma_wait3A_524 : memref<8x1024xf32, #tpu.memory_space<vmem>>) dst(%dma_wait3A_520 : memref<8x1024xf32, #tpu.memory_space<hbm>>)
        %dma_wait3A_525 = arith.constant 2 : i32
        %dma_wait3A_526 = arith.constant 8 : i32
        %dma_wait3A_527 = arith.constant 0 : i32
        %dma_wait3A_528 = tpu.memref_slice %arg5[%dma_wait3A_525, %dma_wait3A_526, %dma_wait3A_527] : memref<4x16x1024xf32, #tpu.memory_space<vmem>> -> memref<1x8x1024xf32, #tpu.memory_space<vmem>>
        %dma_wait3A_529 = tpu.memref_squeeze %dma_wait3A_528 : memref<1x8x1024xf32, #tpu.memory_space<vmem>> -> memref<8x1024xf32, #tpu.memory_space<vmem>>
        %dma_wait3A_530 = arith.constant 0 : i32
        %dma_wait3A_531 = arith.constant 0 : i32
        %dma_wait3A_532 = tpu.memref_slice %arg4[%dma_wait3A_530, %dma_wait3A_531] : memref<32768x1024xf32, #tpu.memory_space<hbm>> -> memref<8x1024xf32, #tpu.memory_space<hbm>>
        %dma_wait3A_533 = arith.constant 0 : i32
        %dma_wait3A_534 = arith.constant 0 : i32
        %dma_wait3A_535 = tpu.memref_slice %arg4[%dma_wait3A_533, %dma_wait3A_534] : memref<32768x1024xf32, #tpu.memory_space<hbm>> -> memref<8x1024xf32, #tpu.memory_space<hbm>>
        %dma_wait3A_536 = arith.constant 8 : i32
        %dma_wait3A_537 = arith.constant 0 : i32
        %dma_wait3A_538 = tpu.memref_slice %arg5[%dma_wait3A_525, %dma_wait3A_536, %dma_wait3A_537] : memref<4x16x1024xf32, #tpu.memory_space<vmem>> -> memref<1x8x1024xf32, #tpu.memory_space<vmem>>
        %dma_wait3A_539 = tpu.memref_squeeze %dma_wait3A_538 : memref<1x8x1024xf32, #tpu.memory_space<vmem>> -> memref<8x1024xf32, #tpu.memory_space<vmem>>
        tpu.wait_dma2 semaphore(%arg13 : memref<!tpu.dma_semaphore, #tpu.memory_space<semaphore_mem>>) src(%dma_wait3A_539 : memref<8x1024xf32, #tpu.memory_space<vmem>>) dst(%dma_wait3A_535 : memref<8x1024xf32, #tpu.memory_space<hbm>>)
        %add3A_540 = arith.constant 16384 : i32
        %add3A_541 = arith.addi %add3A_540, %mul3A_2 : i32
        %mul3A_542 = arith.constant 16 : i32
        %mul3A_543 = arith.muli %scan3A_147, %mul3A_542 : i32
        %add3A_544 = arith.addi %add3A_541, %mul3A_543 : i32
        %dma_start3A_545 = arith.constant 2 : i32
        %dma_start3A_546 = arith.constant 0 : i32
        %dma_start3A_547 = arith.constant 0 : i32
        %dma_start3A_548 = tpu.memref_slice %arg5[%dma_start3A_545, %dma_start3A_546, %dma_start3A_547] : memref<4x16x1024xf32, #tpu.memory_space<vmem>> -> memref<1x16x1024xf32, #tpu.memory_space<vmem>>
        %dma_start3A_549 = tpu.memref_squeeze %dma_start3A_548 : memref<1x16x1024xf32, #tpu.memory_space<vmem>> -> memref<16x1024xf32, #tpu.memory_space<vmem>>
        %dma_start3A_550 = arith.constant 0 : i32
        %dma_start3A_551 = tpu.memref_slice %arg2[%add3A_544, %dma_start3A_550] : memref<32768x1024xf32, #tpu.memory_space<hbm>> -> memref<16x1024xf32, #tpu.memory_space<hbm>>
        %dma_start3A_552 = arith.constant 0 : i32
        %dma_start3A_553 = arith.constant 0 : i32
        %dma_start3A_554 = tpu.memref_slice %arg5[%dma_start3A_545, %dma_start3A_552, %dma_start3A_553] : memref<4x16x1024xf32, #tpu.memory_space<vmem>> -> memref<1x16x1024xf32, #tpu.memory_space<vmem>>
        %dma_start3A_555 = tpu.memref_squeeze %dma_start3A_554 : memref<1x16x1024xf32, #tpu.memory_space<vmem>> -> memref<16x1024xf32, #tpu.memory_space<vmem>>
        %dma_start3A_556 = arith.constant 0 : i32
        %dma_start3A_557 = tpu.memref_slice %arg2[%add3A_544, %dma_start3A_556] : memref<32768x1024xf32, #tpu.memory_space<hbm>> -> memref<16x1024xf32, #tpu.memory_space<hbm>>
        tpu.enqueue_dma source(%dma_start3A_557 : memref<16x1024xf32, #tpu.memory_space<hbm>>) target(%dma_start3A_555 : memref<16x1024xf32, #tpu.memory_space<vmem>>) target_semaphore(%arg9 : memref<!tpu.dma_semaphore, #tpu.memory_space<semaphore_mem>>)
      } else {
      }
      %ge3A_152 = arith.constant 1 : i32
      %ge3A_153 = arith.cmpi sge, %scan3A_147, %ge3A_152 : i32
      %and3A = arith.andi %eq3A_149, %ge3A_153 : i1
      %lt3A = arith.constant 15 : i32
      %lt3A_154 = arith.cmpi slt, %scan3A_147, %lt3A : i32
      %and3A_155 = arith.andi %and3A, %lt3A_154 : i1
      %convert_element_type3A_156 = arith.extui %and3A_155 : i1 to i32
      %cond3A_157 = arith.constant 0 : i32
      %cond3A_158 = arith.cmpi ne, %convert_element_type3A_156, %cond3A_157 : i32
      scf.if %cond3A_158 {
        %add3A_510 = arith.constant 1 : i32
        %add3A_511 = arith.addi %scan3A_147, %add3A_510 : i32
        %mul3A_512 = arith.constant 16 : i32
        %mul3A_513 = arith.muli %add3A_511, %mul3A_512 : i32
        %add3A_514 = arith.addi %mul3A_2, %mul3A_513 : i32
        %dma_start3A_515 = arith.constant 1 : i32
        %dma_start3A_516 = arith.constant 0 : i32
        %dma_start3A_517 = arith.constant 0 : i32
        %dma_start3A_518 = tpu.memref_slice %arg6[%dma_start3A_515, %dma_start3A_516, %dma_start3A_517] : memref<2x16x1024xf32, #tpu.memory_space<vmem>> -> memref<1x16x1024xf32, #tpu.memory_space<vmem>>
        %dma_start3A_519 = tpu.memref_squeeze %dma_start3A_518 : memref<1x16x1024xf32, #tpu.memory_space<vmem>> -> memref<16x1024xf32, #tpu.memory_space<vmem>>
        %dma_start3A_520 = arith.constant 0 : i32
        %dma_start3A_521 = tpu.memref_slice %arg3[%add3A_514, %dma_start3A_520] : memref<8192x1024xf32, #tpu.memory_space<hbm>> -> memref<16x1024xf32, #tpu.memory_space<hbm>>
        %dma_start3A_522 = arith.constant 0 : i32
        %dma_start3A_523 = arith.constant 0 : i32
        %dma_start3A_524 = tpu.memref_slice %arg6[%dma_start3A_515, %dma_start3A_522, %dma_start3A_523] : memref<2x16x1024xf32, #tpu.memory_space<vmem>> -> memref<1x16x1024xf32, #tpu.memory_space<vmem>>
        %dma_start3A_525 = tpu.memref_squeeze %dma_start3A_524 : memref<1x16x1024xf32, #tpu.memory_space<vmem>> -> memref<16x1024xf32, #tpu.memory_space<vmem>>
        %dma_start3A_526 = arith.constant 0 : i32
        %dma_start3A_527 = tpu.memref_slice %arg3[%add3A_514, %dma_start3A_526] : memref<8192x1024xf32, #tpu.memory_space<hbm>> -> memref<16x1024xf32, #tpu.memory_space<hbm>>
        tpu.enqueue_dma source(%dma_start3A_527 : memref<16x1024xf32, #tpu.memory_space<hbm>>) target(%dma_start3A_525 : memref<16x1024xf32, #tpu.memory_space<vmem>>) target_semaphore(%arg16 : memref<!tpu.dma_semaphore, #tpu.memory_space<semaphore_mem>>)
      } else {
      }
      %not3A = arith.constant true
      %not3A_159 = arith.xori %eq3A_149, %not3A : i1
      %lt3A_160 = arith.constant 15 : i32
      %lt3A_161 = arith.cmpi slt, %scan3A_147, %lt3A_160 : i32
      %and3A_162 = arith.andi %not3A_159, %lt3A_161 : i1
      %convert_element_type3A_163 = arith.extui %and3A_162 : i1 to i32
      %cond3A_164 = arith.constant 0 : i32
      %cond3A_165 = arith.cmpi ne, %convert_element_type3A_163, %cond3A_164 : i32
      scf.if %cond3A_165 {
        %add3A_510 = arith.constant 1 : i32
        %add3A_511 = arith.addi %scan3A_147, %add3A_510 : i32
        %mul3A_512 = arith.constant 16 : i32
        %mul3A_513 = arith.muli %add3A_511, %mul3A_512 : i32
        %add3A_514 = arith.addi %mul3A_2, %mul3A_513 : i32
        %dma_start3A_515 = arith.constant 0 : i32
        %dma_start3A_516 = arith.constant 0 : i32
        %dma_start3A_517 = arith.constant 0 : i32
        %dma_start3A_518 = tpu.memref_slice %arg6[%dma_start3A_515, %dma_start3A_516, %dma_start3A_517] : memref<2x16x1024xf32, #tpu.memory_space<vmem>> -> memref<1x16x1024xf32, #tpu.memory_space<vmem>>
        %dma_start3A_519 = tpu.memref_squeeze %dma_start3A_518 : memref<1x16x1024xf32, #tpu.memory_space<vmem>> -> memref<16x1024xf32, #tpu.memory_space<vmem>>
        %dma_start3A_520 = arith.constant 0 : i32
        %dma_start3A_521 = tpu.memref_slice %arg3[%add3A_514, %dma_start3A_520] : memref<8192x1024xf32, #tpu.memory_space<hbm>> -> memref<16x1024xf32, #tpu.memory_space<hbm>>
        %dma_start3A_522 = arith.constant 0 : i32
        %dma_start3A_523 = arith.constant 0 : i32
        %dma_start3A_524 = tpu.memref_slice %arg6[%dma_start3A_515, %dma_start3A_522, %dma_start3A_523] : memref<2x16x1024xf32, #tpu.memory_space<vmem>> -> memref<1x16x1024xf32, #tpu.memory_space<vmem>>
        %dma_start3A_525 = tpu.memref_squeeze %dma_start3A_524 : memref<1x16x1024xf32, #tpu.memory_space<vmem>> -> memref<16x1024xf32, #tpu.memory_space<vmem>>
        %dma_start3A_526 = arith.constant 0 : i32
        %dma_start3A_527 = tpu.memref_slice %arg3[%add3A_514, %dma_start3A_526] : memref<8192x1024xf32, #tpu.memory_space<hbm>> -> memref<16x1024xf32, #tpu.memory_space<hbm>>
        tpu.enqueue_dma source(%dma_start3A_527 : memref<16x1024xf32, #tpu.memory_space<hbm>>) target(%dma_start3A_525 : memref<16x1024xf32, #tpu.memory_space<vmem>>) target_semaphore(%arg15 : memref<!tpu.dma_semaphore, #tpu.memory_space<semaphore_mem>>)
      } else {
      }
      %convert_element_type3A_166 = arith.extui %eq3A_149 : i1 to i32
      %cond3A_167 = arith.constant 0 : i32
      %cond3A_168 = arith.cmpi ne, %convert_element_type3A_166, %cond3A_167 : i32
      scf.if %cond3A_168 {
        %dma_wait3A_510 = arith.constant 0 : i32
        %dma_wait3A_511 = arith.constant 0 : i32
        %dma_wait3A_512 = arith.constant 0 : i32
        %dma_wait3A_513 = tpu.memref_slice %arg6[%dma_wait3A_510, %dma_wait3A_511, %dma_wait3A_512] : memref<2x16x1024xf32, #tpu.memory_space<vmem>> -> memref<1x16x1024xf32, #tpu.memory_space<vmem>>
        %dma_wait3A_514 = tpu.memref_squeeze %dma_wait3A_513 : memref<1x16x1024xf32, #tpu.memory_space<vmem>> -> memref<16x1024xf32, #tpu.memory_space<vmem>>
        %dma_wait3A_515 = arith.constant 0 : i32
        %dma_wait3A_516 = arith.constant 0 : i32
        %dma_wait3A_517 = tpu.memref_slice %arg3[%dma_wait3A_515, %dma_wait3A_516] : memref<8192x1024xf32, #tpu.memory_space<hbm>> -> memref<16x1024xf32, #tpu.memory_space<hbm>>
        %dma_wait3A_518 = arith.constant 0 : i32
        %dma_wait3A_519 = arith.constant 0 : i32
        %dma_wait3A_520 = tpu.memref_slice %arg6[%dma_wait3A_510, %dma_wait3A_518, %dma_wait3A_519] : memref<2x16x1024xf32, #tpu.memory_space<vmem>> -> memref<1x16x1024xf32, #tpu.memory_space<vmem>>
        %dma_wait3A_521 = tpu.memref_squeeze %dma_wait3A_520 : memref<1x16x1024xf32, #tpu.memory_space<vmem>> -> memref<16x1024xf32, #tpu.memory_space<vmem>>
        %dma_wait3A_522 = arith.constant 0 : i32
        %dma_wait3A_523 = arith.constant 0 : i32
        %dma_wait3A_524 = tpu.memref_slice %arg3[%dma_wait3A_522, %dma_wait3A_523] : memref<8192x1024xf32, #tpu.memory_space<hbm>> -> memref<16x1024xf32, #tpu.memory_space<hbm>>
        tpu.wait_dma2 semaphore(%arg15 : memref<!tpu.dma_semaphore, #tpu.memory_space<semaphore_mem>>) src(%dma_wait3A_524 : memref<16x1024xf32, #tpu.memory_space<hbm>>) dst(%dma_wait3A_521 : memref<16x1024xf32, #tpu.memory_space<vmem>>)
      } else {
      }
      %not3A_169 = arith.constant true
      %not3A_170 = arith.xori %eq3A_149, %not3A_169 : i1
      %convert_element_type3A_171 = arith.extui %not3A_170 : i1 to i32
      %cond3A_172 = arith.constant 0 : i32
      %cond3A_173 = arith.cmpi ne, %convert_element_type3A_171, %cond3A_172 : i32
      scf.if %cond3A_173 {
        %dma_wait3A_510 = arith.constant 1 : i32
        %dma_wait3A_511 = arith.constant 0 : i32
        %dma_wait3A_512 = arith.constant 0 : i32
        %dma_wait3A_513 = tpu.memref_slice %arg6[%dma_wait3A_510, %dma_wait3A_511, %dma_wait3A_512] : memref<2x16x1024xf32, #tpu.memory_space<vmem>> -> memref<1x16x1024xf32, #tpu.memory_space<vmem>>
        %dma_wait3A_514 = tpu.memref_squeeze %dma_wait3A_513 : memref<1x16x1024xf32, #tpu.memory_space<vmem>> -> memref<16x1024xf32, #tpu.memory_space<vmem>>
        %dma_wait3A_515 = arith.constant 0 : i32
        %dma_wait3A_516 = arith.constant 0 : i32
        %dma_wait3A_517 = tpu.memref_slice %arg3[%dma_wait3A_515, %dma_wait3A_516] : memref<8192x1024xf32, #tpu.memory_space<hbm>> -> memref<16x1024xf32, #tpu.memory_space<hbm>>
        %dma_wait3A_518 = arith.constant 0 : i32
        %dma_wait3A_519 = arith.constant 0 : i32
        %dma_wait3A_520 = tpu.memref_slice %arg6[%dma_wait3A_510, %dma_wait3A_518, %dma_wait3A_519] : memref<2x16x1024xf32, #tpu.memory_space<vmem>> -> memref<1x16x1024xf32, #tpu.memory_space<vmem>>
        %dma_wait3A_521 = tpu.memref_squeeze %dma_wait3A_520 : memref<1x16x1024xf32, #tpu.memory_space<vmem>> -> memref<16x1024xf32, #tpu.memory_space<vmem>>
        %dma_wait3A_522 = arith.constant 0 : i32
        %dma_wait3A_523 = arith.constant 0 : i32
        %dma_wait3A_524 = tpu.memref_slice %arg3[%dma_wait3A_522, %dma_wait3A_523] : memref<8192x1024xf32, #tpu.memory_space<hbm>> -> memref<16x1024xf32, #tpu.memory_space<hbm>>
        tpu.wait_dma2 semaphore(%arg16 : memref<!tpu.dma_semaphore, #tpu.memory_space<semaphore_mem>>) src(%dma_wait3A_524 : memref<16x1024xf32, #tpu.memory_space<hbm>>) dst(%dma_wait3A_521 : memref<16x1024xf32, #tpu.memory_space<vmem>>)
      } else {
      }
      %dma_wait3A_174 = arith.constant 0 : i32
      %dma_wait3A_175 = arith.constant 0 : i32
      %dma_wait3A_176 = arith.constant 0 : i32
      %dma_wait3A_177 = tpu.memref_slice %arg5[%dma_wait3A_174, %dma_wait3A_175, %dma_wait3A_176] : memref<4x16x1024xf32, #tpu.memory_space<vmem>> -> memref<1x16x1024xf32, #tpu.memory_space<vmem>>
      %dma_wait3A_178 = tpu.memref_squeeze %dma_wait3A_177 : memref<1x16x1024xf32, #tpu.memory_space<vmem>> -> memref<16x1024xf32, #tpu.memory_space<vmem>>
      %dma_wait3A_179 = arith.constant 0 : i32
      %dma_wait3A_180 = arith.constant 0 : i32
      %dma_wait3A_181 = tpu.memref_slice %arg2[%dma_wait3A_179, %dma_wait3A_180] : memref<32768x1024xf32, #tpu.memory_space<hbm>> -> memref<16x1024xf32, #tpu.memory_space<hbm>>
      %dma_wait3A_182 = arith.constant 0 : i32
      %dma_wait3A_183 = arith.constant 0 : i32
      %dma_wait3A_184 = tpu.memref_slice %arg5[%dma_wait3A_174, %dma_wait3A_182, %dma_wait3A_183] : memref<4x16x1024xf32, #tpu.memory_space<vmem>> -> memref<1x16x1024xf32, #tpu.memory_space<vmem>>
      %dma_wait3A_185 = tpu.memref_squeeze %dma_wait3A_184 : memref<1x16x1024xf32, #tpu.memory_space<vmem>> -> memref<16x1024xf32, #tpu.memory_space<vmem>>
      %dma_wait3A_186 = arith.constant 0 : i32
      %dma_wait3A_187 = arith.constant 0 : i32
      %dma_wait3A_188 = tpu.memref_slice %arg2[%dma_wait3A_186, %dma_wait3A_187] : memref<32768x1024xf32, #tpu.memory_space<hbm>> -> memref<16x1024xf32, #tpu.memory_space<hbm>>
      tpu.wait_dma2 semaphore(%arg7 : memref<!tpu.dma_semaphore, #tpu.memory_space<semaphore_mem>>) src(%dma_wait3A_188 : memref<16x1024xf32, #tpu.memory_space<hbm>>) dst(%dma_wait3A_185 : memref<16x1024xf32, #tpu.memory_space<vmem>>)
      %parallel_loop3A = arith.constant 0 : i32
      %parallel_loop3A_189 = arith.constant 64 : i32
      %parallel_loop3A_190 = arith.constant 1 : i32
      scf.for %parallel_loop3A_510 = %parallel_loop3A to %parallel_loop3A_189 step %parallel_loop3A_190  : i32 {
        %parallel_loop3A_511 = arith.constant 16 : i32
        %parallel_loop3A_512 = arith.muli %parallel_loop3A_510, %parallel_loop3A_511 : i32
        %parallel_loop3A_513 = arith.constant 0 : i32
        %parallel_loop3A_514 = arith.index_cast %rem3A_148 : i32 to index
        %parallel_loop3A_515 = arith.index_cast %parallel_loop3A_513 : i32 to index
        %parallel_loop3A_516 = arith.index_cast %parallel_loop3A_512 : i32 to index
        %parallel_loop3A_517 = tpu.vector_load %arg6[%parallel_loop3A_514, %parallel_loop3A_515, %parallel_loop3A_516] {strides = array<i32>} : memref<2x16x1024xf32, #tpu.memory_space<vmem>>, vector<1x1x16xf32>,
        %parallel_loop3A_518 = vector.shape_cast %parallel_loop3A_517 : vector<1x1x16xf32> to vector<16xf32>
        %parallel_loop3A_519 = arith.constant 0 : i32
        %parallel_loop3A_520 = arith.constant 0 : i32
        %parallel_loop3A_521 = arith.index_cast %parallel_loop3A_519 : i32 to index
        %parallel_loop3A_522 = arith.index_cast %parallel_loop3A_520 : i32 to index
        %parallel_loop3A_523 = arith.index_cast %parallel_loop3A_512 : i32 to index
        %parallel_loop3A_524 = tpu.vector_load %arg5[%parallel_loop3A_521, %parallel_loop3A_522, %parallel_loop3A_523] {strides = array<i32>} : memref<4x16x1024xf32, #tpu.memory_space<vmem>>, vector<1x1x16xf32>,
        %parallel_loop3A_525 = vector.shape_cast %parallel_loop3A_524 : vector<1x1x16xf32> to vector<16xf32>
        %parallel_loop3A_526 = vector.shape_cast %parallel_loop3A_518 : vector<16xf32> to vector<1x1x16xf32>
        tpu.vector_store %arg5[%parallel_loop3A_521, %parallel_loop3A_522, %parallel_loop3A_523], %parallel_loop3A_526 {add = true, strides = array<i32>} : memref<4x16x1024xf32, #tpu.memory_space<vmem>>, vector<1x1x16xf32>,
        %parallel_loop3A_527 = arith.constant 1 : i32
        %parallel_loop3A_528 = arith.index_cast %rem3A_148 : i32 to index
        %parallel_loop3A_529 = arith.index_cast %parallel_loop3A_527 : i32 to index
        %parallel_loop3A_530 = arith.index_cast %parallel_loop3A_512 : i32 to index
        %parallel_loop3A_531 = tpu.vector_load %arg6[%parallel_loop3A_528, %parallel_loop3A_529, %parallel_loop3A_530] {strides = array<i32>} : memref<2x16x1024xf32, #tpu.memory_space<vmem>>, vector<1x1x16xf32>,
        %parallel_loop3A_532 = vector.shape_cast %parallel_loop3A_531 : vector<1x1x16xf32> to vector<16xf32>
        %parallel_loop3A_533 = arith.constant 0 : i32
        %parallel_loop3A_534 = arith.constant 1 : i32
        %parallel_loop3A_535 = arith.index_cast %parallel_loop3A_533 : i32 to index
        %parallel_loop3A_536 = arith.index_cast %parallel_loop3A_534 : i32 to index
        %parallel_loop3A_537 = arith.index_cast %parallel_loop3A_512 : i32 to index
        %parallel_loop3A_538 = tpu.vector_load %arg5[%parallel_loop3A_535, %parallel_loop3A_536, %parallel_loop3A_537] {strides = array<i32>} : memref<4x16x1024xf32, #tpu.memory_space<vmem>>, vector<1x1x16xf32>,
        %parallel_loop3A_539 = vector.shape_cast %parallel_loop3A_538 : vector<1x1x16xf32> to vector<16xf32>
        %parallel_loop3A_540 = vector.shape_cast %parallel_loop3A_532 : vector<16xf32> to vector<1x1x16xf32>
        tpu.vector_store %arg5[%parallel_loop3A_535, %parallel_loop3A_536, %parallel_loop3A_537], %parallel_loop3A_540 {add = true, strides = array<i32>} : memref<4x16x1024xf32, #tpu.memory_space<vmem>>, vector<1x1x16xf32>,
        %parallel_loop3A_541 = arith.constant 2 : i32
        %parallel_loop3A_542 = arith.index_cast %rem3A_148 : i32 to index
        %parallel_loop3A_543 = arith.index_cast %parallel_loop3A_541 : i32 to index
        %parallel_loop3A_544 = arith.index_cast %parallel_loop3A_512 : i32 to index
        %parallel_loop3A_545 = tpu.vector_load %arg6[%parallel_loop3A_542, %parallel_loop3A_543, %parallel_loop3A_544] {strides = array<i32>} : memref<2x16x1024xf32, #tpu.memory_space<vmem>>, vector<1x1x16xf32>,
        %parallel_loop3A_546 = vector.shape_cast %parallel_loop3A_545 : vector<1x1x16xf32> to vector<16xf32>
        %parallel_loop3A_547 = arith.constant 0 : i32
        %parallel_loop3A_548 = arith.constant 2 : i32
        %parallel_loop3A_549 = arith.index_cast %parallel_loop3A_547 : i32 to index
        %parallel_loop3A_550 = arith.index_cast %parallel_loop3A_548 : i32 to index
        %parallel_loop3A_551 = arith.index_cast %parallel_loop3A_512 : i32 to index
        %parallel_loop3A_552 = tpu.vector_load %arg5[%parallel_loop3A_549, %parallel_loop3A_550, %parallel_loop3A_551] {strides = array<i32>} : memref<4x16x1024xf32, #tpu.memory_space<vmem>>, vector<1x1x16xf32>,
        %parallel_loop3A_553 = vector.shape_cast %parallel_loop3A_552 : vector<1x1x16xf32> to vector<16xf32>
        %parallel_loop3A_554 = vector.shape_cast %parallel_loop3A_546 : vector<16xf32> to vector<1x1x16xf32>
        tpu.vector_store %arg5[%parallel_loop3A_549, %parallel_loop3A_550, %parallel_loop3A_551], %parallel_loop3A_554 {add = true, strides = array<i32>} : memref<4x16x1024xf32, #tpu.memory_space<vmem>>, vector<1x1x16xf32>,
        %parallel_loop3A_555 = arith.constant 3 : i32
        %parallel_loop3A_556 = arith.index_cast %rem3A_148 : i32 to index
        %parallel_loop3A_557 = arith.index_cast %parallel_loop3A_555 : i32 to index
        %parallel_loop3A_558 = arith.index_cast %parallel_loop3A_512 : i32 to index
        %parallel_loop3A_559 = tpu.vector_load %arg6[%parallel_loop3A_556, %parallel_loop3A_557, %parallel_loop3A_558] {strides = array<i32>} : memref<2x16x1024xf32, #tpu.memory_space<vmem>>, vector<1x1x16xf32>,
        %parallel_loop3A_560 = vector.shape_cast %parallel_loop3A_559 : vector<1x1x16xf32> to vector<16xf32>
        %parallel_loop3A_561 = arith.constant 0 : i32
        %parallel_loop3A_562 = arith.constant 3 : i32
        %parallel_loop3A_563 = arith.index_cast %parallel_loop3A_561 : i32 to index
        %parallel_loop3A_564 = arith.index_cast %parallel_loop3A_562 : i32 to index
        %parallel_loop3A_565 = arith.index_cast %parallel_loop3A_512 : i32 to index
        %parallel_loop3A_566 = tpu.vector_load %arg5[%parallel_loop3A_563, %parallel_loop3A_564, %parallel_loop3A_565] {strides = array<i32>} : memref<4x16x1024xf32, #tpu.memory_space<vmem>>, vector<1x1x16xf32>,
        %parallel_loop3A_567 = vector.shape_cast %parallel_loop3A_566 : vector<1x1x16xf32> to vector<16xf32>
        %parallel_loop3A_568 = vector.shape_cast %parallel_loop3A_560 : vector<16xf32> to vector<1x1x16xf32>
        tpu.vector_store %arg5[%parallel_loop3A_563, %parallel_loop3A_564, %parallel_loop3A_565], %parallel_loop3A_568 {add = true, strides = array<i32>} : memref<4x16x1024xf32, #tpu.memory_space<vmem>>, vector<1x1x16xf32>,
        %parallel_loop3A_569 = arith.constant 4 : i32
        %parallel_loop3A_570 = arith.index_cast %rem3A_148 : i32 to index
        %parallel_loop3A_571 = arith.index_cast %parallel_loop3A_569 : i32 to index
        %parallel_loop3A_572 = arith.index_cast %parallel_loop3A_512 : i32 to index
        %parallel_loop3A_573 = tpu.vector_load %arg6[%parallel_loop3A_570, %parallel_loop3A_571, %parallel_loop3A_572] {strides = array<i32>} : memref<2x16x1024xf32, #tpu.memory_space<vmem>>, vector<1x1x16xf32>,
        %parallel_loop3A_574 = vector.shape_cast %parallel_loop3A_573 : vector<1x1x16xf32> to vector<16xf32>
        %parallel_loop3A_575 = arith.constant 0 : i32
        %parallel_loop3A_576 = arith.constant 4 : i32
        %parallel_loop3A_577 = arith.index_cast %parallel_loop3A_575 : i32 to index
        %parallel_loop3A_578 = arith.index_cast %parallel_loop3A_576 : i32 to index
        %parallel_loop3A_579 = arith.index_cast %parallel_loop3A_512 : i32 to index
        %parallel_loop3A_580 = tpu.vector_load %arg5[%parallel_loop3A_577, %parallel_loop3A_578, %parallel_loop3A_579] {strides = array<i32>} : memref<4x16x1024xf32, #tpu.memory_space<vmem>>, vector<1x1x16xf32>,
        %parallel_loop3A_581 = vector.shape_cast %parallel_loop3A_580 : vector<1x1x16xf32> to vector<16xf32>
        %parallel_loop3A_582 = vector.shape_cast %parallel_loop3A_574 : vector<16xf32> to vector<1x1x16xf32>
        tpu.vector_store %arg5[%parallel_loop3A_577, %parallel_loop3A_578, %parallel_loop3A_579], %parallel_loop3A_582 {add = true, strides = array<i32>} : memref<4x16x1024xf32, #tpu.memory_space<vmem>>, vector<1x1x16xf32>,
        %parallel_loop3A_583 = arith.constant 5 : i32
        %parallel_loop3A_584 = arith.index_cast %rem3A_148 : i32 to index
        %parallel_loop3A_585 = arith.index_cast %parallel_loop3A_583 : i32 to index
        %parallel_loop3A_586 = arith.index_cast %parallel_loop3A_512 : i32 to index
        %parallel_loop3A_587 = tpu.vector_load %arg6[%parallel_loop3A_584, %parallel_loop3A_585, %parallel_loop3A_586] {strides = array<i32>} : memref<2x16x1024xf32, #tpu.memory_space<vmem>>, vector<1x1x16xf32>,
        %parallel_loop3A_588 = vector.shape_cast %parallel_loop3A_587 : vector<1x1x16xf32> to vector<16xf32>
        %parallel_loop3A_589 = arith.constant 0 : i32
        %parallel_loop3A_590 = arith.constant 5 : i32
        %parallel_loop3A_591 = arith.index_cast %parallel_loop3A_589 : i32 to index
        %parallel_loop3A_592 = arith.index_cast %parallel_loop3A_590 : i32 to index
        %parallel_loop3A_593 = arith.index_cast %parallel_loop3A_512 : i32 to index
        %parallel_loop3A_594 = tpu.vector_load %arg5[%parallel_loop3A_591, %parallel_loop3A_592, %parallel_loop3A_593] {strides = array<i32>} : memref<4x16x1024xf32, #tpu.memory_space<vmem>>, vector<1x1x16xf32>,
        %parallel_loop3A_595 = vector.shape_cast %parallel_loop3A_594 : vector<1x1x16xf32> to vector<16xf32>
        %parallel_loop3A_596 = vector.shape_cast %parallel_loop3A_588 : vector<16xf32> to vector<1x1x16xf32>
        tpu.vector_store %arg5[%parallel_loop3A_591, %parallel_loop3A_592, %parallel_loop3A_593], %parallel_loop3A_596 {add = true, strides = array<i32>} : memref<4x16x1024xf32, #tpu.memory_space<vmem>>, vector<1x1x16xf32>,
        %parallel_loop3A_597 = arith.constant 6 : i32
        %parallel_loop3A_598 = arith.index_cast %rem3A_148 : i32 to index
        %parallel_loop3A_599 = arith.index_cast %parallel_loop3A_597 : i32 to index
        %parallel_loop3A_600 = arith.index_cast %parallel_loop3A_512 : i32 to index
        %parallel_loop3A_601 = tpu.vector_load %arg6[%parallel_loop3A_598, %parallel_loop3A_599, %parallel_loop3A_600] {strides = array<i32>} : memref<2x16x1024xf32, #tpu.memory_space<vmem>>, vector<1x1x16xf32>,
        %parallel_loop3A_602 = vector.shape_cast %parallel_loop3A_601 : vector<1x1x16xf32> to vector<16xf32>
        %parallel_loop3A_603 = arith.constant 0 : i32
        %parallel_loop3A_604 = arith.constant 6 : i32
        %parallel_loop3A_605 = arith.index_cast %parallel_loop3A_603 : i32 to index
        %parallel_loop3A_606 = arith.index_cast %parallel_loop3A_604 : i32 to index
        %parallel_loop3A_607 = arith.index_cast %parallel_loop3A_512 : i32 to index
        %parallel_loop3A_608 = tpu.vector_load %arg5[%parallel_loop3A_605, %parallel_loop3A_606, %parallel_loop3A_607] {strides = array<i32>} : memref<4x16x1024xf32, #tpu.memory_space<vmem>>, vector<1x1x16xf32>,
        %parallel_loop3A_609 = vector.shape_cast %parallel_loop3A_608 : vector<1x1x16xf32> to vector<16xf32>
        %parallel_loop3A_610 = vector.shape_cast %parallel_loop3A_602 : vector<16xf32> to vector<1x1x16xf32>
        tpu.vector_store %arg5[%parallel_loop3A_605, %parallel_loop3A_606, %parallel_loop3A_607], %parallel_loop3A_610 {add = true, strides = array<i32>} : memref<4x16x1024xf32, #tpu.memory_space<vmem>>, vector<1x1x16xf32>,
        %parallel_loop3A_611 = arith.constant 7 : i32
        %parallel_loop3A_612 = arith.index_cast %rem3A_148 : i32 to index
        %parallel_loop3A_613 = arith.index_cast %parallel_loop3A_611 : i32 to index
        %parallel_loop3A_614 = arith.index_cast %parallel_loop3A_512 : i32 to index
        %parallel_loop3A_615 = tpu.vector_load %arg6[%parallel_loop3A_612, %parallel_loop3A_613, %parallel_loop3A_614] {strides = array<i32>} : memref<2x16x1024xf32, #tpu.memory_space<vmem>>, vector<1x1x16xf32>,
        %parallel_loop3A_616 = vector.shape_cast %parallel_loop3A_615 : vector<1x1x16xf32> to vector<16xf32>
        %parallel_loop3A_617 = arith.constant 0 : i32
        %parallel_loop3A_618 = arith.constant 7 : i32
        %parallel_loop3A_619 = arith.index_cast %parallel_loop3A_617 : i32 to index
        %parallel_loop3A_620 = arith.index_cast %parallel_loop3A_618 : i32 to index
        %parallel_loop3A_621 = arith.index_cast %parallel_loop3A_512 : i32 to index
        %parallel_loop3A_622 = tpu.vector_load %arg5[%parallel_loop3A_619, %parallel_loop3A_620, %parallel_loop3A_621] {strides = array<i32>} : memref<4x16x1024xf32, #tpu.memory_space<vmem>>, vector<1x1x16xf32>,
        %parallel_loop3A_623 = vector.shape_cast %parallel_loop3A_622 : vector<1x1x16xf32> to vector<16xf32>
        %parallel_loop3A_624 = vector.shape_cast %parallel_loop3A_616 : vector<16xf32> to vector<1x1x16xf32>
        tpu.vector_store %arg5[%parallel_loop3A_619, %parallel_loop3A_620, %parallel_loop3A_621], %parallel_loop3A_624 {add = true, strides = array<i32>} : memref<4x16x1024xf32, #tpu.memory_space<vmem>>, vector<1x1x16xf32>,
      } {sc.loop_unroll_factor = 1 : i64, sc.parallel_access}
      %add3A_191 = arith.constant 0 : i32
      %add3A_192 = arith.addi %add3A_191, %mul3A_2 : i32
      %mul3A_193 = arith.constant 16 : i32
      %mul3A_194 = arith.muli %scan3A_147, %mul3A_193 : i32
      %add3A_195 = arith.addi %add3A_192, %mul3A_194 : i32
      %add3A_196 = arith.constant 0 : i32
      %add3A_197 = arith.addi %add3A_195, %add3A_196 : i32
      %dma_start3A_198 = arith.constant 0 : i32
      %dma_start3A_199 = arith.constant 0 : i32
      %dma_start3A_200 = arith.constant 0 : i32
      %dma_start3A_201 = tpu.memref_slice %arg5[%dma_start3A_198, %dma_start3A_199, %dma_start3A_200] : memref<4x16x1024xf32, #tpu.memory_space<vmem>> -> memref<1x8x1024xf32, #tpu.memory_space<vmem>>
      %dma_start3A_202 = tpu.memref_squeeze %dma_start3A_201 : memref<1x8x1024xf32, #tpu.memory_space<vmem>> -> memref<8x1024xf32, #tpu.memory_space<vmem>>
      %dma_start3A_203 = arith.constant 0 : i32
      %dma_start3A_204 = tpu.memref_slice %arg4[%add3A_197, %dma_start3A_203] : memref<32768x1024xf32, #tpu.memory_space<hbm>> -> memref<8x1024xf32, #tpu.memory_space<hbm>>
      %dma_start3A_205 = arith.constant 0 : i32
      %dma_start3A_206 = tpu.memref_slice %arg4[%add3A_197, %dma_start3A_205] : memref<32768x1024xf32, #tpu.memory_space<hbm>> -> memref<8x1024xf32, #tpu.memory_space<hbm>>
      %dma_start3A_207 = arith.constant 0 : i32
      %dma_start3A_208 = arith.constant 0 : i32
      %dma_start3A_209 = tpu.memref_slice %arg5[%dma_start3A_198, %dma_start3A_207, %dma_start3A_208] : memref<4x16x1024xf32, #tpu.memory_space<vmem>> -> memref<1x8x1024xf32, #tpu.memory_space<vmem>>
      %dma_start3A_210 = tpu.memref_squeeze %dma_start3A_209 : memref<1x8x1024xf32, #tpu.memory_space<vmem>> -> memref<8x1024xf32, #tpu.memory_space<vmem>>
      tpu.enqueue_dma source(%dma_start3A_210 : memref<8x1024xf32, #tpu.memory_space<vmem>>) target(%dma_start3A_206 : memref<8x1024xf32, #tpu.memory_space<hbm>>) target_semaphore(%arg11 : memref<!tpu.dma_semaphore, #tpu.memory_space<semaphore_mem>>)
      %parallel_loop3A_211 = arith.constant 0 : i32
      %parallel_loop3A_212 = arith.constant 64 : i32
      %parallel_loop3A_213 = arith.constant 1 : i32
      scf.for %parallel_loop3A_510 = %parallel_loop3A_211 to %parallel_loop3A_212 step %parallel_loop3A_213  : i32 {
        %parallel_loop3A_511 = arith.constant 16 : i32
        %parallel_loop3A_512 = arith.muli %parallel_loop3A_510, %parallel_loop3A_511 : i32
        %parallel_loop3A_513 = arith.constant 8 : i32
        %parallel_loop3A_514 = arith.index_cast %rem3A_148 : i32 to index
        %parallel_loop3A_515 = arith.index_cast %parallel_loop3A_513 : i32 to index
        %parallel_loop3A_516 = arith.index_cast %parallel_loop3A_512 : i32 to index
        %parallel_loop3A_517 = tpu.vector_load %arg6[%parallel_loop3A_514, %parallel_loop3A_515, %parallel_loop3A_516] {strides = array<i32>} : memref<2x16x1024xf32, #tpu.memory_space<vmem>>, vector<1x1x16xf32>,
        %parallel_loop3A_518 = vector.shape_cast %parallel_loop3A_517 : vector<1x1x16xf32> to vector<16xf32>
        %parallel_loop3A_519 = arith.constant 0 : i32
        %parallel_loop3A_520 = arith.constant 8 : i32
        %parallel_loop3A_521 = arith.index_cast %parallel_loop3A_519 : i32 to index
        %parallel_loop3A_522 = arith.index_cast %parallel_loop3A_520 : i32 to index
        %parallel_loop3A_523 = arith.index_cast %parallel_loop3A_512 : i32 to index
        %parallel_loop3A_524 = tpu.vector_load %arg5[%parallel_loop3A_521, %parallel_loop3A_522, %parallel_loop3A_523] {strides = array<i32>} : memref<4x16x1024xf32, #tpu.memory_space<vmem>>, vector<1x1x16xf32>,
        %parallel_loop3A_525 = vector.shape_cast %parallel_loop3A_524 : vector<1x1x16xf32> to vector<16xf32>
        %parallel_loop3A_526 = vector.shape_cast %parallel_loop3A_518 : vector<16xf32> to vector<1x1x16xf32>
        tpu.vector_store %arg5[%parallel_loop3A_521, %parallel_loop3A_522, %parallel_loop3A_523], %parallel_loop3A_526 {add = true, strides = array<i32>} : memref<4x16x1024xf32, #tpu.memory_space<vmem>>, vector<1x1x16xf32>,
        %parallel_loop3A_527 = arith.constant 9 : i32
        %parallel_loop3A_528 = arith.index_cast %rem3A_148 : i32 to index
        %parallel_loop3A_529 = arith.index_cast %parallel_loop3A_527 : i32 to index
        %parallel_loop3A_530 = arith.index_cast %parallel_loop3A_512 : i32 to index
        %parallel_loop3A_531 = tpu.vector_load %arg6[%parallel_loop3A_528, %parallel_loop3A_529, %parallel_loop3A_530] {strides = array<i32>} : memref<2x16x1024xf32, #tpu.memory_space<vmem>>, vector<1x1x16xf32>,
        %parallel_loop3A_532 = vector.shape_cast %parallel_loop3A_531 : vector<1x1x16xf32> to vector<16xf32>
        %parallel_loop3A_533 = arith.constant 0 : i32
        %parallel_loop3A_534 = arith.constant 9 : i32
        %parallel_loop3A_535 = arith.index_cast %parallel_loop3A_533 : i32 to index
        %parallel_loop3A_536 = arith.index_cast %parallel_loop3A_534 : i32 to index
        %parallel_loop3A_537 = arith.index_cast %parallel_loop3A_512 : i32 to index
        %parallel_loop3A_538 = tpu.vector_load %arg5[%parallel_loop3A_535, %parallel_loop3A_536, %parallel_loop3A_537] {strides = array<i32>} : memref<4x16x1024xf32, #tpu.memory_space<vmem>>, vector<1x1x16xf32>,
        %parallel_loop3A_539 = vector.shape_cast %parallel_loop3A_538 : vector<1x1x16xf32> to vector<16xf32>
        %parallel_loop3A_540 = vector.shape_cast %parallel_loop3A_532 : vector<16xf32> to vector<1x1x16xf32>
        tpu.vector_store %arg5[%parallel_loop3A_535, %parallel_loop3A_536, %parallel_loop3A_537], %parallel_loop3A_540 {add = true, strides = array<i32>} : memref<4x16x1024xf32, #tpu.memory_space<vmem>>, vector<1x1x16xf32>,
        %parallel_loop3A_541 = arith.constant 10 : i32
        %parallel_loop3A_542 = arith.index_cast %rem3A_148 : i32 to index
        %parallel_loop3A_543 = arith.index_cast %parallel_loop3A_541 : i32 to index
        %parallel_loop3A_544 = arith.index_cast %parallel_loop3A_512 : i32 to index
        %parallel_loop3A_545 = tpu.vector_load %arg6[%parallel_loop3A_542, %parallel_loop3A_543, %parallel_loop3A_544] {strides = array<i32>} : memref<2x16x1024xf32, #tpu.memory_space<vmem>>, vector<1x1x16xf32>,
        %parallel_loop3A_546 = vector.shape_cast %parallel_loop3A_545 : vector<1x1x16xf32> to vector<16xf32>
        %parallel_loop3A_547 = arith.constant 0 : i32
        %parallel_loop3A_548 = arith.constant 10 : i32
        %parallel_loop3A_549 = arith.index_cast %parallel_loop3A_547 : i32 to index
        %parallel_loop3A_550 = arith.index_cast %parallel_loop3A_548 : i32 to index
        %parallel_loop3A_551 = arith.index_cast %parallel_loop3A_512 : i32 to index
        %parallel_loop3A_552 = tpu.vector_load %arg5[%parallel_loop3A_549, %parallel_loop3A_550, %parallel_loop3A_551] {strides = array<i32>} : memref<4x16x1024xf32, #tpu.memory_space<vmem>>, vector<1x1x16xf32>,
        %parallel_loop3A_553 = vector.shape_cast %parallel_loop3A_552 : vector<1x1x16xf32> to vector<16xf32>
        %parallel_loop3A_554 = vector.shape_cast %parallel_loop3A_546 : vector<16xf32> to vector<1x1x16xf32>
        tpu.vector_store %arg5[%parallel_loop3A_549, %parallel_loop3A_550, %parallel_loop3A_551], %parallel_loop3A_554 {add = true, strides = array<i32>} : memref<4x16x1024xf32, #tpu.memory_space<vmem>>, vector<1x1x16xf32>,
        %parallel_loop3A_555 = arith.constant 11 : i32
        %parallel_loop3A_556 = arith.index_cast %rem3A_148 : i32 to index
        %parallel_loop3A_557 = arith.index_cast %parallel_loop3A_555 : i32 to index
        %parallel_loop3A_558 = arith.index_cast %parallel_loop3A_512 : i32 to index
        %parallel_loop3A_559 = tpu.vector_load %arg6[%parallel_loop3A_556, %parallel_loop3A_557, %parallel_loop3A_558] {strides = array<i32>} : memref<2x16x1024xf32, #tpu.memory_space<vmem>>, vector<1x1x16xf32>,
        %parallel_loop3A_560 = vector.shape_cast %parallel_loop3A_559 : vector<1x1x16xf32> to vector<16xf32>
        %parallel_loop3A_561 = arith.constant 0 : i32
        %parallel_loop3A_562 = arith.constant 11 : i32
        %parallel_loop3A_563 = arith.index_cast %parallel_loop3A_561 : i32 to index
        %parallel_loop3A_564 = arith.index_cast %parallel_loop3A_562 : i32 to index
        %parallel_loop3A_565 = arith.index_cast %parallel_loop3A_512 : i32 to index
        %parallel_loop3A_566 = tpu.vector_load %arg5[%parallel_loop3A_563, %parallel_loop3A_564, %parallel_loop3A_565] {strides = array<i32>} : memref<4x16x1024xf32, #tpu.memory_space<vmem>>, vector<1x1x16xf32>,
        %parallel_loop3A_567 = vector.shape_cast %parallel_loop3A_566 : vector<1x1x16xf32> to vector<16xf32>
        %parallel_loop3A_568 = vector.shape_cast %parallel_loop3A_560 : vector<16xf32> to vector<1x1x16xf32>
        tpu.vector_store %arg5[%parallel_loop3A_563, %parallel_loop3A_564, %parallel_loop3A_565], %parallel_loop3A_568 {add = true, strides = array<i32>} : memref<4x16x1024xf32, #tpu.memory_space<vmem>>, vector<1x1x16xf32>,
        %parallel_loop3A_569 = arith.constant 12 : i32
        %parallel_loop3A_570 = arith.index_cast %rem3A_148 : i32 to index
        %parallel_loop3A_571 = arith.index_cast %parallel_loop3A_569 : i32 to index
        %parallel_loop3A_572 = arith.index_cast %parallel_loop3A_512 : i32 to index
        %parallel_loop3A_573 = tpu.vector_load %arg6[%parallel_loop3A_570, %parallel_loop3A_571, %parallel_loop3A_572] {strides = array<i32>} : memref<2x16x1024xf32, #tpu.memory_space<vmem>>, vector<1x1x16xf32>,
        %parallel_loop3A_574 = vector.shape_cast %parallel_loop3A_573 : vector<1x1x16xf32> to vector<16xf32>
        %parallel_loop3A_575 = arith.constant 0 : i32
        %parallel_loop3A_576 = arith.constant 12 : i32
        %parallel_loop3A_577 = arith.index_cast %parallel_loop3A_575 : i32 to index
        %parallel_loop3A_578 = arith.index_cast %parallel_loop3A_576 : i32 to index
        %parallel_loop3A_579 = arith.index_cast %parallel_loop3A_512 : i32 to index
        %parallel_loop3A_580 = tpu.vector_load %arg5[%parallel_loop3A_577, %parallel_loop3A_578, %parallel_loop3A_579] {strides = array<i32>} : memref<4x16x1024xf32, #tpu.memory_space<vmem>>, vector<1x1x16xf32>,
        %parallel_loop3A_581 = vector.shape_cast %parallel_loop3A_580 : vector<1x1x16xf32> to vector<16xf32>
        %parallel_loop3A_582 = vector.shape_cast %parallel_loop3A_574 : vector<16xf32> to vector<1x1x16xf32>
        tpu.vector_store %arg5[%parallel_loop3A_577, %parallel_loop3A_578, %parallel_loop3A_579], %parallel_loop3A_582 {add = true, strides = array<i32>} : memref<4x16x1024xf32, #tpu.memory_space<vmem>>, vector<1x1x16xf32>,
        %parallel_loop3A_583 = arith.constant 13 : i32
        %parallel_loop3A_584 = arith.index_cast %rem3A_148 : i32 to index
        %parallel_loop3A_585 = arith.index_cast %parallel_loop3A_583 : i32 to index
        %parallel_loop3A_586 = arith.index_cast %parallel_loop3A_512 : i32 to index
        %parallel_loop3A_587 = tpu.vector_load %arg6[%parallel_loop3A_584, %parallel_loop3A_585, %parallel_loop3A_586] {strides = array<i32>} : memref<2x16x1024xf32, #tpu.memory_space<vmem>>, vector<1x1x16xf32>,
        %parallel_loop3A_588 = vector.shape_cast %parallel_loop3A_587 : vector<1x1x16xf32> to vector<16xf32>
        %parallel_loop3A_589 = arith.constant 0 : i32
        %parallel_loop3A_590 = arith.constant 13 : i32
        %parallel_loop3A_591 = arith.index_cast %parallel_loop3A_589 : i32 to index
        %parallel_loop3A_592 = arith.index_cast %parallel_loop3A_590 : i32 to index
        %parallel_loop3A_593 = arith.index_cast %parallel_loop3A_512 : i32 to index
        %parallel_loop3A_594 = tpu.vector_load %arg5[%parallel_loop3A_591, %parallel_loop3A_592, %parallel_loop3A_593] {strides = array<i32>} : memref<4x16x1024xf32, #tpu.memory_space<vmem>>, vector<1x1x16xf32>,
        %parallel_loop3A_595 = vector.shape_cast %parallel_loop3A_594 : vector<1x1x16xf32> to vector<16xf32>
        %parallel_loop3A_596 = vector.shape_cast %parallel_loop3A_588 : vector<16xf32> to vector<1x1x16xf32>
        tpu.vector_store %arg5[%parallel_loop3A_591, %parallel_loop3A_592, %parallel_loop3A_593], %parallel_loop3A_596 {add = true, strides = array<i32>} : memref<4x16x1024xf32, #tpu.memory_space<vmem>>, vector<1x1x16xf32>,
        %parallel_loop3A_597 = arith.constant 14 : i32
        %parallel_loop3A_598 = arith.index_cast %rem3A_148 : i32 to index
        %parallel_loop3A_599 = arith.index_cast %parallel_loop3A_597 : i32 to index
        %parallel_loop3A_600 = arith.index_cast %parallel_loop3A_512 : i32 to index
        %parallel_loop3A_601 = tpu.vector_load %arg6[%parallel_loop3A_598, %parallel_loop3A_599, %parallel_loop3A_600] {strides = array<i32>} : memref<2x16x1024xf32, #tpu.memory_space<vmem>>, vector<1x1x16xf32>,
        %parallel_loop3A_602 = vector.shape_cast %parallel_loop3A_601 : vector<1x1x16xf32> to vector<16xf32>
        %parallel_loop3A_603 = arith.constant 0 : i32
        %parallel_loop3A_604 = arith.constant 14 : i32
        %parallel_loop3A_605 = arith.index_cast %parallel_loop3A_603 : i32 to index
        %parallel_loop3A_606 = arith.index_cast %parallel_loop3A_604 : i32 to index
        %parallel_loop3A_607 = arith.index_cast %parallel_loop3A_512 : i32 to index
        %parallel_loop3A_608 = tpu.vector_load %arg5[%parallel_loop3A_605, %parallel_loop3A_606, %parallel_loop3A_607] {strides = array<i32>} : memref<4x16x1024xf32, #tpu.memory_space<vmem>>, vector<1x1x16xf32>,
        %parallel_loop3A_609 = vector.shape_cast %parallel_loop3A_608 : vector<1x1x16xf32> to vector<16xf32>
        %parallel_loop3A_610 = vector.shape_cast %parallel_loop3A_602 : vector<16xf32> to vector<1x1x16xf32>
        tpu.vector_store %arg5[%parallel_loop3A_605, %parallel_loop3A_606, %parallel_loop3A_607], %parallel_loop3A_610 {add = true, strides = array<i32>} : memref<4x16x1024xf32, #tpu.memory_space<vmem>>, vector<1x1x16xf32>,
        %parallel_loop3A_611 = arith.constant 15 : i32
        %parallel_loop3A_612 = arith.index_cast %rem3A_148 : i32 to index
        %parallel_loop3A_613 = arith.index_cast %parallel_loop3A_611 : i32 to index
        %parallel_loop3A_614 = arith.index_cast %parallel_loop3A_512 : i32 to index
        %parallel_loop3A_615 = tpu.vector_load %arg6[%parallel_loop3A_612, %parallel_loop3A_613, %parallel_loop3A_614] {strides = array<i32>} : memref<2x16x1024xf32, #tpu.memory_space<vmem>>, vector<1x1x16xf32>,
        %parallel_loop3A_616 = vector.shape_cast %parallel_loop3A_615 : vector<1x1x16xf32> to vector<16xf32>
        %parallel_loop3A_617 = arith.constant 0 : i32
        %parallel_loop3A_618 = arith.constant 15 : i32
        %parallel_loop3A_619 = arith.index_cast %parallel_loop3A_617 : i32 to index
        %parallel_loop3A_620 = arith.index_cast %parallel_loop3A_618 : i32 to index
        %parallel_loop3A_621 = arith.index_cast %parallel_loop3A_512 : i32 to index
        %parallel_loop3A_622 = tpu.vector_load %arg5[%parallel_loop3A_619, %parallel_loop3A_620, %parallel_loop3A_621] {strides = array<i32>} : memref<4x16x1024xf32, #tpu.memory_space<vmem>>, vector<1x1x16xf32>,
        %parallel_loop3A_623 = vector.shape_cast %parallel_loop3A_622 : vector<1x1x16xf32> to vector<16xf32>
        %parallel_loop3A_624 = vector.shape_cast %parallel_loop3A_616 : vector<16xf32> to vector<1x1x16xf32>
        tpu.vector_store %arg5[%parallel_loop3A_619, %parallel_loop3A_620, %parallel_loop3A_621], %parallel_loop3A_624 {add = true, strides = array<i32>} : memref<4x16x1024xf32, #tpu.memory_space<vmem>>, vector<1x1x16xf32>,
      } {sc.loop_unroll_factor = 1 : i64, sc.parallel_access}
      %add3A_214 = arith.constant 0 : i32
      %add3A_215 = arith.addi %add3A_214, %mul3A_2 : i32
      %mul3A_216 = arith.constant 16 : i32
      %mul3A_217 = arith.muli %scan3A_147, %mul3A_216 : i32
      %add3A_218 = arith.addi %add3A_215, %mul3A_217 : i32
      %add3A_219 = arith.constant 8 : i32
      %add3A_220 = arith.addi %add3A_218, %add3A_219 : i32
      %dma_start3A_221 = arith.constant 0 : i32
      %dma_start3A_222 = arith.constant 8 : i32
      %dma_start3A_223 = arith.constant 0 : i32
      %dma_start3A_224 = tpu.memref_slice %arg5[%dma_start3A_221, %dma_start3A_222, %dma_start3A_223] : memref<4x16x1024xf32, #tpu.memory_space<vmem>> -> memref<1x8x1024xf32, #tpu.memory_space<vmem>>
      %dma_start3A_225 = tpu.memref_squeeze %dma_start3A_224 : memref<1x8x1024xf32, #tpu.memory_space<vmem>> -> memref<8x1024xf32, #tpu.memory_space<vmem>>
      %dma_start3A_226 = arith.constant 0 : i32
      %dma_start3A_227 = tpu.memref_slice %arg4[%add3A_220, %dma_start3A_226] : memref<32768x1024xf32, #tpu.memory_space<hbm>> -> memref<8x1024xf32, #tpu.memory_space<hbm>>
      %dma_start3A_228 = arith.constant 0 : i32
      %dma_start3A_229 = tpu.memref_slice %arg4[%add3A_220, %dma_start3A_228] : memref<32768x1024xf32, #tpu.memory_space<hbm>> -> memref<8x1024xf32, #tpu.memory_space<hbm>>
      %dma_start3A_230 = arith.constant 8 : i32
      %dma_start3A_231 = arith.constant 0 : i32
      %dma_start3A_232 = tpu.memref_slice %arg5[%dma_start3A_221, %dma_start3A_230, %dma_start3A_231] : memref<4x16x1024xf32, #tpu.memory_space<vmem>> -> memref<1x8x1024xf32, #tpu.memory_space<vmem>>
      %dma_start3A_233 = tpu.memref_squeeze %dma_start3A_232 : memref<1x8x1024xf32, #tpu.memory_space<vmem>> -> memref<8x1024xf32, #tpu.memory_space<vmem>>
      tpu.enqueue_dma source(%dma_start3A_233 : memref<8x1024xf32, #tpu.memory_space<vmem>>) target(%dma_start3A_229 : memref<8x1024xf32, #tpu.memory_space<hbm>>) target_semaphore(%arg11 : memref<!tpu.dma_semaphore, #tpu.memory_space<semaphore_mem>>)
      %ge3A_234 = arith.constant 1 : i32
      %ge3A_235 = arith.cmpi sge, %scan3A_147, %ge3A_234 : i32
      %convert_element_type3A_236 = arith.extui %ge3A_235 : i1 to i32
      %cond3A_237 = arith.constant 0 : i32
      %cond3A_238 = arith.cmpi ne, %convert_element_type3A_236, %cond3A_237 : i32
      scf.if %cond3A_238 {
        %dma_wait3A_510 = arith.constant 3 : i32
        %dma_wait3A_511 = arith.constant 0 : i32
        %dma_wait3A_512 = arith.constant 0 : i32
        %dma_wait3A_513 = tpu.memref_slice %arg5[%dma_wait3A_510, %dma_wait3A_511, %dma_wait3A_512] : memref<4x16x1024xf32, #tpu.memory_space<vmem>> -> memref<1x8x1024xf32, #tpu.memory_space<vmem>>
        %dma_wait3A_514 = tpu.memref_squeeze %dma_wait3A_513 : memref<1x8x1024xf32, #tpu.memory_space<vmem>> -> memref<8x1024xf32, #tpu.memory_space<vmem>>
        %dma_wait3A_515 = arith.constant 0 : i32
        %dma_wait3A_516 = arith.constant 0 : i32
        %dma_wait3A_517 = tpu.memref_slice %arg4[%dma_wait3A_515, %dma_wait3A_516] : memref<32768x1024xf32, #tpu.memory_space<hbm>> -> memref<8x1024xf32, #tpu.memory_space<hbm>>
        %dma_wait3A_518 = arith.constant 0 : i32
        %dma_wait3A_519 = arith.constant 0 : i32
        %dma_wait3A_520 = tpu.memref_slice %arg4[%dma_wait3A_518, %dma_wait3A_519] : memref<32768x1024xf32, #tpu.memory_space<hbm>> -> memref<8x1024xf32, #tpu.memory_space<hbm>>
        %dma_wait3A_521 = arith.constant 0 : i32
        %dma_wait3A_522 = arith.constant 0 : i32
        %dma_wait3A_523 = tpu.memref_slice %arg5[%dma_wait3A_510, %dma_wait3A_521, %dma_wait3A_522] : memref<4x16x1024xf32, #tpu.memory_space<vmem>> -> memref<1x8x1024xf32, #tpu.memory_space<vmem>>
        %dma_wait3A_524 = tpu.memref_squeeze %dma_wait3A_523 : memref<1x8x1024xf32, #tpu.memory_space<vmem>> -> memref<8x1024xf32, #tpu.memory_space<vmem>>
        tpu.wait_dma2 semaphore(%arg14 : memref<!tpu.dma_semaphore, #tpu.memory_space<semaphore_mem>>) src(%dma_wait3A_524 : memref<8x1024xf32, #tpu.memory_space<vmem>>) dst(%dma_wait3A_520 : memref<8x1024xf32, #tpu.memory_space<hbm>>)
        %dma_wait3A_525 = arith.constant 3 : i32
        %dma_wait3A_526 = arith.constant 8 : i32
        %dma_wait3A_527 = arith.constant 0 : i32
        %dma_wait3A_528 = tpu.memref_slice %arg5[%dma_wait3A_525, %dma_wait3A_526, %dma_wait3A_527] : memref<4x16x1024xf32, #tpu.memory_space<vmem>> -> memref<1x8x1024xf32, #tpu.memory_space<vmem>>
        %dma_wait3A_529 = tpu.memref_squeeze %dma_wait3A_528 : memref<1x8x1024xf32, #tpu.memory_space<vmem>> -> memref<8x1024xf32, #tpu.memory_space<vmem>>
        %dma_wait3A_530 = arith.constant 0 : i32
        %dma_wait3A_531 = arith.constant 0 : i32
        %dma_wait3A_532 = tpu.memref_slice %arg4[%dma_wait3A_530, %dma_wait3A_531] : memref<32768x1024xf32, #tpu.memory_space<hbm>> -> memref<8x1024xf32, #tpu.memory_space<hbm>>
        %dma_wait3A_533 = arith.constant 0 : i32
        %dma_wait3A_534 = arith.constant 0 : i32
        %dma_wait3A_535 = tpu.memref_slice %arg4[%dma_wait3A_533, %dma_wait3A_534] : memref<32768x1024xf32, #tpu.memory_space<hbm>> -> memref<8x1024xf32, #tpu.memory_space<hbm>>
        %dma_wait3A_536 = arith.constant 8 : i32
        %dma_wait3A_537 = arith.constant 0 : i32
        %dma_wait3A_538 = tpu.memref_slice %arg5[%dma_wait3A_525, %dma_wait3A_536, %dma_wait3A_537] : memref<4x16x1024xf32, #tpu.memory_space<vmem>> -> memref<1x8x1024xf32, #tpu.memory_space<vmem>>
        %dma_wait3A_539 = tpu.memref_squeeze %dma_wait3A_538 : memref<1x8x1024xf32, #tpu.memory_space<vmem>> -> memref<8x1024xf32, #tpu.memory_space<vmem>>
        tpu.wait_dma2 semaphore(%arg14 : memref<!tpu.dma_semaphore, #tpu.memory_space<semaphore_mem>>) src(%dma_wait3A_539 : memref<8x1024xf32, #tpu.memory_space<vmem>>) dst(%dma_wait3A_535 : memref<8x1024xf32, #tpu.memory_space<hbm>>)
      } else {
      }
      %add3A_239 = arith.constant 24576 : i32
      %add3A_240 = arith.addi %add3A_239, %mul3A_2 : i32
      %mul3A_241 = arith.constant 16 : i32
      %mul3A_242 = arith.muli %scan3A_147, %mul3A_241 : i32
      %add3A_243 = arith.addi %add3A_240, %mul3A_242 : i32
      %dma_start3A_244 = arith.constant 3 : i32
      %dma_start3A_245 = arith.constant 0 : i32
      %dma_start3A_246 = arith.constant 0 : i32
      %dma_start3A_247 = tpu.memref_slice %arg5[%dma_start3A_244, %dma_start3A_245, %dma_start3A_246] : memref<4x16x1024xf32, #tpu.memory_space<vmem>> -> memref<1x16x1024xf32, #tpu.memory_space<vmem>>
      %dma_start3A_248 = tpu.memref_squeeze %dma_start3A_247 : memref<1x16x1024xf32, #tpu.memory_space<vmem>> -> memref<16x1024xf32, #tpu.memory_space<vmem>>
      %dma_start3A_249 = arith.constant 0 : i32
      %dma_start3A_250 = tpu.memref_slice %arg2[%add3A_243, %dma_start3A_249] : memref<32768x1024xf32, #tpu.memory_space<hbm>> -> memref<16x1024xf32, #tpu.memory_space<hbm>>
      %dma_start3A_251 = arith.constant 0 : i32
      %dma_start3A_252 = arith.constant 0 : i32
      %dma_start3A_253 = tpu.memref_slice %arg5[%dma_start3A_244, %dma_start3A_251, %dma_start3A_252] : memref<4x16x1024xf32, #tpu.memory_space<vmem>> -> memref<1x16x1024xf32, #tpu.memory_space<vmem>>
      %dma_start3A_254 = tpu.memref_squeeze %dma_start3A_253 : memref<1x16x1024xf32, #tpu.memory_space<vmem>> -> memref<16x1024xf32, #tpu.memory_space<vmem>>
      %dma_start3A_255 = arith.constant 0 : i32
      %dma_start3A_256 = tpu.memref_slice %arg2[%add3A_243, %dma_start3A_255] : memref<32768x1024xf32, #tpu.memory_space<hbm>> -> memref<16x1024xf32, #tpu.memory_space<hbm>>
      tpu.enqueue_dma source(%dma_start3A_256 : memref<16x1024xf32, #tpu.memory_space<hbm>>) target(%dma_start3A_254 : memref<16x1024xf32, #tpu.memory_space<vmem>>) target_semaphore(%arg10 : memref<!tpu.dma_semaphore, #tpu.memory_space<semaphore_mem>>)
      %dma_wait3A_257 = arith.constant 1 : i32
      %dma_wait3A_258 = arith.constant 0 : i32
      %dma_wait3A_259 = arith.constant 0 : i32
      %dma_wait3A_260 = tpu.memref_slice %arg5[%dma_wait3A_257, %dma_wait3A_258, %dma_wait3A_259] : memref<4x16x1024xf32, #tpu.memory_space<vmem>> -> memref<1x16x1024xf32, #tpu.memory_space<vmem>>
      %dma_wait3A_261 = tpu.memref_squeeze %dma_wait3A_260 : memref<1x16x1024xf32, #tpu.memory_space<vmem>> -> memref<16x1024xf32, #tpu.memory_space<vmem>>
      %dma_wait3A_262 = arith.constant 0 : i32
      %dma_wait3A_263 = arith.constant 0 : i32
      %dma_wait3A_264 = tpu.memref_slice %arg2[%dma_wait3A_262, %dma_wait3A_263] : memref<32768x1024xf32, #tpu.memory_space<hbm>> -> memref<16x1024xf32, #tpu.memory_space<hbm>>
      %dma_wait3A_265 = arith.constant 0 : i32
      %dma_wait3A_266 = arith.constant 0 : i32
      %dma_wait3A_267 = tpu.memref_slice %arg5[%dma_wait3A_257, %dma_wait3A_265, %dma_wait3A_266] : memref<4x16x1024xf32, #tpu.memory_space<vmem>> -> memref<1x16x1024xf32, #tpu.memory_space<vmem>>
      %dma_wait3A_268 = tpu.memref_squeeze %dma_wait3A_267 : memref<1x16x1024xf32, #tpu.memory_space<vmem>> -> memref<16x1024xf32, #tpu.memory_space<vmem>>
      %dma_wait3A_269 = arith.constant 0 : i32
      %dma_wait3A_270 = arith.constant 0 : i32
      %dma_wait3A_271 = tpu.memref_slice %arg2[%dma_wait3A_269, %dma_wait3A_270] : memref<32768x1024xf32, #tpu.memory_space<hbm>> -> memref<16x1024xf32, #tpu.memory_space<hbm>>
      tpu.wait_dma2 semaphore(%arg8 : memref<!tpu.dma_semaphore, #tpu.memory_space<semaphore_mem>>) src(%dma_wait3A_271 : memref<16x1024xf32, #tpu.memory_space<hbm>>) dst(%dma_wait3A_268 : memref<16x1024xf32, #tpu.memory_space<vmem>>)
      %parallel_loop3A_272 = arith.constant 0 : i32
      %parallel_loop3A_273 = arith.constant 64 : i32
      %parallel_loop3A_274 = arith.constant 1 : i32
      scf.for %parallel_loop3A_510 = %parallel_loop3A_272 to %parallel_loop3A_273 step %parallel_loop3A_274  : i32 {
        %parallel_loop3A_511 = arith.constant 16 : i32
        %parallel_loop3A_512 = arith.muli %parallel_loop3A_510, %parallel_loop3A_511 : i32
        %parallel_loop3A_513 = arith.constant 0 : i32
        %parallel_loop3A_514 = arith.index_cast %rem3A_148 : i32 to index
        %parallel_loop3A_515 = arith.index_cast %parallel_loop3A_513 : i32 to index
        %parallel_loop3A_516 = arith.index_cast %parallel_loop3A_512 : i32 to index
        %parallel_loop3A_517 = tpu.vector_load %arg6[%parallel_loop3A_514, %parallel_loop3A_515, %parallel_loop3A_516] {strides = array<i32>} : memref<2x16x1024xf32, #tpu.memory_space<vmem>>, vector<1x1x16xf32>,
        %parallel_loop3A_518 = vector.shape_cast %parallel_loop3A_517 : vector<1x1x16xf32> to vector<16xf32>
        %parallel_loop3A_519 = arith.constant 1 : i32
        %parallel_loop3A_520 = arith.constant 0 : i32
        %parallel_loop3A_521 = arith.index_cast %parallel_loop3A_519 : i32 to index
        %parallel_loop3A_522 = arith.index_cast %parallel_loop3A_520 : i32 to index
        %parallel_loop3A_523 = arith.index_cast %parallel_loop3A_512 : i32 to index
        %parallel_loop3A_524 = tpu.vector_load %arg5[%parallel_loop3A_521, %parallel_loop3A_522, %parallel_loop3A_523] {strides = array<i32>} : memref<4x16x1024xf32, #tpu.memory_space<vmem>>, vector<1x1x16xf32>,
        %parallel_loop3A_525 = vector.shape_cast %parallel_loop3A_524 : vector<1x1x16xf32> to vector<16xf32>
        %parallel_loop3A_526 = vector.shape_cast %parallel_loop3A_518 : vector<16xf32> to vector<1x1x16xf32>
        tpu.vector_store %arg5[%parallel_loop3A_521, %parallel_loop3A_522, %parallel_loop3A_523], %parallel_loop3A_526 {add = true, strides = array<i32>} : memref<4x16x1024xf32, #tpu.memory_space<vmem>>, vector<1x1x16xf32>,
        %parallel_loop3A_527 = arith.constant 1 : i32
        %parallel_loop3A_528 = arith.index_cast %rem3A_148 : i32 to index
        %parallel_loop3A_529 = arith.index_cast %parallel_loop3A_527 : i32 to index
        %parallel_loop3A_530 = arith.index_cast %parallel_loop3A_512 : i32 to index
        %parallel_loop3A_531 = tpu.vector_load %arg6[%parallel_loop3A_528, %parallel_loop3A_529, %parallel_loop3A_530] {strides = array<i32>} : memref<2x16x1024xf32, #tpu.memory_space<vmem>>, vector<1x1x16xf32>,
        %parallel_loop3A_532 = vector.shape_cast %parallel_loop3A_531 : vector<1x1x16xf32> to vector<16xf32>
        %parallel_loop3A_533 = arith.constant 1 : i32
        %parallel_loop3A_534 = arith.constant 1 : i32
        %parallel_loop3A_535 = arith.index_cast %parallel_loop3A_533 : i32 to index
        %parallel_loop3A_536 = arith.index_cast %parallel_loop3A_534 : i32 to index
        %parallel_loop3A_537 = arith.index_cast %parallel_loop3A_512 : i32 to index
        %parallel_loop3A_538 = tpu.vector_load %arg5[%parallel_loop3A_535, %parallel_loop3A_536, %parallel_loop3A_537] {strides = array<i32>} : memref<4x16x1024xf32, #tpu.memory_space<vmem>>, vector<1x1x16xf32>,
        %parallel_loop3A_539 = vector.shape_cast %parallel_loop3A_538 : vector<1x1x16xf32> to vector<16xf32>
        %parallel_loop3A_540 = vector.shape_cast %parallel_loop3A_532 : vector<16xf32> to vector<1x1x16xf32>
        tpu.vector_store %arg5[%parallel_loop3A_535, %parallel_loop3A_536, %parallel_loop3A_537], %parallel_loop3A_540 {add = true, strides = array<i32>} : memref<4x16x1024xf32, #tpu.memory_space<vmem>>, vector<1x1x16xf32>,
        %parallel_loop3A_541 = arith.constant 2 : i32
        %parallel_loop3A_542 = arith.index_cast %rem3A_148 : i32 to index
        %parallel_loop3A_543 = arith.index_cast %parallel_loop3A_541 : i32 to index
        %parallel_loop3A_544 = arith.index_cast %parallel_loop3A_512 : i32 to index
        %parallel_loop3A_545 = tpu.vector_load %arg6[%parallel_loop3A_542, %parallel_loop3A_543, %parallel_loop3A_544] {strides = array<i32>} : memref<2x16x1024xf32, #tpu.memory_space<vmem>>, vector<1x1x16xf32>,
        %parallel_loop3A_546 = vector.shape_cast %parallel_loop3A_545 : vector<1x1x16xf32> to vector<16xf32>
        %parallel_loop3A_547 = arith.constant 1 : i32
        %parallel_loop3A_548 = arith.constant 2 : i32
        %parallel_loop3A_549 = arith.index_cast %parallel_loop3A_547 : i32 to index
        %parallel_loop3A_550 = arith.index_cast %parallel_loop3A_548 : i32 to index
        %parallel_loop3A_551 = arith.index_cast %parallel_loop3A_512 : i32 to index
        %parallel_loop3A_552 = tpu.vector_load %arg5[%parallel_loop3A_549, %parallel_loop3A_550, %parallel_loop3A_551] {strides = array<i32>} : memref<4x16x1024xf32, #tpu.memory_space<vmem>>, vector<1x1x16xf32>,
        %parallel_loop3A_553 = vector.shape_cast %parallel_loop3A_552 : vector<1x1x16xf32> to vector<16xf32>
        %parallel_loop3A_554 = vector.shape_cast %parallel_loop3A_546 : vector<16xf32> to vector<1x1x16xf32>
        tpu.vector_store %arg5[%parallel_loop3A_549, %parallel_loop3A_550, %parallel_loop3A_551], %parallel_loop3A_554 {add = true, strides = array<i32>} : memref<4x16x1024xf32, #tpu.memory_space<vmem>>, vector<1x1x16xf32>,
        %parallel_loop3A_555 = arith.constant 3 : i32
        %parallel_loop3A_556 = arith.index_cast %rem3A_148 : i32 to index
        %parallel_loop3A_557 = arith.index_cast %parallel_loop3A_555 : i32 to index
        %parallel_loop3A_558 = arith.index_cast %parallel_loop3A_512 : i32 to index
        %parallel_loop3A_559 = tpu.vector_load %arg6[%parallel_loop3A_556, %parallel_loop3A_557, %parallel_loop3A_558] {strides = array<i32>} : memref<2x16x1024xf32, #tpu.memory_space<vmem>>, vector<1x1x16xf32>,
        %parallel_loop3A_560 = vector.shape_cast %parallel_loop3A_559 : vector<1x1x16xf32> to vector<16xf32>
        %parallel_loop3A_561 = arith.constant 1 : i32
        %parallel_loop3A_562 = arith.constant 3 : i32
        %parallel_loop3A_563 = arith.index_cast %parallel_loop3A_561 : i32 to index
        %parallel_loop3A_564 = arith.index_cast %parallel_loop3A_562 : i32 to index
        %parallel_loop3A_565 = arith.index_cast %parallel_loop3A_512 : i32 to index
        %parallel_loop3A_566 = tpu.vector_load %arg5[%parallel_loop3A_563, %parallel_loop3A_564, %parallel_loop3A_565] {strides = array<i32>} : memref<4x16x1024xf32, #tpu.memory_space<vmem>>, vector<1x1x16xf32>,
        %parallel_loop3A_567 = vector.shape_cast %parallel_loop3A_566 : vector<1x1x16xf32> to vector<16xf32>
        %parallel_loop3A_568 = vector.shape_cast %parallel_loop3A_560 : vector<16xf32> to vector<1x1x16xf32>
        tpu.vector_store %arg5[%parallel_loop3A_563, %parallel_loop3A_564, %parallel_loop3A_565], %parallel_loop3A_568 {add = true, strides = array<i32>} : memref<4x16x1024xf32, #tpu.memory_space<vmem>>, vector<1x1x16xf32>,
        %parallel_loop3A_569 = arith.constant 4 : i32
        %parallel_loop3A_570 = arith.index_cast %rem3A_148 : i32 to index
        %parallel_loop3A_571 = arith.index_cast %parallel_loop3A_569 : i32 to index
        %parallel_loop3A_572 = arith.index_cast %parallel_loop3A_512 : i32 to index
        %parallel_loop3A_573 = tpu.vector_load %arg6[%parallel_loop3A_570, %parallel_loop3A_571, %parallel_loop3A_572] {strides = array<i32>} : memref<2x16x1024xf32, #tpu.memory_space<vmem>>, vector<1x1x16xf32>,
        %parallel_loop3A_574 = vector.shape_cast %parallel_loop3A_573 : vector<1x1x16xf32> to vector<16xf32>
        %parallel_loop3A_575 = arith.constant 1 : i32
        %parallel_loop3A_576 = arith.constant 4 : i32
        %parallel_loop3A_577 = arith.index_cast %parallel_loop3A_575 : i32 to index
        %parallel_loop3A_578 = arith.index_cast %parallel_loop3A_576 : i32 to index
        %parallel_loop3A_579 = arith.index_cast %parallel_loop3A_512 : i32 to index
        %parallel_loop3A_580 = tpu.vector_load %arg5[%parallel_loop3A_577, %parallel_loop3A_578, %parallel_loop3A_579] {strides = array<i32>} : memref<4x16x1024xf32, #tpu.memory_space<vmem>>, vector<1x1x16xf32>,
        %parallel_loop3A_581 = vector.shape_cast %parallel_loop3A_580 : vector<1x1x16xf32> to vector<16xf32>
        %parallel_loop3A_582 = vector.shape_cast %parallel_loop3A_574 : vector<16xf32> to vector<1x1x16xf32>
        tpu.vector_store %arg5[%parallel_loop3A_577, %parallel_loop3A_578, %parallel_loop3A_579], %parallel_loop3A_582 {add = true, strides = array<i32>} : memref<4x16x1024xf32, #tpu.memory_space<vmem>>, vector<1x1x16xf32>,
        %parallel_loop3A_583 = arith.constant 5 : i32
        %parallel_loop3A_584 = arith.index_cast %rem3A_148 : i32 to index
        %parallel_loop3A_585 = arith.index_cast %parallel_loop3A_583 : i32 to index
        %parallel_loop3A_586 = arith.index_cast %parallel_loop3A_512 : i32 to index
        %parallel_loop3A_587 = tpu.vector_load %arg6[%parallel_loop3A_584, %parallel_loop3A_585, %parallel_loop3A_586] {strides = array<i32>} : memref<2x16x1024xf32, #tpu.memory_space<vmem>>, vector<1x1x16xf32>,
        %parallel_loop3A_588 = vector.shape_cast %parallel_loop3A_587 : vector<1x1x16xf32> to vector<16xf32>
        %parallel_loop3A_589 = arith.constant 1 : i32
        %parallel_loop3A_590 = arith.constant 5 : i32
        %parallel_loop3A_591 = arith.index_cast %parallel_loop3A_589 : i32 to index
        %parallel_loop3A_592 = arith.index_cast %parallel_loop3A_590 : i32 to index
        %parallel_loop3A_593 = arith.index_cast %parallel_loop3A_512 : i32 to index
        %parallel_loop3A_594 = tpu.vector_load %arg5[%parallel_loop3A_591, %parallel_loop3A_592, %parallel_loop3A_593] {strides = array<i32>} : memref<4x16x1024xf32, #tpu.memory_space<vmem>>, vector<1x1x16xf32>,
        %parallel_loop3A_595 = vector.shape_cast %parallel_loop3A_594 : vector<1x1x16xf32> to vector<16xf32>
        %parallel_loop3A_596 = vector.shape_cast %parallel_loop3A_588 : vector<16xf32> to vector<1x1x16xf32>
        tpu.vector_store %arg5[%parallel_loop3A_591, %parallel_loop3A_592, %parallel_loop3A_593], %parallel_loop3A_596 {add = true, strides = array<i32>} : memref<4x16x1024xf32, #tpu.memory_space<vmem>>, vector<1x1x16xf32>,
        %parallel_loop3A_597 = arith.constant 6 : i32
        %parallel_loop3A_598 = arith.index_cast %rem3A_148 : i32 to index
        %parallel_loop3A_599 = arith.index_cast %parallel_loop3A_597 : i32 to index
        %parallel_loop3A_600 = arith.index_cast %parallel_loop3A_512 : i32 to index
        %parallel_loop3A_601 = tpu.vector_load %arg6[%parallel_loop3A_598, %parallel_loop3A_599, %parallel_loop3A_600] {strides = array<i32>} : memref<2x16x1024xf32, #tpu.memory_space<vmem>>, vector<1x1x16xf32>,
        %parallel_loop3A_602 = vector.shape_cast %parallel_loop3A_601 : vector<1x1x16xf32> to vector<16xf32>
        %parallel_loop3A_603 = arith.constant 1 : i32
        %parallel_loop3A_604 = arith.constant 6 : i32
        %parallel_loop3A_605 = arith.index_cast %parallel_loop3A_603 : i32 to index
        %parallel_loop3A_606 = arith.index_cast %parallel_loop3A_604 : i32 to index
        %parallel_loop3A_607 = arith.index_cast %parallel_loop3A_512 : i32 to index
        %parallel_loop3A_608 = tpu.vector_load %arg5[%parallel_loop3A_605, %parallel_loop3A_606, %parallel_loop3A_607] {strides = array<i32>} : memref<4x16x1024xf32, #tpu.memory_space<vmem>>, vector<1x1x16xf32>,
        %parallel_loop3A_609 = vector.shape_cast %parallel_loop3A_608 : vector<1x1x16xf32> to vector<16xf32>
        %parallel_loop3A_610 = vector.shape_cast %parallel_loop3A_602 : vector<16xf32> to vector<1x1x16xf32>
        tpu.vector_store %arg5[%parallel_loop3A_605, %parallel_loop3A_606, %parallel_loop3A_607], %parallel_loop3A_610 {add = true, strides = array<i32>} : memref<4x16x1024xf32, #tpu.memory_space<vmem>>, vector<1x1x16xf32>,
        %parallel_loop3A_611 = arith.constant 7 : i32
        %parallel_loop3A_612 = arith.index_cast %rem3A_148 : i32 to index
        %parallel_loop3A_613 = arith.index_cast %parallel_loop3A_611 : i32 to index
        %parallel_loop3A_614 = arith.index_cast %parallel_loop3A_512 : i32 to index
        %parallel_loop3A_615 = tpu.vector_load %arg6[%parallel_loop3A_612, %parallel_loop3A_613, %parallel_loop3A_614] {strides = array<i32>} : memref<2x16x1024xf32, #tpu.memory_space<vmem>>, vector<1x1x16xf32>,
        %parallel_loop3A_616 = vector.shape_cast %parallel_loop3A_615 : vector<1x1x16xf32> to vector<16xf32>
        %parallel_loop3A_617 = arith.constant 1 : i32
        %parallel_loop3A_618 = arith.constant 7 : i32
        %parallel_loop3A_619 = arith.index_cast %parallel_loop3A_617 : i32 to index
        %parallel_loop3A_620 = arith.index_cast %parallel_loop3A_618 : i32 to index
        %parallel_loop3A_621 = arith.index_cast %parallel_loop3A_512 : i32 to index
        %parallel_loop3A_622 = tpu.vector_load %arg5[%parallel_loop3A_619, %parallel_loop3A_620, %parallel_loop3A_621] {strides = array<i32>} : memref<4x16x1024xf32, #tpu.memory_space<vmem>>, vector<1x1x16xf32>,
        %parallel_loop3A_623 = vector.shape_cast %parallel_loop3A_622 : vector<1x1x16xf32> to vector<16xf32>
        %parallel_loop3A_624 = vector.shape_cast %parallel_loop3A_616 : vector<16xf32> to vector<1x1x16xf32>
        tpu.vector_store %arg5[%parallel_loop3A_619, %parallel_loop3A_620, %parallel_loop3A_621], %parallel_loop3A_624 {add = true, strides = array<i32>} : memref<4x16x1024xf32, #tpu.memory_space<vmem>>, vector<1x1x16xf32>,
      } {sc.loop_unroll_factor = 1 : i64, sc.parallel_access}
      %add3A_275 = arith.constant 8192 : i32
      %add3A_276 = arith.addi %add3A_275, %mul3A_2 : i32
      %mul3A_277 = arith.constant 16 : i32
      %mul3A_278 = arith.muli %scan3A_147, %mul3A_277 : i32
      %add3A_279 = arith.addi %add3A_276, %mul3A_278 : i32
      %add3A_280 = arith.constant 0 : i32
      %add3A_281 = arith.addi %add3A_279, %add3A_280 : i32
      %dma_start3A_282 = arith.constant 1 : i32
      %dma_start3A_283 = arith.constant 0 : i32
      %dma_start3A_284 = arith.constant 0 : i32
      %dma_start3A_285 = tpu.memref_slice %arg5[%dma_start3A_282, %dma_start3A_283, %dma_start3A_284] : memref<4x16x1024xf32, #tpu.memory_space<vmem>> -> memref<1x8x1024xf32, #tpu.memory_space<vmem>>
      %dma_start3A_286 = tpu.memref_squeeze %dma_start3A_285 : memref<1x8x1024xf32, #tpu.memory_space<vmem>> -> memref<8x1024xf32, #tpu.memory_space<vmem>>
      %dma_start3A_287 = arith.constant 0 : i32
      %dma_start3A_288 = tpu.memref_slice %arg4[%add3A_281, %dma_start3A_287] : memref<32768x1024xf32, #tpu.memory_space<hbm>> -> memref<8x1024xf32, #tpu.memory_space<hbm>>
      %dma_start3A_289 = arith.constant 0 : i32
      %dma_start3A_290 = tpu.memref_slice %arg4[%add3A_281, %dma_start3A_289] : memref<32768x1024xf32, #tpu.memory_space<hbm>> -> memref<8x1024xf32, #tpu.memory_space<hbm>>
      %dma_start3A_291 = arith.constant 0 : i32
      %dma_start3A_292 = arith.constant 0 : i32
      %dma_start3A_293 = tpu.memref_slice %arg5[%dma_start3A_282, %dma_start3A_291, %dma_start3A_292] : memref<4x16x1024xf32, #tpu.memory_space<vmem>> -> memref<1x8x1024xf32, #tpu.memory_space<vmem>>
      %dma_start3A_294 = tpu.memref_squeeze %dma_start3A_293 : memref<1x8x1024xf32, #tpu.memory_space<vmem>> -> memref<8x1024xf32, #tpu.memory_space<vmem>>
      tpu.enqueue_dma source(%dma_start3A_294 : memref<8x1024xf32, #tpu.memory_space<vmem>>) target(%dma_start3A_290 : memref<8x1024xf32, #tpu.memory_space<hbm>>) target_semaphore(%arg12 : memref<!tpu.dma_semaphore, #tpu.memory_space<semaphore_mem>>)
      %parallel_loop3A_295 = arith.constant 0 : i32
      %parallel_loop3A_296 = arith.constant 64 : i32
      %parallel_loop3A_297 = arith.constant 1 : i32
      scf.for %parallel_loop3A_510 = %parallel_loop3A_295 to %parallel_loop3A_296 step %parallel_loop3A_297  : i32 {
        %parallel_loop3A_511 = arith.constant 16 : i32
        %parallel_loop3A_512 = arith.muli %parallel_loop3A_510, %parallel_loop3A_511 : i32
        %parallel_loop3A_513 = arith.constant 8 : i32
        %parallel_loop3A_514 = arith.index_cast %rem3A_148 : i32 to index
        %parallel_loop3A_515 = arith.index_cast %parallel_loop3A_513 : i32 to index
        %parallel_loop3A_516 = arith.index_cast %parallel_loop3A_512 : i32 to index
        %parallel_loop3A_517 = tpu.vector_load %arg6[%parallel_loop3A_514, %parallel_loop3A_515, %parallel_loop3A_516] {strides = array<i32>} : memref<2x16x1024xf32, #tpu.memory_space<vmem>>, vector<1x1x16xf32>,
        %parallel_loop3A_518 = vector.shape_cast %parallel_loop3A_517 : vector<1x1x16xf32> to vector<16xf32>
        %parallel_loop3A_519 = arith.constant 1 : i32
        %parallel_loop3A_520 = arith.constant 8 : i32
        %parallel_loop3A_521 = arith.index_cast %parallel_loop3A_519 : i32 to index
        %parallel_loop3A_522 = arith.index_cast %parallel_loop3A_520 : i32 to index
        %parallel_loop3A_523 = arith.index_cast %parallel_loop3A_512 : i32 to index
        %parallel_loop3A_524 = tpu.vector_load %arg5[%parallel_loop3A_521, %parallel_loop3A_522, %parallel_loop3A_523] {strides = array<i32>} : memref<4x16x1024xf32, #tpu.memory_space<vmem>>, vector<1x1x16xf32>,
        %parallel_loop3A_525 = vector.shape_cast %parallel_loop3A_524 : vector<1x1x16xf32> to vector<16xf32>
        %parallel_loop3A_526 = vector.shape_cast %parallel_loop3A_518 : vector<16xf32> to vector<1x1x16xf32>
        tpu.vector_store %arg5[%parallel_loop3A_521, %parallel_loop3A_522, %parallel_loop3A_523], %parallel_loop3A_526 {add = true, strides = array<i32>} : memref<4x16x1024xf32, #tpu.memory_space<vmem>>, vector<1x1x16xf32>,
        %parallel_loop3A_527 = arith.constant 9 : i32
        %parallel_loop3A_528 = arith.index_cast %rem3A_148 : i32 to index
        %parallel_loop3A_529 = arith.index_cast %parallel_loop3A_527 : i32 to index
        %parallel_loop3A_530 = arith.index_cast %parallel_loop3A_512 : i32 to index
        %parallel_loop3A_531 = tpu.vector_load %arg6[%parallel_loop3A_528, %parallel_loop3A_529, %parallel_loop3A_530] {strides = array<i32>} : memref<2x16x1024xf32, #tpu.memory_space<vmem>>, vector<1x1x16xf32>,
        %parallel_loop3A_532 = vector.shape_cast %parallel_loop3A_531 : vector<1x1x16xf32> to vector<16xf32>
        %parallel_loop3A_533 = arith.constant 1 : i32
        %parallel_loop3A_534 = arith.constant 9 : i32
        %parallel_loop3A_535 = arith.index_cast %parallel_loop3A_533 : i32 to index
        %parallel_loop3A_536 = arith.index_cast %parallel_loop3A_534 : i32 to index
        %parallel_loop3A_537 = arith.index_cast %parallel_loop3A_512 : i32 to index
        %parallel_loop3A_538 = tpu.vector_load %arg5[%parallel_loop3A_535, %parallel_loop3A_536, %parallel_loop3A_537] {strides = array<i32>} : memref<4x16x1024xf32, #tpu.memory_space<vmem>>, vector<1x1x16xf32>,
        %parallel_loop3A_539 = vector.shape_cast %parallel_loop3A_538 : vector<1x1x16xf32> to vector<16xf32>
        %parallel_loop3A_540 = vector.shape_cast %parallel_loop3A_532 : vector<16xf32> to vector<1x1x16xf32>
        tpu.vector_store %arg5[%parallel_loop3A_535, %parallel_loop3A_536, %parallel_loop3A_537], %parallel_loop3A_540 {add = true, strides = array<i32>} : memref<4x16x1024xf32, #tpu.memory_space<vmem>>, vector<1x1x16xf32>,
        %parallel_loop3A_541 = arith.constant 10 : i32
        %parallel_loop3A_542 = arith.index_cast %rem3A_148 : i32 to index
        %parallel_loop3A_543 = arith.index_cast %parallel_loop3A_541 : i32 to index
        %parallel_loop3A_544 = arith.index_cast %parallel_loop3A_512 : i32 to index
        %parallel_loop3A_545 = tpu.vector_load %arg6[%parallel_loop3A_542, %parallel_loop3A_543, %parallel_loop3A_544] {strides = array<i32>} : memref<2x16x1024xf32, #tpu.memory_space<vmem>>, vector<1x1x16xf32>,
        %parallel_loop3A_546 = vector.shape_cast %parallel_loop3A_545 : vector<1x1x16xf32> to vector<16xf32>
        %parallel_loop3A_547 = arith.constant 1 : i32
        %parallel_loop3A_548 = arith.constant 10 : i32
        %parallel_loop3A_549 = arith.index_cast %parallel_loop3A_547 : i32 to index
        %parallel_loop3A_550 = arith.index_cast %parallel_loop3A_548 : i32 to index
        %parallel_loop3A_551 = arith.index_cast %parallel_loop3A_512 : i32 to index
        %parallel_loop3A_552 = tpu.vector_load %arg5[%parallel_loop3A_549, %parallel_loop3A_550, %parallel_loop3A_551] {strides = array<i32>} : memref<4x16x1024xf32, #tpu.memory_space<vmem>>, vector<1x1x16xf32>,
        %parallel_loop3A_553 = vector.shape_cast %parallel_loop3A_552 : vector<1x1x16xf32> to vector<16xf32>
        %parallel_loop3A_554 = vector.shape_cast %parallel_loop3A_546 : vector<16xf32> to vector<1x1x16xf32>
        tpu.vector_store %arg5[%parallel_loop3A_549, %parallel_loop3A_550, %parallel_loop3A_551], %parallel_loop3A_554 {add = true, strides = array<i32>} : memref<4x16x1024xf32, #tpu.memory_space<vmem>>, vector<1x1x16xf32>,
        %parallel_loop3A_555 = arith.constant 11 : i32
        %parallel_loop3A_556 = arith.index_cast %rem3A_148 : i32 to index
        %parallel_loop3A_557 = arith.index_cast %parallel_loop3A_555 : i32 to index
        %parallel_loop3A_558 = arith.index_cast %parallel_loop3A_512 : i32 to index
        %parallel_loop3A_559 = tpu.vector_load %arg6[%parallel_loop3A_556, %parallel_loop3A_557, %parallel_loop3A_558] {strides = array<i32>} : memref<2x16x1024xf32, #tpu.memory_space<vmem>>, vector<1x1x16xf32>,
        %parallel_loop3A_560 = vector.shape_cast %parallel_loop3A_559 : vector<1x1x16xf32> to vector<16xf32>
        %parallel_loop3A_561 = arith.constant 1 : i32
        %parallel_loop3A_562 = arith.constant 11 : i32
        %parallel_loop3A_563 = arith.index_cast %parallel_loop3A_561 : i32 to index
        %parallel_loop3A_564 = arith.index_cast %parallel_loop3A_562 : i32 to index
        %parallel_loop3A_565 = arith.index_cast %parallel_loop3A_512 : i32 to index
        %parallel_loop3A_566 = tpu.vector_load %arg5[%parallel_loop3A_563, %parallel_loop3A_564, %parallel_loop3A_565] {strides = array<i32>} : memref<4x16x1024xf32, #tpu.memory_space<vmem>>, vector<1x1x16xf32>,
        %parallel_loop3A_567 = vector.shape_cast %parallel_loop3A_566 : vector<1x1x16xf32> to vector<16xf32>
        %parallel_loop3A_568 = vector.shape_cast %parallel_loop3A_560 : vector<16xf32> to vector<1x1x16xf32>
        tpu.vector_store %arg5[%parallel_loop3A_563, %parallel_loop3A_564, %parallel_loop3A_565], %parallel_loop3A_568 {add = true, strides = array<i32>} : memref<4x16x1024xf32, #tpu.memory_space<vmem>>, vector<1x1x16xf32>,
        %parallel_loop3A_569 = arith.constant 12 : i32
        %parallel_loop3A_570 = arith.index_cast %rem3A_148 : i32 to index
        %parallel_loop3A_571 = arith.index_cast %parallel_loop3A_569 : i32 to index
        %parallel_loop3A_572 = arith.index_cast %parallel_loop3A_512 : i32 to index
        %parallel_loop3A_573 = tpu.vector_load %arg6[%parallel_loop3A_570, %parallel_loop3A_571, %parallel_loop3A_572] {strides = array<i32>} : memref<2x16x1024xf32, #tpu.memory_space<vmem>>, vector<1x1x16xf32>,
        %parallel_loop3A_574 = vector.shape_cast %parallel_loop3A_573 : vector<1x1x16xf32> to vector<16xf32>
        %parallel_loop3A_575 = arith.constant 1 : i32
        %parallel_loop3A_576 = arith.constant 12 : i32
        %parallel_loop3A_577 = arith.index_cast %parallel_loop3A_575 : i32 to index
        %parallel_loop3A_578 = arith.index_cast %parallel_loop3A_576 : i32 to index
        %parallel_loop3A_579 = arith.index_cast %parallel_loop3A_512 : i32 to index
        %parallel_loop3A_580 = tpu.vector_load %arg5[%parallel_loop3A_577, %parallel_loop3A_578, %parallel_loop3A_579] {strides = array<i32>} : memref<4x16x1024xf32, #tpu.memory_space<vmem>>, vector<1x1x16xf32>,
        %parallel_loop3A_581 = vector.shape_cast %parallel_loop3A_580 : vector<1x1x16xf32> to vector<16xf32>
        %parallel_loop3A_582 = vector.shape_cast %parallel_loop3A_574 : vector<16xf32> to vector<1x1x16xf32>
        tpu.vector_store %arg5[%parallel_loop3A_577, %parallel_loop3A_578, %parallel_loop3A_579], %parallel_loop3A_582 {add = true, strides = array<i32>} : memref<4x16x1024xf32, #tpu.memory_space<vmem>>, vector<1x1x16xf32>,
        %parallel_loop3A_583 = arith.constant 13 : i32
        %parallel_loop3A_584 = arith.index_cast %rem3A_148 : i32 to index
        %parallel_loop3A_585 = arith.index_cast %parallel_loop3A_583 : i32 to index
        %parallel_loop3A_586 = arith.index_cast %parallel_loop3A_512 : i32 to index
        %parallel_loop3A_587 = tpu.vector_load %arg6[%parallel_loop3A_584, %parallel_loop3A_585, %parallel_loop3A_586] {strides = array<i32>} : memref<2x16x1024xf32, #tpu.memory_space<vmem>>, vector<1x1x16xf32>,
        %parallel_loop3A_588 = vector.shape_cast %parallel_loop3A_587 : vector<1x1x16xf32> to vector<16xf32>
        %parallel_loop3A_589 = arith.constant 1 : i32
        %parallel_loop3A_590 = arith.constant 13 : i32
        %parallel_loop3A_591 = arith.index_cast %parallel_loop3A_589 : i32 to index
        %parallel_loop3A_592 = arith.index_cast %parallel_loop3A_590 : i32 to index
        %parallel_loop3A_593 = arith.index_cast %parallel_loop3A_512 : i32 to index
        %parallel_loop3A_594 = tpu.vector_load %arg5[%parallel_loop3A_591, %parallel_loop3A_592, %parallel_loop3A_593] {strides = array<i32>} : memref<4x16x1024xf32, #tpu.memory_space<vmem>>, vector<1x1x16xf32>,
        %parallel_loop3A_595 = vector.shape_cast %parallel_loop3A_594 : vector<1x1x16xf32> to vector<16xf32>
        %parallel_loop3A_596 = vector.shape_cast %parallel_loop3A_588 : vector<16xf32> to vector<1x1x16xf32>
        tpu.vector_store %arg5[%parallel_loop3A_591, %parallel_loop3A_592, %parallel_loop3A_593], %parallel_loop3A_596 {add = true, strides = array<i32>} : memref<4x16x1024xf32, #tpu.memory_space<vmem>>, vector<1x1x16xf32>,
        %parallel_loop3A_597 = arith.constant 14 : i32
        %parallel_loop3A_598 = arith.index_cast %rem3A_148 : i32 to index
        %parallel_loop3A_599 = arith.index_cast %parallel_loop3A_597 : i32 to index
        %parallel_loop3A_600 = arith.index_cast %parallel_loop3A_512 : i32 to index
        %parallel_loop3A_601 = tpu.vector_load %arg6[%parallel_loop3A_598, %parallel_loop3A_599, %parallel_loop3A_600] {strides = array<i32>} : memref<2x16x1024xf32, #tpu.memory_space<vmem>>, vector<1x1x16xf32>,
        %parallel_loop3A_602 = vector.shape_cast %parallel_loop3A_601 : vector<1x1x16xf32> to vector<16xf32>
        %parallel_loop3A_603 = arith.constant 1 : i32
        %parallel_loop3A_604 = arith.constant 14 : i32
        %parallel_loop3A_605 = arith.index_cast %parallel_loop3A_603 : i32 to index
        %parallel_loop3A_606 = arith.index_cast %parallel_loop3A_604 : i32 to index
        %parallel_loop3A_607 = arith.index_cast %parallel_loop3A_512 : i32 to index
        %parallel_loop3A_608 = tpu.vector_load %arg5[%parallel_loop3A_605, %parallel_loop3A_606, %parallel_loop3A_607] {strides = array<i32>} : memref<4x16x1024xf32, #tpu.memory_space<vmem>>, vector<1x1x16xf32>,
        %parallel_loop3A_609 = vector.shape_cast %parallel_loop3A_608 : vector<1x1x16xf32> to vector<16xf32>
        %parallel_loop3A_610 = vector.shape_cast %parallel_loop3A_602 : vector<16xf32> to vector<1x1x16xf32>
        tpu.vector_store %arg5[%parallel_loop3A_605, %parallel_loop3A_606, %parallel_loop3A_607], %parallel_loop3A_610 {add = true, strides = array<i32>} : memref<4x16x1024xf32, #tpu.memory_space<vmem>>, vector<1x1x16xf32>,
        %parallel_loop3A_611 = arith.constant 15 : i32
        %parallel_loop3A_612 = arith.index_cast %rem3A_148 : i32 to index
        %parallel_loop3A_613 = arith.index_cast %parallel_loop3A_611 : i32 to index
        %parallel_loop3A_614 = arith.index_cast %parallel_loop3A_512 : i32 to index
        %parallel_loop3A_615 = tpu.vector_load %arg6[%parallel_loop3A_612, %parallel_loop3A_613, %parallel_loop3A_614] {strides = array<i32>} : memref<2x16x1024xf32, #tpu.memory_space<vmem>>, vector<1x1x16xf32>,
        %parallel_loop3A_616 = vector.shape_cast %parallel_loop3A_615 : vector<1x1x16xf32> to vector<16xf32>
        %parallel_loop3A_617 = arith.constant 1 : i32
        %parallel_loop3A_618 = arith.constant 15 : i32
        %parallel_loop3A_619 = arith.index_cast %parallel_loop3A_617 : i32 to index
        %parallel_loop3A_620 = arith.index_cast %parallel_loop3A_618 : i32 to index
        %parallel_loop3A_621 = arith.index_cast %parallel_loop3A_512 : i32 to index
        %parallel_loop3A_622 = tpu.vector_load %arg5[%parallel_loop3A_619, %parallel_loop3A_620, %parallel_loop3A_621] {strides = array<i32>} : memref<4x16x1024xf32, #tpu.memory_space<vmem>>, vector<1x1x16xf32>,
        %parallel_loop3A_623 = vector.shape_cast %parallel_loop3A_622 : vector<1x1x16xf32> to vector<16xf32>
        %parallel_loop3A_624 = vector.shape_cast %parallel_loop3A_616 : vector<16xf32> to vector<1x1x16xf32>
        tpu.vector_store %arg5[%parallel_loop3A_619, %parallel_loop3A_620, %parallel_loop3A_621], %parallel_loop3A_624 {add = true, strides = array<i32>} : memref<4x16x1024xf32, #tpu.memory_space<vmem>>, vector<1x1x16xf32>,
      } {sc.loop_unroll_factor = 1 : i64, sc.parallel_access}
      %add3A_298 = arith.constant 8192 : i32
      %add3A_299 = arith.addi %add3A_298, %mul3A_2 : i32
      %mul3A_300 = arith.constant 16 : i32
      %mul3A_301 = arith.muli %scan3A_147, %mul3A_300 : i32
      %add3A_302 = arith.addi %add3A_299, %mul3A_301 : i32
      %add3A_303 = arith.constant 8 : i32
      %add3A_304 = arith.addi %add3A_302, %add3A_303 : i32
      %dma_start3A_305 = arith.constant 1 : i32
      %dma_start3A_306 = arith.constant 8 : i32
      %dma_start3A_307 = arith.constant 0 : i32
      %dma_start3A_308 = tpu.memref_slice %arg5[%dma_start3A_305, %dma_start3A_306, %dma_start3A_307] : memref<4x16x1024xf32, #tpu.memory_space<vmem>> -> memref<1x8x1024xf32, #tpu.memory_space<vmem>>
      %dma_start3A_309 = tpu.memref_squeeze %dma_start3A_308 : memref<1x8x1024xf32, #tpu.memory_space<vmem>> -> memref<8x1024xf32, #tpu.memory_space<vmem>>
      %dma_start3A_310 = arith.constant 0 : i32
      %dma_start3A_311 = tpu.memref_slice %arg4[%add3A_304, %dma_start3A_310] : memref<32768x1024xf32, #tpu.memory_space<hbm>> -> memref<8x1024xf32, #tpu.memory_space<hbm>>
      %dma_start3A_312 = arith.constant 0 : i32
      %dma_start3A_313 = tpu.memref_slice %arg4[%add3A_304, %dma_start3A_312] : memref<32768x1024xf32, #tpu.memory_space<hbm>> -> memref<8x1024xf32, #tpu.memory_space<hbm>>
      %dma_start3A_314 = arith.constant 8 : i32
      %dma_start3A_315 = arith.constant 0 : i32
      %dma_start3A_316 = tpu.memref_slice %arg5[%dma_start3A_305, %dma_start3A_314, %dma_start3A_315] : memref<4x16x1024xf32, #tpu.memory_space<vmem>> -> memref<1x8x1024xf32, #tpu.memory_space<vmem>>
      %dma_start3A_317 = tpu.memref_squeeze %dma_start3A_316 : memref<1x8x1024xf32, #tpu.memory_space<vmem>> -> memref<8x1024xf32, #tpu.memory_space<vmem>>
      tpu.enqueue_dma source(%dma_start3A_317 : memref<8x1024xf32, #tpu.memory_space<vmem>>) target(%dma_start3A_313 : memref<8x1024xf32, #tpu.memory_space<hbm>>) target_semaphore(%arg12 : memref<!tpu.dma_semaphore, #tpu.memory_space<semaphore_mem>>)
      %dma_wait3A_318 = arith.constant 0 : i32
      %dma_wait3A_319 = arith.constant 0 : i32
      %dma_wait3A_320 = arith.constant 0 : i32
      %dma_wait3A_321 = tpu.memref_slice %arg5[%dma_wait3A_318, %dma_wait3A_319, %dma_wait3A_320] : memref<4x16x1024xf32, #tpu.memory_space<vmem>> -> memref<1x8x1024xf32, #tpu.memory_space<vmem>>
      %dma_wait3A_322 = tpu.memref_squeeze %dma_wait3A_321 : memref<1x8x1024xf32, #tpu.memory_space<vmem>> -> memref<8x1024xf32, #tpu.memory_space<vmem>>
      %dma_wait3A_323 = arith.constant 0 : i32
      %dma_wait3A_324 = arith.constant 0 : i32
      %dma_wait3A_325 = tpu.memref_slice %arg4[%dma_wait3A_323, %dma_wait3A_324] : memref<32768x1024xf32, #tpu.memory_space<hbm>> -> memref<8x1024xf32, #tpu.memory_space<hbm>>
      %dma_wait3A_326 = arith.constant 0 : i32
      %dma_wait3A_327 = arith.constant 0 : i32
      %dma_wait3A_328 = tpu.memref_slice %arg4[%dma_wait3A_326, %dma_wait3A_327] : memref<32768x1024xf32, #tpu.memory_space<hbm>> -> memref<8x1024xf32, #tpu.memory_space<hbm>>
      %dma_wait3A_329 = arith.constant 0 : i32
      %dma_wait3A_330 = arith.constant 0 : i32
      %dma_wait3A_331 = tpu.memref_slice %arg5[%dma_wait3A_318, %dma_wait3A_329, %dma_wait3A_330] : memref<4x16x1024xf32, #tpu.memory_space<vmem>> -> memref<1x8x1024xf32, #tpu.memory_space<vmem>>
      %dma_wait3A_332 = tpu.memref_squeeze %dma_wait3A_331 : memref<1x8x1024xf32, #tpu.memory_space<vmem>> -> memref<8x1024xf32, #tpu.memory_space<vmem>>
      tpu.wait_dma2 semaphore(%arg11 : memref<!tpu.dma_semaphore, #tpu.memory_space<semaphore_mem>>) src(%dma_wait3A_332 : memref<8x1024xf32, #tpu.memory_space<vmem>>) dst(%dma_wait3A_328 : memref<8x1024xf32, #tpu.memory_space<hbm>>)
      %dma_wait3A_333 = arith.constant 0 : i32
      %dma_wait3A_334 = arith.constant 8 : i32
      %dma_wait3A_335 = arith.constant 0 : i32
      %dma_wait3A_336 = tpu.memref_slice %arg5[%dma_wait3A_333, %dma_wait3A_334, %dma_wait3A_335] : memref<4x16x1024xf32, #tpu.memory_space<vmem>> -> memref<1x8x1024xf32, #tpu.memory_space<vmem>>
      %dma_wait3A_337 = tpu.memref_squeeze %dma_wait3A_336 : memref<1x8x1024xf32, #tpu.memory_space<vmem>> -> memref<8x1024xf32, #tpu.memory_space<vmem>>
      %dma_wait3A_338 = arith.constant 0 : i32
      %dma_wait3A_339 = arith.constant 0 : i32
      %dma_wait3A_340 = tpu.memref_slice %arg4[%dma_wait3A_338, %dma_wait3A_339] : memref<32768x1024xf32, #tpu.memory_space<hbm>> -> memref<8x1024xf32, #tpu.memory_space<hbm>>
      %dma_wait3A_341 = arith.constant 0 : i32
      %dma_wait3A_342 = arith.constant 0 : i32
      %dma_wait3A_343 = tpu.memref_slice %arg4[%dma_wait3A_341, %dma_wait3A_342] : memref<32768x1024xf32, #tpu.memory_space<hbm>> -> memref<8x1024xf32, #tpu.memory_space<hbm>>
      %dma_wait3A_344 = arith.constant 8 : i32
      %dma_wait3A_345 = arith.constant 0 : i32
      %dma_wait3A_346 = tpu.memref_slice %arg5[%dma_wait3A_333, %dma_wait3A_344, %dma_wait3A_345] : memref<4x16x1024xf32, #tpu.memory_space<vmem>> -> memref<1x8x1024xf32, #tpu.memory_space<vmem>>
      %dma_wait3A_347 = tpu.memref_squeeze %dma_wait3A_346 : memref<1x8x1024xf32, #tpu.memory_space<vmem>> -> memref<8x1024xf32, #tpu.memory_space<vmem>>
      tpu.wait_dma2 semaphore(%arg11 : memref<!tpu.dma_semaphore, #tpu.memory_space<semaphore_mem>>) src(%dma_wait3A_347 : memref<8x1024xf32, #tpu.memory_space<vmem>>) dst(%dma_wait3A_343 : memref<8x1024xf32, #tpu.memory_space<hbm>>)
      %lt3A_348 = arith.constant 15 : i32
      %lt3A_349 = arith.cmpi slt, %scan3A_147, %lt3A_348 : i32
      %convert_element_type3A_350 = arith.extui %lt3A_349 : i1 to i32
      %cond3A_351 = arith.constant 0 : i32
      %cond3A_352 = arith.cmpi ne, %convert_element_type3A_350, %cond3A_351 : i32
      scf.if %cond3A_352 {
        %add3A_510 = arith.constant 1 : i32
        %add3A_511 = arith.addi %scan3A_147, %add3A_510 : i32
        %add3A_512 = arith.constant 0 : i32
        %add3A_513 = arith.addi %add3A_512, %mul3A_2 : i32
        %mul3A_514 = arith.constant 16 : i32
        %mul3A_515 = arith.muli %add3A_511, %mul3A_514 : i32
        %add3A_516 = arith.addi %add3A_513, %mul3A_515 : i32
        %dma_start3A_517 = arith.constant 0 : i32
        %dma_start3A_518 = arith.constant 0 : i32
        %dma_start3A_519 = arith.constant 0 : i32
        %dma_start3A_520 = tpu.memref_slice %arg5[%dma_start3A_517, %dma_start3A_518, %dma_start3A_519] : memref<4x16x1024xf32, #tpu.memory_space<vmem>> -> memref<1x16x1024xf32, #tpu.memory_space<vmem>>
        %dma_start3A_521 = tpu.memref_squeeze %dma_start3A_520 : memref<1x16x1024xf32, #tpu.memory_space<vmem>> -> memref<16x1024xf32, #tpu.memory_space<vmem>>
        %dma_start3A_522 = arith.constant 0 : i32
        %dma_start3A_523 = tpu.memref_slice %arg2[%add3A_516, %dma_start3A_522] : memref<32768x1024xf32, #tpu.memory_space<hbm>> -> memref<16x1024xf32, #tpu.memory_space<hbm>>
        %dma_start3A_524 = arith.constant 0 : i32
        %dma_start3A_525 = arith.constant 0 : i32
        %dma_start3A_526 = tpu.memref_slice %arg5[%dma_start3A_517, %dma_start3A_524, %dma_start3A_525] : memref<4x16x1024xf32, #tpu.memory_space<vmem>> -> memref<1x16x1024xf32, #tpu.memory_space<vmem>>
        %dma_start3A_527 = tpu.memref_squeeze %dma_start3A_526 : memref<1x16x1024xf32, #tpu.memory_space<vmem>> -> memref<16x1024xf32, #tpu.memory_space<vmem>>
        %dma_start3A_528 = arith.constant 0 : i32
        %dma_start3A_529 = tpu.memref_slice %arg2[%add3A_516, %dma_start3A_528] : memref<32768x1024xf32, #tpu.memory_space<hbm>> -> memref<16x1024xf32, #tpu.memory_space<hbm>>
        tpu.enqueue_dma source(%dma_start3A_529 : memref<16x1024xf32, #tpu.memory_space<hbm>>) target(%dma_start3A_527 : memref<16x1024xf32, #tpu.memory_space<vmem>>) target_semaphore(%arg7 : memref<!tpu.dma_semaphore, #tpu.memory_space<semaphore_mem>>)
      } else {
      }
      %dma_wait3A_353 = arith.constant 2 : i32
      %dma_wait3A_354 = arith.constant 0 : i32
      %dma_wait3A_355 = arith.constant 0 : i32
      %dma_wait3A_356 = tpu.memref_slice %arg5[%dma_wait3A_353, %dma_wait3A_354, %dma_wait3A_355] : memref<4x16x1024xf32, #tpu.memory_space<vmem>> -> memref<1x16x1024xf32, #tpu.memory_space<vmem>>
      %dma_wait3A_357 = tpu.memref_squeeze %dma_wait3A_356 : memref<1x16x1024xf32, #tpu.memory_space<vmem>> -> memref<16x1024xf32, #tpu.memory_space<vmem>>
      %dma_wait3A_358 = arith.constant 0 : i32
      %dma_wait3A_359 = arith.constant 0 : i32
      %dma_wait3A_360 = tpu.memref_slice %arg2[%dma_wait3A_358, %dma_wait3A_359] : memref<32768x1024xf32, #tpu.memory_space<hbm>> -> memref<16x1024xf32, #tpu.memory_space<hbm>>
      %dma_wait3A_361 = arith.constant 0 : i32
      %dma_wait3A_362 = arith.constant 0 : i32
      %dma_wait3A_363 = tpu.memref_slice %arg5[%dma_wait3A_353, %dma_wait3A_361, %dma_wait3A_362] : memref<4x16x1024xf32, #tpu.memory_space<vmem>> -> memref<1x16x1024xf32, #tpu.memory_space<vmem>>
      %dma_wait3A_364 = tpu.memref_squeeze %dma_wait3A_363 : memref<1x16x1024xf32, #tpu.memory_space<vmem>> -> memref<16x1024xf32, #tpu.memory_space<vmem>>
      %dma_wait3A_365 = arith.constant 0 : i32
      %dma_wait3A_366 = arith.constant 0 : i32
      %dma_wait3A_367 = tpu.memref_slice %arg2[%dma_wait3A_365, %dma_wait3A_366] : memref<32768x1024xf32, #tpu.memory_space<hbm>> -> memref<16x1024xf32, #tpu.memory_space<hbm>>
      tpu.wait_dma2 semaphore(%arg9 : memref<!tpu.dma_semaphore, #tpu.memory_space<semaphore_mem>>) src(%dma_wait3A_367 : memref<16x1024xf32, #tpu.memory_space<hbm>>) dst(%dma_wait3A_364 : memref<16x1024xf32, #tpu.memory_space<vmem>>)
      %parallel_loop3A_368 = arith.constant 0 : i32
      %parallel_loop3A_369 = arith.constant 64 : i32
      %parallel_loop3A_370 = arith.constant 1 : i32
      scf.for %parallel_loop3A_510 = %parallel_loop3A_368 to %parallel_loop3A_369 step %parallel_loop3A_370  : i32 {
        %parallel_loop3A_511 = arith.constant 16 : i32
        %parallel_loop3A_512 = arith.muli %parallel_loop3A_510, %parallel_loop3A_511 : i32
        %parallel_loop3A_513 = arith.constant 0 : i32
        %parallel_loop3A_514 = arith.index_cast %rem3A_148 : i32 to index
        %parallel_loop3A_515 = arith.index_cast %parallel_loop3A_513 : i32 to index
        %parallel_loop3A_516 = arith.index_cast %parallel_loop3A_512 : i32 to index
        %parallel_loop3A_517 = tpu.vector_load %arg6[%parallel_loop3A_514, %parallel_loop3A_515, %parallel_loop3A_516] {strides = array<i32>} : memref<2x16x1024xf32, #tpu.memory_space<vmem>>, vector<1x1x16xf32>,
        %parallel_loop3A_518 = vector.shape_cast %parallel_loop3A_517 : vector<1x1x16xf32> to vector<16xf32>
        %parallel_loop3A_519 = arith.constant 2 : i32
        %parallel_loop3A_520 = arith.constant 0 : i32
        %parallel_loop3A_521 = arith.index_cast %parallel_loop3A_519 : i32 to index
        %parallel_loop3A_522 = arith.index_cast %parallel_loop3A_520 : i32 to index
        %parallel_loop3A_523 = arith.index_cast %parallel_loop3A_512 : i32 to index
        %parallel_loop3A_524 = tpu.vector_load %arg5[%parallel_loop3A_521, %parallel_loop3A_522, %parallel_loop3A_523] {strides = array<i32>} : memref<4x16x1024xf32, #tpu.memory_space<vmem>>, vector<1x1x16xf32>,
        %parallel_loop3A_525 = vector.shape_cast %parallel_loop3A_524 : vector<1x1x16xf32> to vector<16xf32>
        %parallel_loop3A_526 = vector.shape_cast %parallel_loop3A_518 : vector<16xf32> to vector<1x1x16xf32>
        tpu.vector_store %arg5[%parallel_loop3A_521, %parallel_loop3A_522, %parallel_loop3A_523], %parallel_loop3A_526 {add = true, strides = array<i32>} : memref<4x16x1024xf32, #tpu.memory_space<vmem>>, vector<1x1x16xf32>,
        %parallel_loop3A_527 = arith.constant 1 : i32
        %parallel_loop3A_528 = arith.index_cast %rem3A_148 : i32 to index
        %parallel_loop3A_529 = arith.index_cast %parallel_loop3A_527 : i32 to index
        %parallel_loop3A_530 = arith.index_cast %parallel_loop3A_512 : i32 to index
        %parallel_loop3A_531 = tpu.vector_load %arg6[%parallel_loop3A_528, %parallel_loop3A_529, %parallel_loop3A_530] {strides = array<i32>} : memref<2x16x1024xf32, #tpu.memory_space<vmem>>, vector<1x1x16xf32>,
        %parallel_loop3A_532 = vector.shape_cast %parallel_loop3A_531 : vector<1x1x16xf32> to vector<16xf32>
        %parallel_loop3A_533 = arith.constant 2 : i32
        %parallel_loop3A_534 = arith.constant 1 : i32
        %parallel_loop3A_535 = arith.index_cast %parallel_loop3A_533 : i32 to index
        %parallel_loop3A_536 = arith.index_cast %parallel_loop3A_534 : i32 to index
        %parallel_loop3A_537 = arith.index_cast %parallel_loop3A_512 : i32 to index
        %parallel_loop3A_538 = tpu.vector_load %arg5[%parallel_loop3A_535, %parallel_loop3A_536, %parallel_loop3A_537] {strides = array<i32>} : memref<4x16x1024xf32, #tpu.memory_space<vmem>>, vector<1x1x16xf32>,
        %parallel_loop3A_539 = vector.shape_cast %parallel_loop3A_538 : vector<1x1x16xf32> to vector<16xf32>
        %parallel_loop3A_540 = vector.shape_cast %parallel_loop3A_532 : vector<16xf32> to vector<1x1x16xf32>
        tpu.vector_store %arg5[%parallel_loop3A_535, %parallel_loop3A_536, %parallel_loop3A_537], %parallel_loop3A_540 {add = true, strides = array<i32>} : memref<4x16x1024xf32, #tpu.memory_space<vmem>>, vector<1x1x16xf32>,
        %parallel_loop3A_541 = arith.constant 2 : i32
        %parallel_loop3A_542 = arith.index_cast %rem3A_148 : i32 to index
        %parallel_loop3A_543 = arith.index_cast %parallel_loop3A_541 : i32 to index
        %parallel_loop3A_544 = arith.index_cast %parallel_loop3A_512 : i32 to index
        %parallel_loop3A_545 = tpu.vector_load %arg6[%parallel_loop3A_542, %parallel_loop3A_543, %parallel_loop3A_544] {strides = array<i32>} : memref<2x16x1024xf32, #tpu.memory_space<vmem>>, vector<1x1x16xf32>,
        %parallel_loop3A_546 = vector.shape_cast %parallel_loop3A_545 : vector<1x1x16xf32> to vector<16xf32>
        %parallel_loop3A_547 = arith.constant 2 : i32
        %parallel_loop3A_548 = arith.constant 2 : i32
        %parallel_loop3A_549 = arith.index_cast %parallel_loop3A_547 : i32 to index
        %parallel_loop3A_550 = arith.index_cast %parallel_loop3A_548 : i32 to index
        %parallel_loop3A_551 = arith.index_cast %parallel_loop3A_512 : i32 to index
        %parallel_loop3A_552 = tpu.vector_load %arg5[%parallel_loop3A_549, %parallel_loop3A_550, %parallel_loop3A_551] {strides = array<i32>} : memref<4x16x1024xf32, #tpu.memory_space<vmem>>, vector<1x1x16xf32>,
        %parallel_loop3A_553 = vector.shape_cast %parallel_loop3A_552 : vector<1x1x16xf32> to vector<16xf32>
        %parallel_loop3A_554 = vector.shape_cast %parallel_loop3A_546 : vector<16xf32> to vector<1x1x16xf32>
        tpu.vector_store %arg5[%parallel_loop3A_549, %parallel_loop3A_550, %parallel_loop3A_551], %parallel_loop3A_554 {add = true, strides = array<i32>} : memref<4x16x1024xf32, #tpu.memory_space<vmem>>, vector<1x1x16xf32>,
        %parallel_loop3A_555 = arith.constant 3 : i32
        %parallel_loop3A_556 = arith.index_cast %rem3A_148 : i32 to index
        %parallel_loop3A_557 = arith.index_cast %parallel_loop3A_555 : i32 to index
        %parallel_loop3A_558 = arith.index_cast %parallel_loop3A_512 : i32 to index
        %parallel_loop3A_559 = tpu.vector_load %arg6[%parallel_loop3A_556, %parallel_loop3A_557, %parallel_loop3A_558] {strides = array<i32>} : memref<2x16x1024xf32, #tpu.memory_space<vmem>>, vector<1x1x16xf32>,
        %parallel_loop3A_560 = vector.shape_cast %parallel_loop3A_559 : vector<1x1x16xf32> to vector<16xf32>
        %parallel_loop3A_561 = arith.constant 2 : i32
        %parallel_loop3A_562 = arith.constant 3 : i32
        %parallel_loop3A_563 = arith.index_cast %parallel_loop3A_561 : i32 to index
        %parallel_loop3A_564 = arith.index_cast %parallel_loop3A_562 : i32 to index
        %parallel_loop3A_565 = arith.index_cast %parallel_loop3A_512 : i32 to index
        %parallel_loop3A_566 = tpu.vector_load %arg5[%parallel_loop3A_563, %parallel_loop3A_564, %parallel_loop3A_565] {strides = array<i32>} : memref<4x16x1024xf32, #tpu.memory_space<vmem>>, vector<1x1x16xf32>,
        %parallel_loop3A_567 = vector.shape_cast %parallel_loop3A_566 : vector<1x1x16xf32> to vector<16xf32>
        %parallel_loop3A_568 = vector.shape_cast %parallel_loop3A_560 : vector<16xf32> to vector<1x1x16xf32>
        tpu.vector_store %arg5[%parallel_loop3A_563, %parallel_loop3A_564, %parallel_loop3A_565], %parallel_loop3A_568 {add = true, strides = array<i32>} : memref<4x16x1024xf32, #tpu.memory_space<vmem>>, vector<1x1x16xf32>,
        %parallel_loop3A_569 = arith.constant 4 : i32
        %parallel_loop3A_570 = arith.index_cast %rem3A_148 : i32 to index
        %parallel_loop3A_571 = arith.index_cast %parallel_loop3A_569 : i32 to index
        %parallel_loop3A_572 = arith.index_cast %parallel_loop3A_512 : i32 to index
        %parallel_loop3A_573 = tpu.vector_load %arg6[%parallel_loop3A_570, %parallel_loop3A_571, %parallel_loop3A_572] {strides = array<i32>} : memref<2x16x1024xf32, #tpu.memory_space<vmem>>, vector<1x1x16xf32>,
        %parallel_loop3A_574 = vector.shape_cast %parallel_loop3A_573 : vector<1x1x16xf32> to vector<16xf32>
        %parallel_loop3A_575 = arith.constant 2 : i32
        %parallel_loop3A_576 = arith.constant 4 : i32
        %parallel_loop3A_577 = arith.index_cast %parallel_loop3A_575 : i32 to index
        %parallel_loop3A_578 = arith.index_cast %parallel_loop3A_576 : i32 to index
        %parallel_loop3A_579 = arith.index_cast %parallel_loop3A_512 : i32 to index
        %parallel_loop3A_580 = tpu.vector_load %arg5[%parallel_loop3A_577, %parallel_loop3A_578, %parallel_loop3A_579] {strides = array<i32>} : memref<4x16x1024xf32, #tpu.memory_space<vmem>>, vector<1x1x16xf32>,
        %parallel_loop3A_581 = vector.shape_cast %parallel_loop3A_580 : vector<1x1x16xf32> to vector<16xf32>
        %parallel_loop3A_582 = vector.shape_cast %parallel_loop3A_574 : vector<16xf32> to vector<1x1x16xf32>
        tpu.vector_store %arg5[%parallel_loop3A_577, %parallel_loop3A_578, %parallel_loop3A_579], %parallel_loop3A_582 {add = true, strides = array<i32>} : memref<4x16x1024xf32, #tpu.memory_space<vmem>>, vector<1x1x16xf32>,
        %parallel_loop3A_583 = arith.constant 5 : i32
        %parallel_loop3A_584 = arith.index_cast %rem3A_148 : i32 to index
        %parallel_loop3A_585 = arith.index_cast %parallel_loop3A_583 : i32 to index
        %parallel_loop3A_586 = arith.index_cast %parallel_loop3A_512 : i32 to index
        %parallel_loop3A_587 = tpu.vector_load %arg6[%parallel_loop3A_584, %parallel_loop3A_585, %parallel_loop3A_586] {strides = array<i32>} : memref<2x16x1024xf32, #tpu.memory_space<vmem>>, vector<1x1x16xf32>,
        %parallel_loop3A_588 = vector.shape_cast %parallel_loop3A_587 : vector<1x1x16xf32> to vector<16xf32>
        %parallel_loop3A_589 = arith.constant 2 : i32
        %parallel_loop3A_590 = arith.constant 5 : i32
        %parallel_loop3A_591 = arith.index_cast %parallel_loop3A_589 : i32 to index
        %parallel_loop3A_592 = arith.index_cast %parallel_loop3A_590 : i32 to index
        %parallel_loop3A_593 = arith.index_cast %parallel_loop3A_512 : i32 to index
        %parallel_loop3A_594 = tpu.vector_load %arg5[%parallel_loop3A_591, %parallel_loop3A_592, %parallel_loop3A_593] {strides = array<i32>} : memref<4x16x1024xf32, #tpu.memory_space<vmem>>, vector<1x1x16xf32>,
        %parallel_loop3A_595 = vector.shape_cast %parallel_loop3A_594 : vector<1x1x16xf32> to vector<16xf32>
        %parallel_loop3A_596 = vector.shape_cast %parallel_loop3A_588 : vector<16xf32> to vector<1x1x16xf32>
        tpu.vector_store %arg5[%parallel_loop3A_591, %parallel_loop3A_592, %parallel_loop3A_593], %parallel_loop3A_596 {add = true, strides = array<i32>} : memref<4x16x1024xf32, #tpu.memory_space<vmem>>, vector<1x1x16xf32>,
        %parallel_loop3A_597 = arith.constant 6 : i32
        %parallel_loop3A_598 = arith.index_cast %rem3A_148 : i32 to index
        %parallel_loop3A_599 = arith.index_cast %parallel_loop3A_597 : i32 to index
        %parallel_loop3A_600 = arith.index_cast %parallel_loop3A_512 : i32 to index
        %parallel_loop3A_601 = tpu.vector_load %arg6[%parallel_loop3A_598, %parallel_loop3A_599, %parallel_loop3A_600] {strides = array<i32>} : memref<2x16x1024xf32, #tpu.memory_space<vmem>>, vector<1x1x16xf32>,
        %parallel_loop3A_602 = vector.shape_cast %parallel_loop3A_601 : vector<1x1x16xf32> to vector<16xf32>
        %parallel_loop3A_603 = arith.constant 2 : i32
        %parallel_loop3A_604 = arith.constant 6 : i32
        %parallel_loop3A_605 = arith.index_cast %parallel_loop3A_603 : i32 to index
        %parallel_loop3A_606 = arith.index_cast %parallel_loop3A_604 : i32 to index
        %parallel_loop3A_607 = arith.index_cast %parallel_loop3A_512 : i32 to index
        %parallel_loop3A_608 = tpu.vector_load %arg5[%parallel_loop3A_605, %parallel_loop3A_606, %parallel_loop3A_607] {strides = array<i32>} : memref<4x16x1024xf32, #tpu.memory_space<vmem>>, vector<1x1x16xf32>,
        %parallel_loop3A_609 = vector.shape_cast %parallel_loop3A_608 : vector<1x1x16xf32> to vector<16xf32>
        %parallel_loop3A_610 = vector.shape_cast %parallel_loop3A_602 : vector<16xf32> to vector<1x1x16xf32>
        tpu.vector_store %arg5[%parallel_loop3A_605, %parallel_loop3A_606, %parallel_loop3A_607], %parallel_loop3A_610 {add = true, strides = array<i32>} : memref<4x16x1024xf32, #tpu.memory_space<vmem>>, vector<1x1x16xf32>,
        %parallel_loop3A_611 = arith.constant 7 : i32
        %parallel_loop3A_612 = arith.index_cast %rem3A_148 : i32 to index
        %parallel_loop3A_613 = arith.index_cast %parallel_loop3A_611 : i32 to index
        %parallel_loop3A_614 = arith.index_cast %parallel_loop3A_512 : i32 to index
        %parallel_loop3A_615 = tpu.vector_load %arg6[%parallel_loop3A_612, %parallel_loop3A_613, %parallel_loop3A_614] {strides = array<i32>} : memref<2x16x1024xf32, #tpu.memory_space<vmem>>, vector<1x1x16xf32>,
        %parallel_loop3A_616 = vector.shape_cast %parallel_loop3A_615 : vector<1x1x16xf32> to vector<16xf32>
        %parallel_loop3A_617 = arith.constant 2 : i32
        %parallel_loop3A_618 = arith.constant 7 : i32
        %parallel_loop3A_619 = arith.index_cast %parallel_loop3A_617 : i32 to index
        %parallel_loop3A_620 = arith.index_cast %parallel_loop3A_618 : i32 to index
        %parallel_loop3A_621 = arith.index_cast %parallel_loop3A_512 : i32 to index
        %parallel_loop3A_622 = tpu.vector_load %arg5[%parallel_loop3A_619, %parallel_loop3A_620, %parallel_loop3A_621] {strides = array<i32>} : memref<4x16x1024xf32, #tpu.memory_space<vmem>>, vector<1x1x16xf32>,
        %parallel_loop3A_623 = vector.shape_cast %parallel_loop3A_622 : vector<1x1x16xf32> to vector<16xf32>
        %parallel_loop3A_624 = vector.shape_cast %parallel_loop3A_616 : vector<16xf32> to vector<1x1x16xf32>
        tpu.vector_store %arg5[%parallel_loop3A_619, %parallel_loop3A_620, %parallel_loop3A_621], %parallel_loop3A_624 {add = true, strides = array<i32>} : memref<4x16x1024xf32, #tpu.memory_space<vmem>>, vector<1x1x16xf32>,
      } {sc.loop_unroll_factor = 1 : i64, sc.parallel_access}
      %add3A_371 = arith.constant 16384 : i32
      %add3A_372 = arith.addi %add3A_371, %mul3A_2 : i32
      %mul3A_373 = arith.constant 16 : i32
      %mul3A_374 = arith.muli %scan3A_147, %mul3A_373 : i32
      %add3A_375 = arith.addi %add3A_372, %mul3A_374 : i32
      %add3A_376 = arith.constant 0 : i32
      %add3A_377 = arith.addi %add3A_375, %add3A_376 : i32
      %dma_start3A_378 = arith.constant 2 : i32
      %dma_start3A_379 = arith.constant 0 : i32
      %dma_start3A_380 = arith.constant 0 : i32
      %dma_start3A_381 = tpu.memref_slice %arg5[%dma_start3A_378, %dma_start3A_379, %dma_start3A_380] : memref<4x16x1024xf32, #tpu.memory_space<vmem>> -> memref<1x8x1024xf32, #tpu.memory_space<vmem>>
      %dma_start3A_382 = tpu.memref_squeeze %dma_start3A_381 : memref<1x8x1024xf32, #tpu.memory_space<vmem>> -> memref<8x1024xf32, #tpu.memory_space<vmem>>
      %dma_start3A_383 = arith.constant 0 : i32
      %dma_start3A_384 = tpu.memref_slice %arg4[%add3A_377, %dma_start3A_383] : memref<32768x1024xf32, #tpu.memory_space<hbm>> -> memref<8x1024xf32, #tpu.memory_space<hbm>>
      %dma_start3A_385 = arith.constant 0 : i32
      %dma_start3A_386 = tpu.memref_slice %arg4[%add3A_377, %dma_start3A_385] : memref<32768x1024xf32, #tpu.memory_space<hbm>> -> memref<8x1024xf32, #tpu.memory_space<hbm>>
      %dma_start3A_387 = arith.constant 0 : i32
      %dma_start3A_388 = arith.constant 0 : i32
      %dma_start3A_389 = tpu.memref_slice %arg5[%dma_start3A_378, %dma_start3A_387, %dma_start3A_388] : memref<4x16x1024xf32, #tpu.memory_space<vmem>> -> memref<1x8x1024xf32, #tpu.memory_space<vmem>>
      %dma_start3A_390 = tpu.memref_squeeze %dma_start3A_389 : memref<1x8x1024xf32, #tpu.memory_space<vmem>> -> memref<8x1024xf32, #tpu.memory_space<vmem>>
      tpu.enqueue_dma source(%dma_start3A_390 : memref<8x1024xf32, #tpu.memory_space<vmem>>) target(%dma_start3A_386 : memref<8x1024xf32, #tpu.memory_space<hbm>>) target_semaphore(%arg13 : memref<!tpu.dma_semaphore, #tpu.memory_space<semaphore_mem>>)
      %parallel_loop3A_391 = arith.constant 0 : i32
      %parallel_loop3A_392 = arith.constant 64 : i32
      %parallel_loop3A_393 = arith.constant 1 : i32
      scf.for %parallel_loop3A_510 = %parallel_loop3A_391 to %parallel_loop3A_392 step %parallel_loop3A_393  : i32 {
        %parallel_loop3A_511 = arith.constant 16 : i32
        %parallel_loop3A_512 = arith.muli %parallel_loop3A_510, %parallel_loop3A_511 : i32
        %parallel_loop3A_513 = arith.constant 8 : i32
        %parallel_loop3A_514 = arith.index_cast %rem3A_148 : i32 to index
        %parallel_loop3A_515 = arith.index_cast %parallel_loop3A_513 : i32 to index
        %parallel_loop3A_516 = arith.index_cast %parallel_loop3A_512 : i32 to index
        %parallel_loop3A_517 = tpu.vector_load %arg6[%parallel_loop3A_514, %parallel_loop3A_515, %parallel_loop3A_516] {strides = array<i32>} : memref<2x16x1024xf32, #tpu.memory_space<vmem>>, vector<1x1x16xf32>,
        %parallel_loop3A_518 = vector.shape_cast %parallel_loop3A_517 : vector<1x1x16xf32> to vector<16xf32>
        %parallel_loop3A_519 = arith.constant 2 : i32
        %parallel_loop3A_520 = arith.constant 8 : i32
        %parallel_loop3A_521 = arith.index_cast %parallel_loop3A_519 : i32 to index
        %parallel_loop3A_522 = arith.index_cast %parallel_loop3A_520 : i32 to index
        %parallel_loop3A_523 = arith.index_cast %parallel_loop3A_512 : i32 to index
        %parallel_loop3A_524 = tpu.vector_load %arg5[%parallel_loop3A_521, %parallel_loop3A_522, %parallel_loop3A_523] {strides = array<i32>} : memref<4x16x1024xf32, #tpu.memory_space<vmem>>, vector<1x1x16xf32>,
        %parallel_loop3A_525 = vector.shape_cast %parallel_loop3A_524 : vector<1x1x16xf32> to vector<16xf32>
        %parallel_loop3A_526 = vector.shape_cast %parallel_loop3A_518 : vector<16xf32> to vector<1x1x16xf32>
        tpu.vector_store %arg5[%parallel_loop3A_521, %parallel_loop3A_522, %parallel_loop3A_523], %parallel_loop3A_526 {add = true, strides = array<i32>} : memref<4x16x1024xf32, #tpu.memory_space<vmem>>, vector<1x1x16xf32>,
        %parallel_loop3A_527 = arith.constant 9 : i32
        %parallel_loop3A_528 = arith.index_cast %rem3A_148 : i32 to index
        %parallel_loop3A_529 = arith.index_cast %parallel_loop3A_527 : i32 to index
        %parallel_loop3A_530 = arith.index_cast %parallel_loop3A_512 : i32 to index
        %parallel_loop3A_531 = tpu.vector_load %arg6[%parallel_loop3A_528, %parallel_loop3A_529, %parallel_loop3A_530] {strides = array<i32>} : memref<2x16x1024xf32, #tpu.memory_space<vmem>>, vector<1x1x16xf32>,
        %parallel_loop3A_532 = vector.shape_cast %parallel_loop3A_531 : vector<1x1x16xf32> to vector<16xf32>
        %parallel_loop3A_533 = arith.constant 2 : i32
        %parallel_loop3A_534 = arith.constant 9 : i32
        %parallel_loop3A_535 = arith.index_cast %parallel_loop3A_533 : i32 to index
        %parallel_loop3A_536 = arith.index_cast %parallel_loop3A_534 : i32 to index
        %parallel_loop3A_537 = arith.index_cast %parallel_loop3A_512 : i32 to index
        %parallel_loop3A_538 = tpu.vector_load %arg5[%parallel_loop3A_535, %parallel_loop3A_536, %parallel_loop3A_537] {strides = array<i32>} : memref<4x16x1024xf32, #tpu.memory_space<vmem>>, vector<1x1x16xf32>,
        %parallel_loop3A_539 = vector.shape_cast %parallel_loop3A_538 : vector<1x1x16xf32> to vector<16xf32>
        %parallel_loop3A_540 = vector.shape_cast %parallel_loop3A_532 : vector<16xf32> to vector<1x1x16xf32>
        tpu.vector_store %arg5[%parallel_loop3A_535, %parallel_loop3A_536, %parallel_loop3A_537], %parallel_loop3A_540 {add = true, strides = array<i32>} : memref<4x16x1024xf32, #tpu.memory_space<vmem>>, vector<1x1x16xf32>,
        %parallel_loop3A_541 = arith.constant 10 : i32
        %parallel_loop3A_542 = arith.index_cast %rem3A_148 : i32 to index
        %parallel_loop3A_543 = arith.index_cast %parallel_loop3A_541 : i32 to index
        %parallel_loop3A_544 = arith.index_cast %parallel_loop3A_512 : i32 to index
        %parallel_loop3A_545 = tpu.vector_load %arg6[%parallel_loop3A_542, %parallel_loop3A_543, %parallel_loop3A_544] {strides = array<i32>} : memref<2x16x1024xf32, #tpu.memory_space<vmem>>, vector<1x1x16xf32>,
        %parallel_loop3A_546 = vector.shape_cast %parallel_loop3A_545 : vector<1x1x16xf32> to vector<16xf32>
        %parallel_loop3A_547 = arith.constant 2 : i32
        %parallel_loop3A_548 = arith.constant 10 : i32
        %parallel_loop3A_549 = arith.index_cast %parallel_loop3A_547 : i32 to index
        %parallel_loop3A_550 = arith.index_cast %parallel_loop3A_548 : i32 to index
        %parallel_loop3A_551 = arith.index_cast %parallel_loop3A_512 : i32 to index
        %parallel_loop3A_552 = tpu.vector_load %arg5[%parallel_loop3A_549, %parallel_loop3A_550, %parallel_loop3A_551] {strides = array<i32>} : memref<4x16x1024xf32, #tpu.memory_space<vmem>>, vector<1x1x16xf32>,
        %parallel_loop3A_553 = vector.shape_cast %parallel_loop3A_552 : vector<1x1x16xf32> to vector<16xf32>
        %parallel_loop3A_554 = vector.shape_cast %parallel_loop3A_546 : vector<16xf32> to vector<1x1x16xf32>
        tpu.vector_store %arg5[%parallel_loop3A_549, %parallel_loop3A_550, %parallel_loop3A_551], %parallel_loop3A_554 {add = true, strides = array<i32>} : memref<4x16x1024xf32, #tpu.memory_space<vmem>>, vector<1x1x16xf32>,
        %parallel_loop3A_555 = arith.constant 11 : i32
        %parallel_loop3A_556 = arith.index_cast %rem3A_148 : i32 to index
        %parallel_loop3A_557 = arith.index_cast %parallel_loop3A_555 : i32 to index
        %parallel_loop3A_558 = arith.index_cast %parallel_loop3A_512 : i32 to index
        %parallel_loop3A_559 = tpu.vector_load %arg6[%parallel_loop3A_556, %parallel_loop3A_557, %parallel_loop3A_558] {strides = array<i32>} : memref<2x16x1024xf32, #tpu.memory_space<vmem>>, vector<1x1x16xf32>,
        %parallel_loop3A_560 = vector.shape_cast %parallel_loop3A_559 : vector<1x1x16xf32> to vector<16xf32>
        %parallel_loop3A_561 = arith.constant 2 : i32
        %parallel_loop3A_562 = arith.constant 11 : i32
        %parallel_loop3A_563 = arith.index_cast %parallel_loop3A_561 : i32 to index
        %parallel_loop3A_564 = arith.index_cast %parallel_loop3A_562 : i32 to index
        %parallel_loop3A_565 = arith.index_cast %parallel_loop3A_512 : i32 to index
        %parallel_loop3A_566 = tpu.vector_load %arg5[%parallel_loop3A_563, %parallel_loop3A_564, %parallel_loop3A_565] {strides = array<i32>} : memref<4x16x1024xf32, #tpu.memory_space<vmem>>, vector<1x1x16xf32>,
        %parallel_loop3A_567 = vector.shape_cast %parallel_loop3A_566 : vector<1x1x16xf32> to vector<16xf32>
        %parallel_loop3A_568 = vector.shape_cast %parallel_loop3A_560 : vector<16xf32> to vector<1x1x16xf32>
        tpu.vector_store %arg5[%parallel_loop3A_563, %parallel_loop3A_564, %parallel_loop3A_565], %parallel_loop3A_568 {add = true, strides = array<i32>} : memref<4x16x1024xf32, #tpu.memory_space<vmem>>, vector<1x1x16xf32>,
        %parallel_loop3A_569 = arith.constant 12 : i32
        %parallel_loop3A_570 = arith.index_cast %rem3A_148 : i32 to index
        %parallel_loop3A_571 = arith.index_cast %parallel_loop3A_569 : i32 to index
        %parallel_loop3A_572 = arith.index_cast %parallel_loop3A_512 : i32 to index
        %parallel_loop3A_573 = tpu.vector_load %arg6[%parallel_loop3A_570, %parallel_loop3A_571, %parallel_loop3A_572] {strides = array<i32>} : memref<2x16x1024xf32, #tpu.memory_space<vmem>>, vector<1x1x16xf32>,
        %parallel_loop3A_574 = vector.shape_cast %parallel_loop3A_573 : vector<1x1x16xf32> to vector<16xf32>
        %parallel_loop3A_575 = arith.constant 2 : i32
        %parallel_loop3A_576 = arith.constant 12 : i32
        %parallel_loop3A_577 = arith.index_cast %parallel_loop3A_575 : i32 to index
        %parallel_loop3A_578 = arith.index_cast %parallel_loop3A_576 : i32 to index
        %parallel_loop3A_579 = arith.index_cast %parallel_loop3A_512 : i32 to index
        %parallel_loop3A_580 = tpu.vector_load %arg5[%parallel_loop3A_577, %parallel_loop3A_578, %parallel_loop3A_579] {strides = array<i32>} : memref<4x16x1024xf32, #tpu.memory_space<vmem>>, vector<1x1x16xf32>,
        %parallel_loop3A_581 = vector.shape_cast %parallel_loop3A_580 : vector<1x1x16xf32> to vector<16xf32>
        %parallel_loop3A_582 = vector.shape_cast %parallel_loop3A_574 : vector<16xf32> to vector<1x1x16xf32>
        tpu.vector_store %arg5[%parallel_loop3A_577, %parallel_loop3A_578, %parallel_loop3A_579], %parallel_loop3A_582 {add = true, strides = array<i32>} : memref<4x16x1024xf32, #tpu.memory_space<vmem>>, vector<1x1x16xf32>,
        %parallel_loop3A_583 = arith.constant 13 : i32
        %parallel_loop3A_584 = arith.index_cast %rem3A_148 : i32 to index
        %parallel_loop3A_585 = arith.index_cast %parallel_loop3A_583 : i32 to index
        %parallel_loop3A_586 = arith.index_cast %parallel_loop3A_512 : i32 to index
        %parallel_loop3A_587 = tpu.vector_load %arg6[%parallel_loop3A_584, %parallel_loop3A_585, %parallel_loop3A_586] {strides = array<i32>} : memref<2x16x1024xf32, #tpu.memory_space<vmem>>, vector<1x1x16xf32>,
        %parallel_loop3A_588 = vector.shape_cast %parallel_loop3A_587 : vector<1x1x16xf32> to vector<16xf32>
        %parallel_loop3A_589 = arith.constant 2 : i32
        %parallel_loop3A_590 = arith.constant 13 : i32
        %parallel_loop3A_591 = arith.index_cast %parallel_loop3A_589 : i32 to index
        %parallel_loop3A_592 = arith.index_cast %parallel_loop3A_590 : i32 to index
        %parallel_loop3A_593 = arith.index_cast %parallel_loop3A_512 : i32 to index
        %parallel_loop3A_594 = tpu.vector_load %arg5[%parallel_loop3A_591, %parallel_loop3A_592, %parallel_loop3A_593] {strides = array<i32>} : memref<4x16x1024xf32, #tpu.memory_space<vmem>>, vector<1x1x16xf32>,
        %parallel_loop3A_595 = vector.shape_cast %parallel_loop3A_594 : vector<1x1x16xf32> to vector<16xf32>
        %parallel_loop3A_596 = vector.shape_cast %parallel_loop3A_588 : vector<16xf32> to vector<1x1x16xf32>
        tpu.vector_store %arg5[%parallel_loop3A_591, %parallel_loop3A_592, %parallel_loop3A_593], %parallel_loop3A_596 {add = true, strides = array<i32>} : memref<4x16x1024xf32, #tpu.memory_space<vmem>>, vector<1x1x16xf32>,
        %parallel_loop3A_597 = arith.constant 14 : i32
        %parallel_loop3A_598 = arith.index_cast %rem3A_148 : i32 to index
        %parallel_loop3A_599 = arith.index_cast %parallel_loop3A_597 : i32 to index
        %parallel_loop3A_600 = arith.index_cast %parallel_loop3A_512 : i32 to index
        %parallel_loop3A_601 = tpu.vector_load %arg6[%parallel_loop3A_598, %parallel_loop3A_599, %parallel_loop3A_600] {strides = array<i32>} : memref<2x16x1024xf32, #tpu.memory_space<vmem>>, vector<1x1x16xf32>,
        %parallel_loop3A_602 = vector.shape_cast %parallel_loop3A_601 : vector<1x1x16xf32> to vector<16xf32>
        %parallel_loop3A_603 = arith.constant 2 : i32
        %parallel_loop3A_604 = arith.constant 14 : i32
        %parallel_loop3A_605 = arith.index_cast %parallel_loop3A_603 : i32 to index
        %parallel_loop3A_606 = arith.index_cast %parallel_loop3A_604 : i32 to index
        %parallel_loop3A_607 = arith.index_cast %parallel_loop3A_512 : i32 to index
        %parallel_loop3A_608 = tpu.vector_load %arg5[%parallel_loop3A_605, %parallel_loop3A_606, %parallel_loop3A_607] {strides = array<i32>} : memref<4x16x1024xf32, #tpu.memory_space<vmem>>, vector<1x1x16xf32>,
        %parallel_loop3A_609 = vector.shape_cast %parallel_loop3A_608 : vector<1x1x16xf32> to vector<16xf32>
        %parallel_loop3A_610 = vector.shape_cast %parallel_loop3A_602 : vector<16xf32> to vector<1x1x16xf32>
        tpu.vector_store %arg5[%parallel_loop3A_605, %parallel_loop3A_606, %parallel_loop3A_607], %parallel_loop3A_610 {add = true, strides = array<i32>} : memref<4x16x1024xf32, #tpu.memory_space<vmem>>, vector<1x1x16xf32>,
        %parallel_loop3A_611 = arith.constant 15 : i32
        %parallel_loop3A_612 = arith.index_cast %rem3A_148 : i32 to index
        %parallel_loop3A_613 = arith.index_cast %parallel_loop3A_611 : i32 to index
        %parallel_loop3A_614 = arith.index_cast %parallel_loop3A_512 : i32 to index
        %parallel_loop3A_615 = tpu.vector_load %arg6[%parallel_loop3A_612, %parallel_loop3A_613, %parallel_loop3A_614] {strides = array<i32>} : memref<2x16x1024xf32, #tpu.memory_space<vmem>>, vector<1x1x16xf32>,
        %parallel_loop3A_616 = vector.shape_cast %parallel_loop3A_615 : vector<1x1x16xf32> to vector<16xf32>
        %parallel_loop3A_617 = arith.constant 2 : i32
        %parallel_loop3A_618 = arith.constant 15 : i32
        %parallel_loop3A_619 = arith.index_cast %parallel_loop3A_617 : i32 to index
        %parallel_loop3A_620 = arith.index_cast %parallel_loop3A_618 : i32 to index
        %parallel_loop3A_621 = arith.index_cast %parallel_loop3A_512 : i32 to index
        %parallel_loop3A_622 = tpu.vector_load %arg5[%parallel_loop3A_619, %parallel_loop3A_620, %parallel_loop3A_621] {strides = array<i32>} : memref<4x16x1024xf32, #tpu.memory_space<vmem>>, vector<1x1x16xf32>,
        %parallel_loop3A_623 = vector.shape_cast %parallel_loop3A_622 : vector<1x1x16xf32> to vector<16xf32>
        %parallel_loop3A_624 = vector.shape_cast %parallel_loop3A_616 : vector<16xf32> to vector<1x1x16xf32>
        tpu.vector_store %arg5[%parallel_loop3A_619, %parallel_loop3A_620, %parallel_loop3A_621], %parallel_loop3A_624 {add = true, strides = array<i32>} : memref<4x16x1024xf32, #tpu.memory_space<vmem>>, vector<1x1x16xf32>,
      } {sc.loop_unroll_factor = 1 : i64, sc.parallel_access}
      %add3A_394 = arith.constant 16384 : i32
      %add3A_395 = arith.addi %add3A_394, %mul3A_2 : i32
      %mul3A_396 = arith.constant 16 : i32
      %mul3A_397 = arith.muli %scan3A_147, %mul3A_396 : i32
      %add3A_398 = arith.addi %add3A_395, %mul3A_397 : i32
      %add3A_399 = arith.constant 8 : i32
      %add3A_400 = arith.addi %add3A_398, %add3A_399 : i32
      %dma_start3A_401 = arith.constant 2 : i32
      %dma_start3A_402 = arith.constant 8 : i32
      %dma_start3A_403 = arith.constant 0 : i32
      %dma_start3A_404 = tpu.memref_slice %arg5[%dma_start3A_401, %dma_start3A_402, %dma_start3A_403] : memref<4x16x1024xf32, #tpu.memory_space<vmem>> -> memref<1x8x1024xf32, #tpu.memory_space<vmem>>
      %dma_start3A_405 = tpu.memref_squeeze %dma_start3A_404 : memref<1x8x1024xf32, #tpu.memory_space<vmem>> -> memref<8x1024xf32, #tpu.memory_space<vmem>>
      %dma_start3A_406 = arith.constant 0 : i32
      %dma_start3A_407 = tpu.memref_slice %arg4[%add3A_400, %dma_start3A_406] : memref<32768x1024xf32, #tpu.memory_space<hbm>> -> memref<8x1024xf32, #tpu.memory_space<hbm>>
      %dma_start3A_408 = arith.constant 0 : i32
      %dma_start3A_409 = tpu.memref_slice %arg4[%add3A_400, %dma_start3A_408] : memref<32768x1024xf32, #tpu.memory_space<hbm>> -> memref<8x1024xf32, #tpu.memory_space<hbm>>
      %dma_start3A_410 = arith.constant 8 : i32
      %dma_start3A_411 = arith.constant 0 : i32
      %dma_start3A_412 = tpu.memref_slice %arg5[%dma_start3A_401, %dma_start3A_410, %dma_start3A_411] : memref<4x16x1024xf32, #tpu.memory_space<vmem>> -> memref<1x8x1024xf32, #tpu.memory_space<vmem>>
      %dma_start3A_413 = tpu.memref_squeeze %dma_start3A_412 : memref<1x8x1024xf32, #tpu.memory_space<vmem>> -> memref<8x1024xf32, #tpu.memory_space<vmem>>
      tpu.enqueue_dma source(%dma_start3A_413 : memref<8x1024xf32, #tpu.memory_space<vmem>>) target(%dma_start3A_409 : memref<8x1024xf32, #tpu.memory_space<hbm>>) target_semaphore(%arg13 : memref<!tpu.dma_semaphore, #tpu.memory_space<semaphore_mem>>)
      %dma_wait3A_414 = arith.constant 1 : i32
      %dma_wait3A_415 = arith.constant 0 : i32
      %dma_wait3A_416 = arith.constant 0 : i32
      %dma_wait3A_417 = tpu.memref_slice %arg5[%dma_wait3A_414, %dma_wait3A_415, %dma_wait3A_416] : memref<4x16x1024xf32, #tpu.memory_space<vmem>> -> memref<1x8x1024xf32, #tpu.memory_space<vmem>>
      %dma_wait3A_418 = tpu.memref_squeeze %dma_wait3A_417 : memref<1x8x1024xf32, #tpu.memory_space<vmem>> -> memref<8x1024xf32, #tpu.memory_space<vmem>>
      %dma_wait3A_419 = arith.constant 0 : i32
      %dma_wait3A_420 = arith.constant 0 : i32
      %dma_wait3A_421 = tpu.memref_slice %arg4[%dma_wait3A_419, %dma_wait3A_420] : memref<32768x1024xf32, #tpu.memory_space<hbm>> -> memref<8x1024xf32, #tpu.memory_space<hbm>>
      %dma_wait3A_422 = arith.constant 0 : i32
      %dma_wait3A_423 = arith.constant 0 : i32
      %dma_wait3A_424 = tpu.memref_slice %arg4[%dma_wait3A_422, %dma_wait3A_423] : memref<32768x1024xf32, #tpu.memory_space<hbm>> -> memref<8x1024xf32, #tpu.memory_space<hbm>>
      %dma_wait3A_425 = arith.constant 0 : i32
      %dma_wait3A_426 = arith.constant 0 : i32
      %dma_wait3A_427 = tpu.memref_slice %arg5[%dma_wait3A_414, %dma_wait3A_425, %dma_wait3A_426] : memref<4x16x1024xf32, #tpu.memory_space<vmem>> -> memref<1x8x1024xf32, #tpu.memory_space<vmem>>
      %dma_wait3A_428 = tpu.memref_squeeze %dma_wait3A_427 : memref<1x8x1024xf32, #tpu.memory_space<vmem>> -> memref<8x1024xf32, #tpu.memory_space<vmem>>
      tpu.wait_dma2 semaphore(%arg12 : memref<!tpu.dma_semaphore, #tpu.memory_space<semaphore_mem>>) src(%dma_wait3A_428 : memref<8x1024xf32, #tpu.memory_space<vmem>>) dst(%dma_wait3A_424 : memref<8x1024xf32, #tpu.memory_space<hbm>>)
      %dma_wait3A_429 = arith.constant 1 : i32
      %dma_wait3A_430 = arith.constant 8 : i32
      %dma_wait3A_431 = arith.constant 0 : i32
      %dma_wait3A_432 = tpu.memref_slice %arg5[%dma_wait3A_429, %dma_wait3A_430, %dma_wait3A_431] : memref<4x16x1024xf32, #tpu.memory_space<vmem>> -> memref<1x8x1024xf32, #tpu.memory_space<vmem>>
      %dma_wait3A_433 = tpu.memref_squeeze %dma_wait3A_432 : memref<1x8x1024xf32, #tpu.memory_space<vmem>> -> memref<8x1024xf32, #tpu.memory_space<vmem>>
      %dma_wait3A_434 = arith.constant 0 : i32
      %dma_wait3A_435 = arith.constant 0 : i32
      %dma_wait3A_436 = tpu.memref_slice %arg4[%dma_wait3A_434, %dma_wait3A_435] : memref<32768x1024xf32, #tpu.memory_space<hbm>> -> memref<8x1024xf32, #tpu.memory_space<hbm>>
      %dma_wait3A_437 = arith.constant 0 : i32
      %dma_wait3A_438 = arith.constant 0 : i32
      %dma_wait3A_439 = tpu.memref_slice %arg4[%dma_wait3A_437, %dma_wait3A_438] : memref<32768x1024xf32, #tpu.memory_space<hbm>> -> memref<8x1024xf32, #tpu.memory_space<hbm>>
      %dma_wait3A_440 = arith.constant 8 : i32
      %dma_wait3A_441 = arith.constant 0 : i32
      %dma_wait3A_442 = tpu.memref_slice %arg5[%dma_wait3A_429, %dma_wait3A_440, %dma_wait3A_441] : memref<4x16x1024xf32, #tpu.memory_space<vmem>> -> memref<1x8x1024xf32, #tpu.memory_space<vmem>>
      %dma_wait3A_443 = tpu.memref_squeeze %dma_wait3A_442 : memref<1x8x1024xf32, #tpu.memory_space<vmem>> -> memref<8x1024xf32, #tpu.memory_space<vmem>>
      tpu.wait_dma2 semaphore(%arg12 : memref<!tpu.dma_semaphore, #tpu.memory_space<semaphore_mem>>) src(%dma_wait3A_443 : memref<8x1024xf32, #tpu.memory_space<vmem>>) dst(%dma_wait3A_439 : memref<8x1024xf32, #tpu.memory_space<hbm>>)
      %lt3A_444 = arith.constant 15 : i32
      %lt3A_445 = arith.cmpi slt, %scan3A_147, %lt3A_444 : i32
      %convert_element_type3A_446 = arith.extui %lt3A_445 : i1 to i32
      %cond3A_447 = arith.constant 0 : i32
      %cond3A_448 = arith.cmpi ne, %convert_element_type3A_446, %cond3A_447 : i32
      scf.if %cond3A_448 {
        %add3A_510 = arith.constant 1 : i32
        %add3A_511 = arith.addi %scan3A_147, %add3A_510 : i32
        %add3A_512 = arith.constant 8192 : i32
        %add3A_513 = arith.addi %add3A_512, %mul3A_2 : i32
        %mul3A_514 = arith.constant 16 : i32
        %mul3A_515 = arith.muli %add3A_511, %mul3A_514 : i32
        %add3A_516 = arith.addi %add3A_513, %mul3A_515 : i32
        %dma_start3A_517 = arith.constant 1 : i32
        %dma_start3A_518 = arith.constant 0 : i32
        %dma_start3A_519 = arith.constant 0 : i32
        %dma_start3A_520 = tpu.memref_slice %arg5[%dma_start3A_517, %dma_start3A_518, %dma_start3A_519] : memref<4x16x1024xf32, #tpu.memory_space<vmem>> -> memref<1x16x1024xf32, #tpu.memory_space<vmem>>
        %dma_start3A_521 = tpu.memref_squeeze %dma_start3A_520 : memref<1x16x1024xf32, #tpu.memory_space<vmem>> -> memref<16x1024xf32, #tpu.memory_space<vmem>>
        %dma_start3A_522 = arith.constant 0 : i32
        %dma_start3A_523 = tpu.memref_slice %arg2[%add3A_516, %dma_start3A_522] : memref<32768x1024xf32, #tpu.memory_space<hbm>> -> memref<16x1024xf32, #tpu.memory_space<hbm>>
        %dma_start3A_524 = arith.constant 0 : i32
        %dma_start3A_525 = arith.constant 0 : i32
        %dma_start3A_526 = tpu.memref_slice %arg5[%dma_start3A_517, %dma_start3A_524, %dma_start3A_525] : memref<4x16x1024xf32, #tpu.memory_space<vmem>> -> memref<1x16x1024xf32, #tpu.memory_space<vmem>>
        %dma_start3A_527 = tpu.memref_squeeze %dma_start3A_526 : memref<1x16x1024xf32, #tpu.memory_space<vmem>> -> memref<16x1024xf32, #tpu.memory_space<vmem>>
        %dma_start3A_528 = arith.constant 0 : i32
        %dma_start3A_529 = tpu.memref_slice %arg2[%add3A_516, %dma_start3A_528] : memref<32768x1024xf32, #tpu.memory_space<hbm>> -> memref<16x1024xf32, #tpu.memory_space<hbm>>
        tpu.enqueue_dma source(%dma_start3A_529 : memref<16x1024xf32, #tpu.memory_space<hbm>>) target(%dma_start3A_527 : memref<16x1024xf32, #tpu.memory_space<vmem>>) target_semaphore(%arg8 : memref<!tpu.dma_semaphore, #tpu.memory_space<semaphore_mem>>)
      } else {
      }
      %dma_wait3A_449 = arith.constant 3 : i32
      %dma_wait3A_450 = arith.constant 0 : i32
      %dma_wait3A_451 = arith.constant 0 : i32
      %dma_wait3A_452 = tpu.memref_slice %arg5[%dma_wait3A_449, %dma_wait3A_450, %dma_wait3A_451] : memref<4x16x1024xf32, #tpu.memory_space<vmem>> -> memref<1x16x1024xf32, #tpu.memory_space<vmem>>
      %dma_wait3A_453 = tpu.memref_squeeze %dma_wait3A_452 : memref<1x16x1024xf32, #tpu.memory_space<vmem>> -> memref<16x1024xf32, #tpu.memory_space<vmem>>
      %dma_wait3A_454 = arith.constant 0 : i32
      %dma_wait3A_455 = arith.constant 0 : i32
      %dma_wait3A_456 = tpu.memref_slice %arg2[%dma_wait3A_454, %dma_wait3A_455] : memref<32768x1024xf32, #tpu.memory_space<hbm>> -> memref<16x1024xf32, #tpu.memory_space<hbm>>
      %dma_wait3A_457 = arith.constant 0 : i32
      %dma_wait3A_458 = arith.constant 0 : i32
      %dma_wait3A_459 = tpu.memref_slice %arg5[%dma_wait3A_449, %dma_wait3A_457, %dma_wait3A_458] : memref<4x16x1024xf32, #tpu.memory_space<vmem>> -> memref<1x16x1024xf32, #tpu.memory_space<vmem>>
      %dma_wait3A_460 = tpu.memref_squeeze %dma_wait3A_459 : memref<1x16x1024xf32, #tpu.memory_space<vmem>> -> memref<16x1024xf32, #tpu.memory_space<vmem>>
      %dma_wait3A_461 = arith.constant 0 : i32
      %dma_wait3A_462 = arith.constant 0 : i32
      %dma_wait3A_463 = tpu.memref_slice %arg2[%dma_wait3A_461, %dma_wait3A_462] : memref<32768x1024xf32, #tpu.memory_space<hbm>> -> memref<16x1024xf32, #tpu.memory_space<hbm>>
      tpu.wait_dma2 semaphore(%arg10 : memref<!tpu.dma_semaphore, #tpu.memory_space<semaphore_mem>>) src(%dma_wait3A_463 : memref<16x1024xf32, #tpu.memory_space<hbm>>) dst(%dma_wait3A_460 : memref<16x1024xf32, #tpu.memory_space<vmem>>)
      %parallel_loop3A_464 = arith.constant 0 : i32
      %parallel_loop3A_465 = arith.constant 64 : i32
      %parallel_loop3A_466 = arith.constant 1 : i32
      scf.for %parallel_loop3A_510 = %parallel_loop3A_464 to %parallel_loop3A_465 step %parallel_loop3A_466  : i32 {
        %parallel_loop3A_511 = arith.constant 16 : i32
        %parallel_loop3A_512 = arith.muli %parallel_loop3A_510, %parallel_loop3A_511 : i32
        %parallel_loop3A_513 = arith.constant 0 : i32
        %parallel_loop3A_514 = arith.index_cast %rem3A_148 : i32 to index
        %parallel_loop3A_515 = arith.index_cast %parallel_loop3A_513 : i32 to index
        %parallel_loop3A_516 = arith.index_cast %parallel_loop3A_512 : i32 to index
        %parallel_loop3A_517 = tpu.vector_load %arg6[%parallel_loop3A_514, %parallel_loop3A_515, %parallel_loop3A_516] {strides = array<i32>} : memref<2x16x1024xf32, #tpu.memory_space<vmem>>, vector<1x1x16xf32>,
        %parallel_loop3A_518 = vector.shape_cast %parallel_loop3A_517 : vector<1x1x16xf32> to vector<16xf32>
        %parallel_loop3A_519 = arith.constant 3 : i32
        %parallel_loop3A_520 = arith.constant 0 : i32
        %parallel_loop3A_521 = arith.index_cast %parallel_loop3A_519 : i32 to index
        %parallel_loop3A_522 = arith.index_cast %parallel_loop3A_520 : i32 to index
        %parallel_loop3A_523 = arith.index_cast %parallel_loop3A_512 : i32 to index
        %parallel_loop3A_524 = tpu.vector_load %arg5[%parallel_loop3A_521, %parallel_loop3A_522, %parallel_loop3A_523] {strides = array<i32>} : memref<4x16x1024xf32, #tpu.memory_space<vmem>>, vector<1x1x16xf32>,
        %parallel_loop3A_525 = vector.shape_cast %parallel_loop3A_524 : vector<1x1x16xf32> to vector<16xf32>
        %parallel_loop3A_526 = vector.shape_cast %parallel_loop3A_518 : vector<16xf32> to vector<1x1x16xf32>
        tpu.vector_store %arg5[%parallel_loop3A_521, %parallel_loop3A_522, %parallel_loop3A_523], %parallel_loop3A_526 {add = true, strides = array<i32>} : memref<4x16x1024xf32, #tpu.memory_space<vmem>>, vector<1x1x16xf32>,
        %parallel_loop3A_527 = arith.constant 1 : i32
        %parallel_loop3A_528 = arith.index_cast %rem3A_148 : i32 to index
        %parallel_loop3A_529 = arith.index_cast %parallel_loop3A_527 : i32 to index
        %parallel_loop3A_530 = arith.index_cast %parallel_loop3A_512 : i32 to index
        %parallel_loop3A_531 = tpu.vector_load %arg6[%parallel_loop3A_528, %parallel_loop3A_529, %parallel_loop3A_530] {strides = array<i32>} : memref<2x16x1024xf32, #tpu.memory_space<vmem>>, vector<1x1x16xf32>,
        %parallel_loop3A_532 = vector.shape_cast %parallel_loop3A_531 : vector<1x1x16xf32> to vector<16xf32>
        %parallel_loop3A_533 = arith.constant 3 : i32
        %parallel_loop3A_534 = arith.constant 1 : i32
        %parallel_loop3A_535 = arith.index_cast %parallel_loop3A_533 : i32 to index
        %parallel_loop3A_536 = arith.index_cast %parallel_loop3A_534 : i32 to index
        %parallel_loop3A_537 = arith.index_cast %parallel_loop3A_512 : i32 to index
        %parallel_loop3A_538 = tpu.vector_load %arg5[%parallel_loop3A_535, %parallel_loop3A_536, %parallel_loop3A_537] {strides = array<i32>} : memref<4x16x1024xf32, #tpu.memory_space<vmem>>, vector<1x1x16xf32>,
        %parallel_loop3A_539 = vector.shape_cast %parallel_loop3A_538 : vector<1x1x16xf32> to vector<16xf32>
        %parallel_loop3A_540 = vector.shape_cast %parallel_loop3A_532 : vector<16xf32> to vector<1x1x16xf32>
        tpu.vector_store %arg5[%parallel_loop3A_535, %parallel_loop3A_536, %parallel_loop3A_537], %parallel_loop3A_540 {add = true, strides = array<i32>} : memref<4x16x1024xf32, #tpu.memory_space<vmem>>, vector<1x1x16xf32>,
        %parallel_loop3A_541 = arith.constant 2 : i32
        %parallel_loop3A_542 = arith.index_cast %rem3A_148 : i32 to index
        %parallel_loop3A_543 = arith.index_cast %parallel_loop3A_541 : i32 to index
        %parallel_loop3A_544 = arith.index_cast %parallel_loop3A_512 : i32 to index
        %parallel_loop3A_545 = tpu.vector_load %arg6[%parallel_loop3A_542, %parallel_loop3A_543, %parallel_loop3A_544] {strides = array<i32>} : memref<2x16x1024xf32, #tpu.memory_space<vmem>>, vector<1x1x16xf32>,
        %parallel_loop3A_546 = vector.shape_cast %parallel_loop3A_545 : vector<1x1x16xf32> to vector<16xf32>
        %parallel_loop3A_547 = arith.constant 3 : i32
        %parallel_loop3A_548 = arith.constant 2 : i32
        %parallel_loop3A_549 = arith.index_cast %parallel_loop3A_547 : i32 to index
        %parallel_loop3A_550 = arith.index_cast %parallel_loop3A_548 : i32 to index
        %parallel_loop3A_551 = arith.index_cast %parallel_loop3A_512 : i32 to index
        %parallel_loop3A_552 = tpu.vector_load %arg5[%parallel_loop3A_549, %parallel_loop3A_550, %parallel_loop3A_551] {strides = array<i32>} : memref<4x16x1024xf32, #tpu.memory_space<vmem>>, vector<1x1x16xf32>,
        %parallel_loop3A_553 = vector.shape_cast %parallel_loop3A_552 : vector<1x1x16xf32> to vector<16xf32>
        %parallel_loop3A_554 = vector.shape_cast %parallel_loop3A_546 : vector<16xf32> to vector<1x1x16xf32>
        tpu.vector_store %arg5[%parallel_loop3A_549, %parallel_loop3A_550, %parallel_loop3A_551], %parallel_loop3A_554 {add = true, strides = array<i32>} : memref<4x16x1024xf32, #tpu.memory_space<vmem>>, vector<1x1x16xf32>,
        %parallel_loop3A_555 = arith.constant 3 : i32
        %parallel_loop3A_556 = arith.index_cast %rem3A_148 : i32 to index
        %parallel_loop3A_557 = arith.index_cast %parallel_loop3A_555 : i32 to index
        %parallel_loop3A_558 = arith.index_cast %parallel_loop3A_512 : i32 to index
        %parallel_loop3A_559 = tpu.vector_load %arg6[%parallel_loop3A_556, %parallel_loop3A_557, %parallel_loop3A_558] {strides = array<i32>} : memref<2x16x1024xf32, #tpu.memory_space<vmem>>, vector<1x1x16xf32>,
        %parallel_loop3A_560 = vector.shape_cast %parallel_loop3A_559 : vector<1x1x16xf32> to vector<16xf32>
        %parallel_loop3A_561 = arith.constant 3 : i32
        %parallel_loop3A_562 = arith.constant 3 : i32
        %parallel_loop3A_563 = arith.index_cast %parallel_loop3A_561 : i32 to index
        %parallel_loop3A_564 = arith.index_cast %parallel_loop3A_562 : i32 to index
        %parallel_loop3A_565 = arith.index_cast %parallel_loop3A_512 : i32 to index
        %parallel_loop3A_566 = tpu.vector_load %arg5[%parallel_loop3A_563, %parallel_loop3A_564, %parallel_loop3A_565] {strides = array<i32>} : memref<4x16x1024xf32, #tpu.memory_space<vmem>>, vector<1x1x16xf32>,
        %parallel_loop3A_567 = vector.shape_cast %parallel_loop3A_566 : vector<1x1x16xf32> to vector<16xf32>
        %parallel_loop3A_568 = vector.shape_cast %parallel_loop3A_560 : vector<16xf32> to vector<1x1x16xf32>
        tpu.vector_store %arg5[%parallel_loop3A_563, %parallel_loop3A_564, %parallel_loop3A_565], %parallel_loop3A_568 {add = true, strides = array<i32>} : memref<4x16x1024xf32, #tpu.memory_space<vmem>>, vector<1x1x16xf32>,
        %parallel_loop3A_569 = arith.constant 4 : i32
        %parallel_loop3A_570 = arith.index_cast %rem3A_148 : i32 to index
        %parallel_loop3A_571 = arith.index_cast %parallel_loop3A_569 : i32 to index
        %parallel_loop3A_572 = arith.index_cast %parallel_loop3A_512 : i32 to index
        %parallel_loop3A_573 = tpu.vector_load %arg6[%parallel_loop3A_570, %parallel_loop3A_571, %parallel_loop3A_572] {strides = array<i32>} : memref<2x16x1024xf32, #tpu.memory_space<vmem>>, vector<1x1x16xf32>,
        %parallel_loop3A_574 = vector.shape_cast %parallel_loop3A_573 : vector<1x1x16xf32> to vector<16xf32>
        %parallel_loop3A_575 = arith.constant 3 : i32
        %parallel_loop3A_576 = arith.constant 4 : i32
        %parallel_loop3A_577 = arith.index_cast %parallel_loop3A_575 : i32 to index
        %parallel_loop3A_578 = arith.index_cast %parallel_loop3A_576 : i32 to index
        %parallel_loop3A_579 = arith.index_cast %parallel_loop3A_512 : i32 to index
        %parallel_loop3A_580 = tpu.vector_load %arg5[%parallel_loop3A_577, %parallel_loop3A_578, %parallel_loop3A_579] {strides = array<i32>} : memref<4x16x1024xf32, #tpu.memory_space<vmem>>, vector<1x1x16xf32>,
        %parallel_loop3A_581 = vector.shape_cast %parallel_loop3A_580 : vector<1x1x16xf32> to vector<16xf32>
        %parallel_loop3A_582 = vector.shape_cast %parallel_loop3A_574 : vector<16xf32> to vector<1x1x16xf32>
        tpu.vector_store %arg5[%parallel_loop3A_577, %parallel_loop3A_578, %parallel_loop3A_579], %parallel_loop3A_582 {add = true, strides = array<i32>} : memref<4x16x1024xf32, #tpu.memory_space<vmem>>, vector<1x1x16xf32>,
        %parallel_loop3A_583 = arith.constant 5 : i32
        %parallel_loop3A_584 = arith.index_cast %rem3A_148 : i32 to index
        %parallel_loop3A_585 = arith.index_cast %parallel_loop3A_583 : i32 to index
        %parallel_loop3A_586 = arith.index_cast %parallel_loop3A_512 : i32 to index
        %parallel_loop3A_587 = tpu.vector_load %arg6[%parallel_loop3A_584, %parallel_loop3A_585, %parallel_loop3A_586] {strides = array<i32>} : memref<2x16x1024xf32, #tpu.memory_space<vmem>>, vector<1x1x16xf32>,
        %parallel_loop3A_588 = vector.shape_cast %parallel_loop3A_587 : vector<1x1x16xf32> to vector<16xf32>
        %parallel_loop3A_589 = arith.constant 3 : i32
        %parallel_loop3A_590 = arith.constant 5 : i32
        %parallel_loop3A_591 = arith.index_cast %parallel_loop3A_589 : i32 to index
        %parallel_loop3A_592 = arith.index_cast %parallel_loop3A_590 : i32 to index
        %parallel_loop3A_593 = arith.index_cast %parallel_loop3A_512 : i32 to index
        %parallel_loop3A_594 = tpu.vector_load %arg5[%parallel_loop3A_591, %parallel_loop3A_592, %parallel_loop3A_593] {strides = array<i32>} : memref<4x16x1024xf32, #tpu.memory_space<vmem>>, vector<1x1x16xf32>,
        %parallel_loop3A_595 = vector.shape_cast %parallel_loop3A_594 : vector<1x1x16xf32> to vector<16xf32>
        %parallel_loop3A_596 = vector.shape_cast %parallel_loop3A_588 : vector<16xf32> to vector<1x1x16xf32>
        tpu.vector_store %arg5[%parallel_loop3A_591, %parallel_loop3A_592, %parallel_loop3A_593], %parallel_loop3A_596 {add = true, strides = array<i32>} : memref<4x16x1024xf32, #tpu.memory_space<vmem>>, vector<1x1x16xf32>,
        %parallel_loop3A_597 = arith.constant 6 : i32
        %parallel_loop3A_598 = arith.index_cast %rem3A_148 : i32 to index
        %parallel_loop3A_599 = arith.index_cast %parallel_loop3A_597 : i32 to index
        %parallel_loop3A_600 = arith.index_cast %parallel_loop3A_512 : i32 to index
        %parallel_loop3A_601 = tpu.vector_load %arg6[%parallel_loop3A_598, %parallel_loop3A_599, %parallel_loop3A_600] {strides = array<i32>} : memref<2x16x1024xf32, #tpu.memory_space<vmem>>, vector<1x1x16xf32>,
        %parallel_loop3A_602 = vector.shape_cast %parallel_loop3A_601 : vector<1x1x16xf32> to vector<16xf32>
        %parallel_loop3A_603 = arith.constant 3 : i32
        %parallel_loop3A_604 = arith.constant 6 : i32
        %parallel_loop3A_605 = arith.index_cast %parallel_loop3A_603 : i32 to index
        %parallel_loop3A_606 = arith.index_cast %parallel_loop3A_604 : i32 to index
        %parallel_loop3A_607 = arith.index_cast %parallel_loop3A_512 : i32 to index
        %parallel_loop3A_608 = tpu.vector_load %arg5[%parallel_loop3A_605, %parallel_loop3A_606, %parallel_loop3A_607] {strides = array<i32>} : memref<4x16x1024xf32, #tpu.memory_space<vmem>>, vector<1x1x16xf32>,
        %parallel_loop3A_609 = vector.shape_cast %parallel_loop3A_608 : vector<1x1x16xf32> to vector<16xf32>
        %parallel_loop3A_610 = vector.shape_cast %parallel_loop3A_602 : vector<16xf32> to vector<1x1x16xf32>
        tpu.vector_store %arg5[%parallel_loop3A_605, %parallel_loop3A_606, %parallel_loop3A_607], %parallel_loop3A_610 {add = true, strides = array<i32>} : memref<4x16x1024xf32, #tpu.memory_space<vmem>>, vector<1x1x16xf32>,
        %parallel_loop3A_611 = arith.constant 7 : i32
        %parallel_loop3A_612 = arith.index_cast %rem3A_148 : i32 to index
        %parallel_loop3A_613 = arith.index_cast %parallel_loop3A_611 : i32 to index
        %parallel_loop3A_614 = arith.index_cast %parallel_loop3A_512 : i32 to index
        %parallel_loop3A_615 = tpu.vector_load %arg6[%parallel_loop3A_612, %parallel_loop3A_613, %parallel_loop3A_614] {strides = array<i32>} : memref<2x16x1024xf32, #tpu.memory_space<vmem>>, vector<1x1x16xf32>,
        %parallel_loop3A_616 = vector.shape_cast %parallel_loop3A_615 : vector<1x1x16xf32> to vector<16xf32>
        %parallel_loop3A_617 = arith.constant 3 : i32
        %parallel_loop3A_618 = arith.constant 7 : i32
        %parallel_loop3A_619 = arith.index_cast %parallel_loop3A_617 : i32 to index
        %parallel_loop3A_620 = arith.index_cast %parallel_loop3A_618 : i32 to index
        %parallel_loop3A_621 = arith.index_cast %parallel_loop3A_512 : i32 to index
        %parallel_loop3A_622 = tpu.vector_load %arg5[%parallel_loop3A_619, %parallel_loop3A_620, %parallel_loop3A_621] {strides = array<i32>} : memref<4x16x1024xf32, #tpu.memory_space<vmem>>, vector<1x1x16xf32>,
        %parallel_loop3A_623 = vector.shape_cast %parallel_loop3A_622 : vector<1x1x16xf32> to vector<16xf32>
        %parallel_loop3A_624 = vector.shape_cast %parallel_loop3A_616 : vector<16xf32> to vector<1x1x16xf32>
        tpu.vector_store %arg5[%parallel_loop3A_619, %parallel_loop3A_620, %parallel_loop3A_621], %parallel_loop3A_624 {add = true, strides = array<i32>} : memref<4x16x1024xf32, #tpu.memory_space<vmem>>, vector<1x1x16xf32>,
      } {sc.loop_unroll_factor = 1 : i64, sc.parallel_access}
      %add3A_467 = arith.constant 24576 : i32
      %add3A_468 = arith.addi %add3A_467, %mul3A_2 : i32
      %mul3A_469 = arith.constant 16 : i32
      %mul3A_470 = arith.muli %scan3A_147, %mul3A_469 : i32
      %add3A_471 = arith.addi %add3A_468, %mul3A_470 : i32
      %add3A_472 = arith.constant 0 : i32
      %add3A_473 = arith.addi %add3A_471, %add3A_472 : i32
      %dma_start3A_474 = arith.constant 3 : i32
      %dma_start3A_475 = arith.constant 0 : i32
      %dma_start3A_476 = arith.constant 0 : i32
      %dma_start3A_477 = tpu.memref_slice %arg5[%dma_start3A_474, %dma_start3A_475, %dma_start3A_476] : memref<4x16x1024xf32, #tpu.memory_space<vmem>> -> memref<1x8x1024xf32, #tpu.memory_space<vmem>>
      %dma_start3A_478 = tpu.memref_squeeze %dma_start3A_477 : memref<1x8x1024xf32, #tpu.memory_space<vmem>> -> memref<8x1024xf32, #tpu.memory_space<vmem>>
      %dma_start3A_479 = arith.constant 0 : i32
      %dma_start3A_480 = tpu.memref_slice %arg4[%add3A_473, %dma_start3A_479] : memref<32768x1024xf32, #tpu.memory_space<hbm>> -> memref<8x1024xf32, #tpu.memory_space<hbm>>
      %dma_start3A_481 = arith.constant 0 : i32
      %dma_start3A_482 = tpu.memref_slice %arg4[%add3A_473, %dma_start3A_481] : memref<32768x1024xf32, #tpu.memory_space<hbm>> -> memref<8x1024xf32, #tpu.memory_space<hbm>>
      %dma_start3A_483 = arith.constant 0 : i32
      %dma_start3A_484 = arith.constant 0 : i32
      %dma_start3A_485 = tpu.memref_slice %arg5[%dma_start3A_474, %dma_start3A_483, %dma_start3A_484] : memref<4x16x1024xf32, #tpu.memory_space<vmem>> -> memref<1x8x1024xf32, #tpu.memory_space<vmem>>
      %dma_start3A_486 = tpu.memref_squeeze %dma_start3A_485 : memref<1x8x1024xf32, #tpu.memory_space<vmem>> -> memref<8x1024xf32, #tpu.memory_space<vmem>>
      tpu.enqueue_dma source(%dma_start3A_486 : memref<8x1024xf32, #tpu.memory_space<vmem>>) target(%dma_start3A_482 : memref<8x1024xf32, #tpu.memory_space<hbm>>) target_semaphore(%arg14 : memref<!tpu.dma_semaphore, #tpu.memory_space<semaphore_mem>>)
      %parallel_loop3A_487 = arith.constant 0 : i32
      %parallel_loop3A_488 = arith.constant 64 : i32
      %parallel_loop3A_489 = arith.constant 1 : i32
      scf.for %parallel_loop3A_510 = %parallel_loop3A_487 to %parallel_loop3A_488 step %parallel_loop3A_489  : i32 {
        %parallel_loop3A_511 = arith.constant 16 : i32
        %parallel_loop3A_512 = arith.muli %parallel_loop3A_510, %parallel_loop3A_511 : i32
        %parallel_loop3A_513 = arith.constant 8 : i32
        %parallel_loop3A_514 = arith.index_cast %rem3A_148 : i32 to index
        %parallel_loop3A_515 = arith.index_cast %parallel_loop3A_513 : i32 to index
        %parallel_loop3A_516 = arith.index_cast %parallel_loop3A_512 : i32 to index
        %parallel_loop3A_517 = tpu.vector_load %arg6[%parallel_loop3A_514, %parallel_loop3A_515, %parallel_loop3A_516] {strides = array<i32>} : memref<2x16x1024xf32, #tpu.memory_space<vmem>>, vector<1x1x16xf32>,
        %parallel_loop3A_518 = vector.shape_cast %parallel_loop3A_517 : vector<1x1x16xf32> to vector<16xf32>
        %parallel_loop3A_519 = arith.constant 3 : i32
        %parallel_loop3A_520 = arith.constant 8 : i32
        %parallel_loop3A_521 = arith.index_cast %parallel_loop3A_519 : i32 to index
        %parallel_loop3A_522 = arith.index_cast %parallel_loop3A_520 : i32 to index
        %parallel_loop3A_523 = arith.index_cast %parallel_loop3A_512 : i32 to index
        %parallel_loop3A_524 = tpu.vector_load %arg5[%parallel_loop3A_521, %parallel_loop3A_522, %parallel_loop3A_523] {strides = array<i32>} : memref<4x16x1024xf32, #tpu.memory_space<vmem>>, vector<1x1x16xf32>,
        %parallel_loop3A_525 = vector.shape_cast %parallel_loop3A_524 : vector<1x1x16xf32> to vector<16xf32>
        %parallel_loop3A_526 = vector.shape_cast %parallel_loop3A_518 : vector<16xf32> to vector<1x1x16xf32>
        tpu.vector_store %arg5[%parallel_loop3A_521, %parallel_loop3A_522, %parallel_loop3A_523], %parallel_loop3A_526 {add = true, strides = array<i32>} : memref<4x16x1024xf32, #tpu.memory_space<vmem>>, vector<1x1x16xf32>,
        %parallel_loop3A_527 = arith.constant 9 : i32
        %parallel_loop3A_528 = arith.index_cast %rem3A_148 : i32 to index
        %parallel_loop3A_529 = arith.index_cast %parallel_loop3A_527 : i32 to index
        %parallel_loop3A_530 = arith.index_cast %parallel_loop3A_512 : i32 to index
        %parallel_loop3A_531 = tpu.vector_load %arg6[%parallel_loop3A_528, %parallel_loop3A_529, %parallel_loop3A_530] {strides = array<i32>} : memref<2x16x1024xf32, #tpu.memory_space<vmem>>, vector<1x1x16xf32>,
        %parallel_loop3A_532 = vector.shape_cast %parallel_loop3A_531 : vector<1x1x16xf32> to vector<16xf32>
        %parallel_loop3A_533 = arith.constant 3 : i32
        %parallel_loop3A_534 = arith.constant 9 : i32
        %parallel_loop3A_535 = arith.index_cast %parallel_loop3A_533 : i32 to index
        %parallel_loop3A_536 = arith.index_cast %parallel_loop3A_534 : i32 to index
        %parallel_loop3A_537 = arith.index_cast %parallel_loop3A_512 : i32 to index
        %parallel_loop3A_538 = tpu.vector_load %arg5[%parallel_loop3A_535, %parallel_loop3A_536, %parallel_loop3A_537] {strides = array<i32>} : memref<4x16x1024xf32, #tpu.memory_space<vmem>>, vector<1x1x16xf32>,
        %parallel_loop3A_539 = vector.shape_cast %parallel_loop3A_538 : vector<1x1x16xf32> to vector<16xf32>
        %parallel_loop3A_540 = vector.shape_cast %parallel_loop3A_532 : vector<16xf32> to vector<1x1x16xf32>
        tpu.vector_store %arg5[%parallel_loop3A_535, %parallel_loop3A_536, %parallel_loop3A_537], %parallel_loop3A_540 {add = true, strides = array<i32>} : memref<4x16x1024xf32, #tpu.memory_space<vmem>>, vector<1x1x16xf32>,
        %parallel_loop3A_541 = arith.constant 10 : i32
        %parallel_loop3A_542 = arith.index_cast %rem3A_148 : i32 to index
        %parallel_loop3A_543 = arith.index_cast %parallel_loop3A_541 : i32 to index
        %parallel_loop3A_544 = arith.index_cast %parallel_loop3A_512 : i32 to index
        %parallel_loop3A_545 = tpu.vector_load %arg6[%parallel_loop3A_542, %parallel_loop3A_543, %parallel_loop3A_544] {strides = array<i32>} : memref<2x16x1024xf32, #tpu.memory_space<vmem>>, vector<1x1x16xf32>,
        %parallel_loop3A_546 = vector.shape_cast %parallel_loop3A_545 : vector<1x1x16xf32> to vector<16xf32>
        %parallel_loop3A_547 = arith.constant 3 : i32
        %parallel_loop3A_548 = arith.constant 10 : i32
        %parallel_loop3A_549 = arith.index_cast %parallel_loop3A_547 : i32 to index
        %parallel_loop3A_550 = arith.index_cast %parallel_loop3A_548 : i32 to index
        %parallel_loop3A_551 = arith.index_cast %parallel_loop3A_512 : i32 to index
        %parallel_loop3A_552 = tpu.vector_load %arg5[%parallel_loop3A_549, %parallel_loop3A_550, %parallel_loop3A_551] {strides = array<i32>} : memref<4x16x1024xf32, #tpu.memory_space<vmem>>, vector<1x1x16xf32>,
        %parallel_loop3A_553 = vector.shape_cast %parallel_loop3A_552 : vector<1x1x16xf32> to vector<16xf32>
        %parallel_loop3A_554 = vector.shape_cast %parallel_loop3A_546 : vector<16xf32> to vector<1x1x16xf32>
        tpu.vector_store %arg5[%parallel_loop3A_549, %parallel_loop3A_550, %parallel_loop3A_551], %parallel_loop3A_554 {add = true, strides = array<i32>} : memref<4x16x1024xf32, #tpu.memory_space<vmem>>, vector<1x1x16xf32>,
        %parallel_loop3A_555 = arith.constant 11 : i32
        %parallel_loop3A_556 = arith.index_cast %rem3A_148 : i32 to index
        %parallel_loop3A_557 = arith.index_cast %parallel_loop3A_555 : i32 to index
        %parallel_loop3A_558 = arith.index_cast %parallel_loop3A_512 : i32 to index
        %parallel_loop3A_559 = tpu.vector_load %arg6[%parallel_loop3A_556, %parallel_loop3A_557, %parallel_loop3A_558] {strides = array<i32>} : memref<2x16x1024xf32, #tpu.memory_space<vmem>>, vector<1x1x16xf32>,
        %parallel_loop3A_560 = vector.shape_cast %parallel_loop3A_559 : vector<1x1x16xf32> to vector<16xf32>
        %parallel_loop3A_561 = arith.constant 3 : i32
        %parallel_loop3A_562 = arith.constant 11 : i32
        %parallel_loop3A_563 = arith.index_cast %parallel_loop3A_561 : i32 to index
        %parallel_loop3A_564 = arith.index_cast %parallel_loop3A_562 : i32 to index
        %parallel_loop3A_565 = arith.index_cast %parallel_loop3A_512 : i32 to index
        %parallel_loop3A_566 = tpu.vector_load %arg5[%parallel_loop3A_563, %parallel_loop3A_564, %parallel_loop3A_565] {strides = array<i32>} : memref<4x16x1024xf32, #tpu.memory_space<vmem>>, vector<1x1x16xf32>,
        %parallel_loop3A_567 = vector.shape_cast %parallel_loop3A_566 : vector<1x1x16xf32> to vector<16xf32>
        %parallel_loop3A_568 = vector.shape_cast %parallel_loop3A_560 : vector<16xf32> to vector<1x1x16xf32>
        tpu.vector_store %arg5[%parallel_loop3A_563, %parallel_loop3A_564, %parallel_loop3A_565], %parallel_loop3A_568 {add = true, strides = array<i32>} : memref<4x16x1024xf32, #tpu.memory_space<vmem>>, vector<1x1x16xf32>,
        %parallel_loop3A_569 = arith.constant 12 : i32
        %parallel_loop3A_570 = arith.index_cast %rem3A_148 : i32 to index
        %parallel_loop3A_571 = arith.index_cast %parallel_loop3A_569 : i32 to index
        %parallel_loop3A_572 = arith.index_cast %parallel_loop3A_512 : i32 to index
        %parallel_loop3A_573 = tpu.vector_load %arg6[%parallel_loop3A_570, %parallel_loop3A_571, %parallel_loop3A_572] {strides = array<i32>} : memref<2x16x1024xf32, #tpu.memory_space<vmem>>, vector<1x1x16xf32>,
        %parallel_loop3A_574 = vector.shape_cast %parallel_loop3A_573 : vector<1x1x16xf32> to vector<16xf32>
        %parallel_loop3A_575 = arith.constant 3 : i32
        %parallel_loop3A_576 = arith.constant 12 : i32
        %parallel_loop3A_577 = arith.index_cast %parallel_loop3A_575 : i32 to index
        %parallel_loop3A_578 = arith.index_cast %parallel_loop3A_576 : i32 to index
        %parallel_loop3A_579 = arith.index_cast %parallel_loop3A_512 : i32 to index
        %parallel_loop3A_580 = tpu.vector_load %arg5[%parallel_loop3A_577, %parallel_loop3A_578, %parallel_loop3A_579] {strides = array<i32>} : memref<4x16x1024xf32, #tpu.memory_space<vmem>>, vector<1x1x16xf32>,
        %parallel_loop3A_581 = vector.shape_cast %parallel_loop3A_580 : vector<1x1x16xf32> to vector<16xf32>
        %parallel_loop3A_582 = vector.shape_cast %parallel_loop3A_574 : vector<16xf32> to vector<1x1x16xf32>
        tpu.vector_store %arg5[%parallel_loop3A_577, %parallel_loop3A_578, %parallel_loop3A_579], %parallel_loop3A_582 {add = true, strides = array<i32>} : memref<4x16x1024xf32, #tpu.memory_space<vmem>>, vector<1x1x16xf32>,
        %parallel_loop3A_583 = arith.constant 13 : i32
        %parallel_loop3A_584 = arith.index_cast %rem3A_148 : i32 to index
        %parallel_loop3A_585 = arith.index_cast %parallel_loop3A_583 : i32 to index
        %parallel_loop3A_586 = arith.index_cast %parallel_loop3A_512 : i32 to index
        %parallel_loop3A_587 = tpu.vector_load %arg6[%parallel_loop3A_584, %parallel_loop3A_585, %parallel_loop3A_586] {strides = array<i32>} : memref<2x16x1024xf32, #tpu.memory_space<vmem>>, vector<1x1x16xf32>,
        %parallel_loop3A_588 = vector.shape_cast %parallel_loop3A_587 : vector<1x1x16xf32> to vector<16xf32>
        %parallel_loop3A_589 = arith.constant 3 : i32
        %parallel_loop3A_590 = arith.constant 13 : i32
        %parallel_loop3A_591 = arith.index_cast %parallel_loop3A_589 : i32 to index
        %parallel_loop3A_592 = arith.index_cast %parallel_loop3A_590 : i32 to index
        %parallel_loop3A_593 = arith.index_cast %parallel_loop3A_512 : i32 to index
        %parallel_loop3A_594 = tpu.vector_load %arg5[%parallel_loop3A_591, %parallel_loop3A_592, %parallel_loop3A_593] {strides = array<i32>} : memref<4x16x1024xf32, #tpu.memory_space<vmem>>, vector<1x1x16xf32>,
        %parallel_loop3A_595 = vector.shape_cast %parallel_loop3A_594 : vector<1x1x16xf32> to vector<16xf32>
        %parallel_loop3A_596 = vector.shape_cast %parallel_loop3A_588 : vector<16xf32> to vector<1x1x16xf32>
        tpu.vector_store %arg5[%parallel_loop3A_591, %parallel_loop3A_592, %parallel_loop3A_593], %parallel_loop3A_596 {add = true, strides = array<i32>} : memref<4x16x1024xf32, #tpu.memory_space<vmem>>, vector<1x1x16xf32>,
        %parallel_loop3A_597 = arith.constant 14 : i32
        %parallel_loop3A_598 = arith.index_cast %rem3A_148 : i32 to index
        %parallel_loop3A_599 = arith.index_cast %parallel_loop3A_597 : i32 to index
        %parallel_loop3A_600 = arith.index_cast %parallel_loop3A_512 : i32 to index
        %parallel_loop3A_601 = tpu.vector_load %arg6[%parallel_loop3A_598, %parallel_loop3A_599, %parallel_loop3A_600] {strides = array<i32>} : memref<2x16x1024xf32, #tpu.memory_space<vmem>>, vector<1x1x16xf32>,
        %parallel_loop3A_602 = vector.shape_cast %parallel_loop3A_601 : vector<1x1x16xf32> to vector<16xf32>
        %parallel_loop3A_603 = arith.constant 3 : i32
        %parallel_loop3A_604 = arith.constant 14 : i32
        %parallel_loop3A_605 = arith.index_cast %parallel_loop3A_603 : i32 to index
        %parallel_loop3A_606 = arith.index_cast %parallel_loop3A_604 : i32 to index
        %parallel_loop3A_607 = arith.index_cast %parallel_loop3A_512 : i32 to index
        %parallel_loop3A_608 = tpu.vector_load %arg5[%parallel_loop3A_605, %parallel_loop3A_606, %parallel_loop3A_607] {strides = array<i32>} : memref<4x16x1024xf32, #tpu.memory_space<vmem>>, vector<1x1x16xf32>,
        %parallel_loop3A_609 = vector.shape_cast %parallel_loop3A_608 : vector<1x1x16xf32> to vector<16xf32>
        %parallel_loop3A_610 = vector.shape_cast %parallel_loop3A_602 : vector<16xf32> to vector<1x1x16xf32>
        tpu.vector_store %arg5[%parallel_loop3A_605, %parallel_loop3A_606, %parallel_loop3A_607], %parallel_loop3A_610 {add = true, strides = array<i32>} : memref<4x16x1024xf32, #tpu.memory_space<vmem>>, vector<1x1x16xf32>,
        %parallel_loop3A_611 = arith.constant 15 : i32
        %parallel_loop3A_612 = arith.index_cast %rem3A_148 : i32 to index
        %parallel_loop3A_613 = arith.index_cast %parallel_loop3A_611 : i32 to index
        %parallel_loop3A_614 = arith.index_cast %parallel_loop3A_512 : i32 to index
        %parallel_loop3A_615 = tpu.vector_load %arg6[%parallel_loop3A_612, %parallel_loop3A_613, %parallel_loop3A_614] {strides = array<i32>} : memref<2x16x1024xf32, #tpu.memory_space<vmem>>, vector<1x1x16xf32>,
        %parallel_loop3A_616 = vector.shape_cast %parallel_loop3A_615 : vector<1x1x16xf32> to vector<16xf32>
        %parallel_loop3A_617 = arith.constant 3 : i32
        %parallel_loop3A_618 = arith.constant 15 : i32
        %parallel_loop3A_619 = arith.index_cast %parallel_loop3A_617 : i32 to index
        %parallel_loop3A_620 = arith.index_cast %parallel_loop3A_618 : i32 to index
        %parallel_loop3A_621 = arith.index_cast %parallel_loop3A_512 : i32 to index
        %parallel_loop3A_622 = tpu.vector_load %arg5[%parallel_loop3A_619, %parallel_loop3A_620, %parallel_loop3A_621] {strides = array<i32>} : memref<4x16x1024xf32, #tpu.memory_space<vmem>>, vector<1x1x16xf32>,
        %parallel_loop3A_623 = vector.shape_cast %parallel_loop3A_622 : vector<1x1x16xf32> to vector<16xf32>
        %parallel_loop3A_624 = vector.shape_cast %parallel_loop3A_616 : vector<16xf32> to vector<1x1x16xf32>
        tpu.vector_store %arg5[%parallel_loop3A_619, %parallel_loop3A_620, %parallel_loop3A_621], %parallel_loop3A_624 {add = true, strides = array<i32>} : memref<4x16x1024xf32, #tpu.memory_space<vmem>>, vector<1x1x16xf32>,
      } {sc.loop_unroll_factor = 1 : i64, sc.parallel_access}
      %add3A_490 = arith.constant 24576 : i32
      %add3A_491 = arith.addi %add3A_490, %mul3A_2 : i32
      %mul3A_492 = arith.constant 16 : i32
      %mul3A_493 = arith.muli %scan3A_147, %mul3A_492 : i32
      %add3A_494 = arith.addi %add3A_491, %mul3A_493 : i32
      %add3A_495 = arith.constant 8 : i32
      %add3A_496 = arith.addi %add3A_494, %add3A_495 : i32
      %dma_start3A_497 = arith.constant 3 : i32
      %dma_start3A_498 = arith.constant 8 : i32
      %dma_start3A_499 = arith.constant 0 : i32
      %dma_start3A_500 = tpu.memref_slice %arg5[%dma_start3A_497, %dma_start3A_498, %dma_start3A_499] : memref<4x16x1024xf32, #tpu.memory_space<vmem>> -> memref<1x8x1024xf32, #tpu.memory_space<vmem>>
      %dma_start3A_501 = tpu.memref_squeeze %dma_start3A_500 : memref<1x8x1024xf32, #tpu.memory_space<vmem>> -> memref<8x1024xf32, #tpu.memory_space<vmem>>
      %dma_start3A_502 = arith.constant 0 : i32
      %dma_start3A_503 = tpu.memref_slice %arg4[%add3A_496, %dma_start3A_502] : memref<32768x1024xf32, #tpu.memory_space<hbm>> -> memref<8x1024xf32, #tpu.memory_space<hbm>>
      %dma_start3A_504 = arith.constant 0 : i32
      %dma_start3A_505 = tpu.memref_slice %arg4[%add3A_496, %dma_start3A_504] : memref<32768x1024xf32, #tpu.memory_space<hbm>> -> memref<8x1024xf32, #tpu.memory_space<hbm>>
      %dma_start3A_506 = arith.constant 8 : i32
      %dma_start3A_507 = arith.constant 0 : i32
      %dma_start3A_508 = tpu.memref_slice %arg5[%dma_start3A_497, %dma_start3A_506, %dma_start3A_507] : memref<4x16x1024xf32, #tpu.memory_space<vmem>> -> memref<1x8x1024xf32, #tpu.memory_space<vmem>>
      %dma_start3A_509 = tpu.memref_squeeze %dma_start3A_508 : memref<1x8x1024xf32, #tpu.memory_space<vmem>> -> memref<8x1024xf32, #tpu.memory_space<vmem>>
      tpu.enqueue_dma source(%dma_start3A_509 : memref<8x1024xf32, #tpu.memory_space<vmem>>) target(%dma_start3A_505 : memref<8x1024xf32, #tpu.memory_space<hbm>>) target_semaphore(%arg14 : memref<!tpu.dma_semaphore, #tpu.memory_space<semaphore_mem>>)
    }
    %scan3A_87 = arith.constant 16 : i32
    %dma_wait3A = arith.constant 2 : i32
    %dma_wait3A_88 = arith.constant 0 : i32
    %dma_wait3A_89 = arith.constant 0 : i32
    %dma_wait3A_90 = tpu.memref_slice %arg5[%dma_wait3A, %dma_wait3A_88, %dma_wait3A_89] : memref<4x16x1024xf32, #tpu.memory_space<vmem>> -> memref<1x8x1024xf32, #tpu.memory_space<vmem>>
    %dma_wait3A_91 = tpu.memref_squeeze %dma_wait3A_90 : memref<1x8x1024xf32, #tpu.memory_space<vmem>> -> memref<8x1024xf32, #tpu.memory_space<vmem>>
    %dma_wait3A_92 = arith.constant 0 : i32
    %dma_wait3A_93 = arith.constant 0 : i32
    %dma_wait3A_94 = tpu.memref_slice %arg4[%dma_wait3A_92, %dma_wait3A_93] : memref<32768x1024xf32, #tpu.memory_space<hbm>> -> memref<8x1024xf32, #tpu.memory_space<hbm>>
    %dma_wait3A_95 = arith.constant 0 : i32
    %dma_wait3A_96 = arith.constant 0 : i32
    %dma_wait3A_97 = tpu.memref_slice %arg4[%dma_wait3A_95, %dma_wait3A_96] : memref<32768x1024xf32, #tpu.memory_space<hbm>> -> memref<8x1024xf32, #tpu.memory_space<hbm>>
    %dma_wait3A_98 = arith.constant 0 : i32
    %dma_wait3A_99 = arith.constant 0 : i32
    %dma_wait3A_100 = tpu.memref_slice %arg5[%dma_wait3A, %dma_wait3A_98, %dma_wait3A_99] : memref<4x16x1024xf32, #tpu.memory_space<vmem>> -> memref<1x8x1024xf32, #tpu.memory_space<vmem>>
    %dma_wait3A_101 = tpu.memref_squeeze %dma_wait3A_100 : memref<1x8x1024xf32, #tpu.memory_space<vmem>> -> memref<8x1024xf32, #tpu.memory_space<vmem>>
    tpu.wait_dma2 semaphore(%arg13 : memref<!tpu.dma_semaphore, #tpu.memory_space<semaphore_mem>>) src(%dma_wait3A_101 : memref<8x1024xf32, #tpu.memory_space<vmem>>) dst(%dma_wait3A_97 : memref<8x1024xf32, #tpu.memory_space<hbm>>)
    %dma_wait3A_102 = arith.constant 2 : i32
    %dma_wait3A_103 = arith.constant 8 : i32
    %dma_wait3A_104 = arith.constant 0 : i32
    %dma_wait3A_105 = tpu.memref_slice %arg5[%dma_wait3A_102, %dma_wait3A_103, %dma_wait3A_104] : memref<4x16x1024xf32, #tpu.memory_space<vmem>> -> memref<1x8x1024xf32, #tpu.memory_space<vmem>>
    %dma_wait3A_106 = tpu.memref_squeeze %dma_wait3A_105 : memref<1x8x1024xf32, #tpu.memory_space<vmem>> -> memref<8x1024xf32, #tpu.memory_space<vmem>>
    %dma_wait3A_107 = arith.constant 0 : i32
    %dma_wait3A_108 = arith.constant 0 : i32
    %dma_wait3A_109 = tpu.memref_slice %arg4[%dma_wait3A_107, %dma_wait3A_108] : memref<32768x1024xf32, #tpu.memory_space<hbm>> -> memref<8x1024xf32, #tpu.memory_space<hbm>>
    %dma_wait3A_110 = arith.constant 0 : i32
    %dma_wait3A_111 = arith.constant 0 : i32
    %dma_wait3A_112 = tpu.memref_slice %arg4[%dma_wait3A_110, %dma_wait3A_111] : memref<32768x1024xf32, #tpu.memory_space<hbm>> -> memref<8x1024xf32, #tpu.memory_space<hbm>>
    %dma_wait3A_113 = arith.constant 8 : i32
    %dma_wait3A_114 = arith.constant 0 : i32
    %dma_wait3A_115 = tpu.memref_slice %arg5[%dma_wait3A_102, %dma_wait3A_113, %dma_wait3A_114] : memref<4x16x1024xf32, #tpu.memory_space<vmem>> -> memref<1x8x1024xf32, #tpu.memory_space<vmem>>
    %dma_wait3A_116 = tpu.memref_squeeze %dma_wait3A_115 : memref<1x8x1024xf32, #tpu.memory_space<vmem>> -> memref<8x1024xf32, #tpu.memory_space<vmem>>
    tpu.wait_dma2 semaphore(%arg13 : memref<!tpu.dma_semaphore, #tpu.memory_space<semaphore_mem>>) src(%dma_wait3A_116 : memref<8x1024xf32, #tpu.memory_space<vmem>>) dst(%dma_wait3A_112 : memref<8x1024xf32, #tpu.memory_space<hbm>>)
    %dma_wait3A_117 = arith.constant 3 : i32
    %dma_wait3A_118 = arith.constant 0 : i32
    %dma_wait3A_119 = arith.constant 0 : i32
    %dma_wait3A_120 = tpu.memref_slice %arg5[%dma_wait3A_117, %dma_wait3A_118, %dma_wait3A_119] : memref<4x16x1024xf32, #tpu.memory_space<vmem>> -> memref<1x8x1024xf32, #tpu.memory_space<vmem>>
    %dma_wait3A_121 = tpu.memref_squeeze %dma_wait3A_120 : memref<1x8x1024xf32, #tpu.memory_space<vmem>> -> memref<8x1024xf32, #tpu.memory_space<vmem>>
    %dma_wait3A_122 = arith.constant 0 : i32
    %dma_wait3A_123 = arith.constant 0 : i32
    %dma_wait3A_124 = tpu.memref_slice %arg4[%dma_wait3A_122, %dma_wait3A_123] : memref<32768x1024xf32, #tpu.memory_space<hbm>> -> memref<8x1024xf32, #tpu.memory_space<hbm>>
    %dma_wait3A_125 = arith.constant 0 : i32
    %dma_wait3A_126 = arith.constant 0 : i32
    %dma_wait3A_127 = tpu.memref_slice %arg4[%dma_wait3A_125, %dma_wait3A_126] : memref<32768x1024xf32, #tpu.memory_space<hbm>> -> memref<8x1024xf32, #tpu.memory_space<hbm>>
    %dma_wait3A_128 = arith.constant 0 : i32
    %dma_wait3A_129 = arith.constant 0 : i32
    %dma_wait3A_130 = tpu.memref_slice %arg5[%dma_wait3A_117, %dma_wait3A_128, %dma_wait3A_129] : memref<4x16x1024xf32, #tpu.memory_space<vmem>> -> memref<1x8x1024xf32, #tpu.memory_space<vmem>>
    %dma_wait3A_131 = tpu.memref_squeeze %dma_wait3A_130 : memref<1x8x1024xf32, #tpu.memory_space<vmem>> -> memref<8x1024xf32, #tpu.memory_space<vmem>>
    tpu.wait_dma2 semaphore(%arg14 : memref<!tpu.dma_semaphore, #tpu.memory_space<semaphore_mem>>) src(%dma_wait3A_131 : memref<8x1024xf32, #tpu.memory_space<vmem>>) dst(%dma_wait3A_127 : memref<8x1024xf32, #tpu.memory_space<hbm>>)
    %dma_wait3A_132 = arith.constant 3 : i32
    %dma_wait3A_133 = arith.constant 8 : i32
    %dma_wait3A_134 = arith.constant 0 : i32
    %dma_wait3A_135 = tpu.memref_slice %arg5[%dma_wait3A_132, %dma_wait3A_133, %dma_wait3A_134] : memref<4x16x1024xf32, #tpu.memory_space<vmem>> -> memref<1x8x1024xf32, #tpu.memory_space<vmem>>
    %dma_wait3A_136 = tpu.memref_squeeze %dma_wait3A_135 : memref<1x8x1024xf32, #tpu.memory_space<vmem>> -> memref<8x1024xf32, #tpu.memory_space<vmem>>
    %dma_wait3A_137 = arith.constant 0 : i32
    %dma_wait3A_138 = arith.constant 0 : i32
    %dma_wait3A_139 = tpu.memref_slice %arg4[%dma_wait3A_137, %dma_wait3A_138] : memref<32768x1024xf32, #tpu.memory_space<hbm>> -> memref<8x1024xf32, #tpu.memory_space<hbm>>
    %dma_wait3A_140 = arith.constant 0 : i32
    %dma_wait3A_141 = arith.constant 0 : i32
    %dma_wait3A_142 = tpu.memref_slice %arg4[%dma_wait3A_140, %dma_wait3A_141] : memref<32768x1024xf32, #tpu.memory_space<hbm>> -> memref<8x1024xf32, #tpu.memory_space<hbm>>
    %dma_wait3A_143 = arith.constant 8 : i32
    %dma_wait3A_144 = arith.constant 0 : i32
    %dma_wait3A_145 = tpu.memref_slice %arg5[%dma_wait3A_132, %dma_wait3A_143, %dma_wait3A_144] : memref<4x16x1024xf32, #tpu.memory_space<vmem>> -> memref<1x8x1024xf32, #tpu.memory_space<vmem>>
    %dma_wait3A_146 = tpu.memref_squeeze %dma_wait3A_145 : memref<1x8x1024xf32, #tpu.memory_space<vmem>> -> memref<8x1024xf32, #tpu.memory_space<vmem>>
    tpu.wait_dma2 semaphore(%arg14 : memref<!tpu.dma_semaphore, #tpu.memory_space<semaphore_mem>>) src(%dma_wait3A_146 : memref<8x1024xf32, #tpu.memory_space<vmem>>) dst(%dma_wait3A_142 : memref<8x1024xf32, #tpu.memory_space<hbm>>)
    return
  }
}

</mosaic_0001>

<sc_bundles>
// kernel: kernel.3.cloned.1.call-start
scs
__scs_entry_jumppad:
0x0: {  	(pc) =	sbr.rel $0x88, $3  }
0x1: {  	(tag) =	ssettag $0x0;
	lr =	simm.s32 $0x1  }
0x2: {  	[smem:$0x3F9F] =	sst lr;
	_ =	strace $0xD0000000  }
0x3: {  	_ = 	snop  }
0x4: {  	_ = 	snop  }
0x5: {  	_ = 	snop  }
0x6: {  	_ = 	snop  }
0x7: {  	_ = 	snop  }
__scs_overlays_trampoline_lowered:
0x8: {  	[smem:$0x3FAE] =	sst s0  }
0x9: {  	[smem:$0x3FAF] =	sst s1  }
0xa: {  	[smem:$0x3FB0] =	sst s2  }
0xb: {  	[smem:$0x3FB1] =	sst s3  }
0xc: {  	[smem:$0x3FB2] =	sst s4  }
0xd: {  	[smem:$0x3FB3] =	sst s5  }
0xe: {  	[smem:$0x3FB4] =	sst s6  }
0xf: {  	[smem:$0x3FB5] =	sst s7  }
0x10: {  	[smem:$0x3FB6] =	sst s8  }
0x11: {  	[smem:$0x3FB7] =	sst s9;
	s0 =	simm.s32 @!p0 $0x0  }
0x12: {  	s1 =	sld [smem:$0x3F9D];
	s0 =	simm.s32 @p0 $0x1  }
0x13: {  	[smem:$0x3FB8] =	sst s0;
	s0 =	simm.s32 @!p1 $0x0  }
0x14: {  	s2 =	sld [smem:$0x3F9C];
	s0 =	simm.s32 @p1 $0x1  }
0x15: {  	[smem:$0x3FB9] =	sst s0;
	s0 =	simm.s32 @!p2 $0x0  }
0x16: {  	s3 =	sld [smem:$0x3FDB];
	s0 =	simm.s32 @p2 $0x1  }
0x17: {  	s4 =	simm.s32 $0x1BF5;
	[smem:$0x3FBB] =	sst s0  }
0x18: {  	s0 =	sld [smem:$0x3F9E];
	_ =	swait.ge [sflag:s4], $0x0  }
0x19: {  	s7 =	sld [smem:$0x3F9F]  }
0x1a: {  	s8 =	sadd.s32 $0xFFFFE003, lr  }
0x1b: {  	s9 =	sadd.s32 $0xFFFFFEF7, lr;
	s5 =	simm.s32 $0xFFFFFFFF;
	p2 =	slt.u32 s8, $0xFFFFF086  }
0x1c: {  	p1 =	slt.u32 s9, $0xF7A;
	s5 =	simm.s32 @!p2 $0x0  }
0x1d: {  	s5 =	simm.s32 @p1 $0x1;
	p0 =	seq.s32 s7, s2  }
0x1e: {  	s7 =	smul.u32 @!p0 $0xF7A, s2;
	p2 =	seq.s32 @!p0 s5, $0x0  }
0x1f: {  	s9 =	smul.u32 $0xF7A, s1;
	s8 =	simm.s32 @!p0 $0x1BF5;
	p2 =	por !p2, p0  }
0x20: {  	[sflag:s8] =	ssyncset.s32 @!p0 $0xFFFFF086;
	s6 =	sadd.s32 @!p0 s3, s7;
	s7 =	simm.s32 @!p0 $0x108  }
0x21: {  	s3 =	sadd.s32 s3, s9;
	s6 =	sadd.s32 @!p0 $0x88, s6;
	s7 =	simm.s32 @p2 $0x1082  }
0x22: {  	[simem:s7], [sflag:s8] =	dma.local @!p0 [hbm:s6], $0xF7A  }
0x23: {  	s9 =	sor.u32 $0xD0000000, s2;
	s6 =	simm.s32 $0x108;
	_ =	swait.ge @!p0 [sflag:s8], $0x0  }
0x24: {  	s3 =	sadd.s32 $0x88, s3;
	s6 =	simm.s32 @!p1 $0x1082;
	[sflag:s4] =	ssyncset.s32 $0xFFFFF086  }
0x25: {  	[simem:s6], [sflag:s4] =	dma.local [hbm:s3], $0xF7A  }
0x26: {  	[smem:$0x3F9F] =	sst s1;
	(tag) =	ssettag s2;
	_ =	strace s9  }
0x27: {  	s1 =	sld [smem:$0x3FAF]  }
0x28: {  	s2 =	sld [smem:$0x3FB0]  }
0x29: {  	s4 =	sld [smem:$0x3FB2]  }
0x2a: {  	p0 =	seq.s32 s5, $0x0;
	s5 =	sld [smem:$0x3FB3]  }
0x2b: {  	s6 =	sld [smem:$0x3FB4]  }
0x2c: {  	s7 =	sld [smem:$0x3FB5]  }
0x2d: {  	s3 =	simm.s32 $0x108;
	s8 =	sld [smem:$0x3FB6]  }
0x2e: {  	s3 =	simm.s32 @!p0 $0x1082;
	s9 =	sld [smem:$0x3FB7]  }
0x2f: {  	lr =	sadd.s32 s0, s3;
	s0 =	sld [smem:$0x3FAE]  }
0x30: {  	s3 =	sld [smem:$0x3FB1]  }
0x31: {  	[smem:$0x3FBA] =	sst s10  }
0x32: {  	s10 =	sld [smem:$0x3FB8];
	_ =	sdelay $0x3  }
0x33: {  	p0 =	seq.s32 s10, $0x1;
	s10 =	sld [smem:$0x3FBA];
	_ =	sdelay $0x3  }
0x34: {  	[smem:$0x3FBA] =	sst s10  }
0x35: {  	s10 =	sld [smem:$0x3FB9];
	_ =	sdelay $0x3  }
0x36: {  	p1 =	seq.s32 s10, $0x1;
	s10 =	sld [smem:$0x3FBA];
	_ =	sdelay $0x3  }
0x37: {  	[smem:$0x3FBA] =	sst s10  }
0x38: {  	s10 =	sld [smem:$0x3FBB]  }
0x39: {  	_ = 	snop;
	(pc) =	sbr.ind lr, $3  }
0x3a: {  	_ = 	snop  }
0x3b: {  	_ = 	snop  }
0x3c: {  	p2 =	seq.s32 s10, $0x1;
	s10 =	sld [smem:$0x3FBA]  }
0x3d: {  	_ =	shalt  }
0x3e: {  	_ =	shalt  }
0x3f: {  	_ =	shalt  }
0x40: {  	_ =	shalt  }
0x41: {  	_ =	shalt  }
0x42: {  	_ =	shalt  }
0x43: {  	_ =	shalt  }
0x44: {  	_ =	shalt  }
0x45: {  	_ =	shalt  }
0x46: {  	_ =	shalt  }
0x47: {  	_ =	shalt  }
0x48: {  	_ =	shalt  }
0x49: {  	_ =	shalt  }
0x4a: {  	_ =	shalt  }
0x4b: {  	_ =	shalt  }
0x4c: {  	_ =	shalt  }
0x4d: {  	_ =	shalt  }
0x4e: {  	_ =	shalt  }
0x4f: {  	_ =	shalt  }
0x50: {  	_ =	shalt  }
0x51: {  	_ =	shalt  }
0x52: {  	_ =	shalt  }
0x53: {  	_ =	shalt  }
0x54: {  	_ =	shalt  }
0x55: {  	_ =	shalt  }
0x56: {  	_ =	shalt  }
0x57: {  	_ =	shalt  }
0x58: {  	_ =	shalt  }
0x59: {  	_ =	shalt  }
0x5a: {  	_ =	shalt  }
0x5b: {  	_ =	shalt  }
0x5c: {  	_ =	shalt  }
0x5d: {  	_ =	shalt  }
0x5e: {  	_ =	shalt  }
0x5f: {  	_ =	shalt  }
0x60: {  	_ =	shalt  }
0x61: {  	_ =	shalt  }
0x62: {  	_ =	shalt  }
0x63: {  	_ =	shalt  }
0x64: {  	_ =	shalt  }
0x65: {  	_ =	shalt  }
0x66: {  	_ =	shalt  }
0x67: {  	_ =	shalt  }
0x68: {  	_ =	shalt  }
0x69: {  	_ =	shalt  }
0x6a: {  	_ =	shalt  }
0x6b: {  	_ =	shalt  }
0x6c: {  	_ =	shalt  }
0x6d: {  	_ =	shalt  }
0x6e: {  	_ =	shalt  }
0x6f: {  	_ =	shalt  }
0x70: {  	_ =	shalt  }
0x71: {  	_ =	shalt  }
0x72: {  	_ =	shalt  }
0x73: {  	_ =	shalt  }
0x74: {  	_ =	shalt  }
0x75: {  	_ =	shalt  }
0x76: {  	_ =	shalt  }
0x77: {  	_ =	shalt  }
0x78: {  	_ =	shalt  }
0x79: {  	_ =	shalt  }
0x7a: {  	_ =	shalt  }
0x7b: {  	_ =	shalt  }
0x7c: {  	_ =	shalt  }
0x7d: {  	_ =	shalt  }
0x7e: {  	_ =	shalt  }
0x7f: {  	_ =	shalt  }
0x80: {  	_ =	shalt  }
0x81: {  	_ =	shalt  }
0x82: {  	_ =	shalt  }
0x83: {  	_ =	shalt  }
0x84: {  	_ =	shalt  }
0x85: {  	_ =	shalt  }
0x86: {  	_ =	shalt  }
0x87: {  	_ =	shalt  }
.Lfunc_end0:
.L_simem_size_0:
called_computation_lowered:
.L_overlay_start_0:
0x88: {  	s2 =	sld [smem:$0x3FD9]  }
0x89: {  	s3 =	sld [smem:$0x3FFE];
	_ =	sdelay $0x1  }
0x8a: {  	s1 =	srdreg.scid  }
0x8b: {  	s0 =	sand.u32 $0x1, s1  }
0x8c: {  	s18 =	sshll.u32 s0, $0xA;
	s2 =	sadd.s32 s3, s2  }
0x8d: {  	s2 =	sadd.s32 s2, s18  }
0x8e: {  	[smem:$0x3FC6] =	sst s2  }
0x8f: {  	_ = 	snop  }
0x90: {  	s2 =	sld [smem:$0x3FC9]  }
0x91: {  	s19 =	sld [smem:$0x3FC8]  }
0x92: {  	s4 =	sld [smem:$0x3FD0];
	(tm) =	ssettm $0x1  }
0x93: {  	s5 =	sld [smem:$0x3FFB];
	_ =	sdelay $0x3  }
0x94: {  	_ =	strace s5  }
0x95: {  	s5 =	sld [smem:$0x3FFC];
	_ =	sdelay $0x3  }
0x96: {  	_ =	strace s5  }
0x97: {  	s5 =	sld [smem:$0x3FFD];
	_ =	sdelay $0x3  }
0x98: {  	_ =	strace s5  }
0x99: {  	_ =	strace $0x8FFFFFFF  }
0x9a: {  	s20 =	sld [smem:$0x3FDB];
	_ =	sdelay $0x1  }
0x9b: {  	s6 =	simm.s32 $_scs_section_size  }
0x9c: {  	s7 =	simm.s32 $_size__tile_overlayer_lowered;
	s8 =	simm.s32 $_tile_overlayer_lowered  }
0x9d: {  	s23 =	simm.s32 $0x1BFF;
	s22 =	sshll.u32 s8, $0x1;
	s5 =	sadd.s32 s6, s20  }
0x9e: {  	s9 =	simm.s32 $0x0;
	s21 =	sshll.u32 s7, $0x1;
	s7 =	sadd.s32 s22, s5  }
0x9f: {  	[timem:s9], [sflag:s23] =	dma.local [hbm:s7], s21  }
0xa0: {  	_ =	swait.ge [sflag:s23], s21  }
0xa1: {  	s6 =	ssub.s32 $0x0, s21;
	[sflag:s23] =	ssyncset.done $0x0  }
0xa2: {  	[sflag:s23] =	ssyncadd.s32 s6;
	_ =	sdelay $0x1  }
0xa3: {  	s24 =	simm.s32 $0x1B8B  }
0xa4: {  	_ =	swait.ge [sflag:s24], $0x1  }
0xa5: {  	[sflag:s24] =	ssyncset.done $0x0  }
0xa6: {  	s25 =	simm.s32 $0x1B8E;
	[sflag:s24] =	ssyncadd.s32 $0xFFFFFFFF  }
0xa7: {  	s26 =	simm.s32 $execute0_lowered;
	[smem:$0x3FD2] =	sst s25  }
0xa8: {  	s6 =	sshll.u32 s26, $0x1;
	_ =	strace $0x80000046;
	[dreg:$0x1] =	wrdreg $0xFFFFFFFF  }
0xa9: {  	s28 =	simm.s32 $_size_execute0_lowered;
	s5 =	sadd.s32 s5, s6;
	[dreg:$0x0] =	wrdreg $0x0  }
0xaa: {  	s6 =	sshll.u32 s28, $0x1;
	[dreg:$0x2] =	wrdreg s5  }
0xab: {  	[dreg:$0x3] =	wrdreg s6  }
0xac: {  	[dreg:$0x4] =	wrdreg $0xC0  }
0xad: {  	_ =	task [dreg:s9], $0x5FFFF  }
0xae: {  	[dreg:$0x1] =	wrdreg $0xFFFFFFFF  }
0xaf: {  	[dreg:$0x0] =	wrdreg $0x60  }
0xb0: {  	[dreg:$0x2] =	wrdreg s2  }
0xb1: {  	[dreg:$0x3] =	wrdreg s19  }
0xb2: {  	[dreg:$0x4] =	wrdreg s4  }
0xb3: {  	[dreg:$0x5] =	wrdreg $0x9  }
0xb4: {  	_ =	task.clear_ibuf [dreg:s9], $0x6FFFF;
	_ =	strace $0x90000046  }
0xb5: {  	s29 =	simm.s32 $0x9;
	_ =	strace $0x80000048  }
0xb6: {  	_ =	swait.ge [sflag:s29], $0x1  }
0xb7: {  	[sflag:s29] =	ssyncadd.s32 $0xFFFFFFFF  }
0xb8: {  	_ =	strace $0x90000048  }
0xb9: {  	_ =	sfence  }
0xba: {  	s30 =	sld [smem:$0x0];
	_ =	sdelay $0x2  }
0xbb: {  	s31 =	sshll.u32 s1, $0xD;
	s1 =	sshrl.u32 s1, $0x2  }
0xbc: {  	s3 =	sand.u32 $0x4000, s31;
	s1 =	sadd.s32 s1, s30  }
0xbd: {  	s0 =	sor.u32 s3, s0;
	s1 =	sshll.u32 s1, $0x11  }
0xbe: {  	s0 =	sor.u32 s1, s0  }
0xbf: {  	s0 =	sadd.s32 $0x8F2B, s0  }
0xc0: {  	[sflag:s0] =	ssyncadd.remote.s32 $0x1  }
0xc1: {  	_ =	sfence.sel $0xFFFF  }
0xc2: {  	[dreg:$0x0] =	wrdreg $0xFFFFFFFF;
	(pc) =	sbr.abs _section_cstart, $3  }
0xc3: {  	[dreg:$0x1] =	wrdreg $0xFFFFFFFF  }
0xc4: {  	_ =	task.clear_ibuf [dreg:s9], $0x2FFFF;
	_ =	strace $0x9FFFFFFF  }
0xc5: {  	(tm) =	ssettm $0x7FFFFFFF  }
tec
execute0_lowered:
.L_overlay_start_1:
0x0: {  	(tag) =	ssettag $0x1  }
0x1: {  	s1 =	rddreg [dreg:$0x0]  }
0x2: {  	s0 =	rddreg [dreg:$0x1]  }
0x3: {  	s2 =	rddreg [dreg:$0x2];
	s3 =	srdreg.scid;
	s4 =	simm.s32 $0x0  }
0x4: {  	s7 =	stileid.u32;
	s21 =	simm.s32 $0x1;
	s28 =	simm.s32 $0x3  }
0x5: {  	s30 =	simm.s32 $0x6;
	s31 =	simm.s32 $0x4;
	s3 =	sand.u32 $0x1, s3  }
0x6: {  	s7 =	sshll.u32 s7, $0x9;
	s5 =	ssub.s32 $0x2, s3;
	s3 =	sshll.u32 s3, $0x8  }
0x7: {  	[smem:$0x7FF] =	sst s4;
	s13 =	sadd.s32 $0x400, s2;
	s8 =	sor.u32 s3, s7  }
0x8: {  	_ =	strace $0x80000047;
	s23 =	sor.u32 $0x2000, s8;
	[dreg:$0x4] =	wrdreg s8  }
0x9: {  	s6 =	sshrl.u32 s5, $0x1;
	s7 =	sor.u32 $0x4000, s8;
	[dreg:$0x5] =	wrdreg s23  }
0xa: {  	s5 =	ssub.s32 s5, s6;
	s25 =	sor.u32 $0x10, s8;
	[dreg:$0x6] =	wrdreg s7  }
0xb: {  	s3 =	sshll.u32 s8, $0x7;
	s26 =	sor.u32 $0x2010, s8;
	[dreg:$0xb] =	wrdreg s25  }
0xc: {  	s9 =	sadd.s32 s1, s3;
	s6 =	sshll.u32 s23, $0x7;
	[dreg:$0xc] =	wrdreg s26  }
0xd: {  	s7 =	sshll.u32 s7, $0x7;
	s0 =	sadd.s32 s0, s3;
	[dreg:$0x7] =	wrdreg s9  }
0xe: {  	s29 =	smax.u32 s5, $0x1;
	s26 =	simm.s32 $0x5;
	[dreg:$0xa] =	wrdreg s0  }
0xf: {  	s3 =	simm.s32 $0x7;
	s6 =	sadd.s32 s1, s6;
	[dreg:$0xd] =	wrdreg s29  }
0x10: {  	s24 =	sadd.s32 s1, s7;
	s12 =	sadd.s32 $0x800, s0;
	[dreg:$0x8] =	wrdreg s6  }
0x11: {  	[dreg:$0x9] =	wrdreg s24;
	s24 =	simm.s32 $0x2;
	s6 =	simm.s32 $0x0  }
.LBB2_1:
0x12: {  	s0 =	rddreg [dreg:$0x7]  }
0x13: {  	[tilespmem:s4], [sflag:$0x1] =	stream.linear.gather [hbm4b:s0+s4], $0x4000, $0x38;
	[tilespmem:$0x18000] =	vst v63  }
0x14: {  	s19 =	rddreg [dreg:$0x8];
	s5 =	simm.s32 $0x4000  }
0x15: {  	[tilespmem:s5], [sflag:$0x2] =	stream.linear.gather [hbm4b:s19+s4], $0x4000, $0x38;
	[tilespmem:$0x18000] =	vst v63  }
0x16: {  	s20 =	rddreg [dreg:$0x9];
	s22 =	simm.s32 $0x8000  }
0x17: {  	[tilespmem:s22], [sflag:$0x3] =	stream.linear.gather [hbm4b:s20+s4], $0x4000, $0x38;
	[tilespmem:$0x18000] =	vst v63  }
0x18: {  	s23 =	rddreg [dreg:$0xa];
	s25 =	simm.s32 $0x10000  }
0x19: {  	[tilespmem:s25], [sflag:$0x9] =	stream.linear.gather [hbm4b:s23+s4], $0x4000, $0x38;
	[tilespmem:$0x18000] =	vst v63  }
0x1a: {  	[dreg:$0xe] =	wrdreg s6;
	s29 =	simm.s32 $0x14000;
	s9 =	simm.s32 $0x0  }
0x1b: {  	[tilespmem:s29], [sflag:$0xA] =	stream.linear.gather [hbm4b:s12+s4], $0x4000, $0x38;
	[tilespmem:$0x18000] =	vst v63  }
.LBB2_2:
0x1c: {  	p1 =	seq.s32 s9, $0x0  }
.Ltmp0:
0x1d: {  	_ = 	snop;
	(pc) =	sbr.rel @p1 .LBB2_3-.Ltmp0, $2  }
0x1e: {  	_ =	sdelay $0x2  }
0x1f: {  	s0 =	sand.u32 $0x1, s9  }
0x20: {  	_ =	swait.ge [sflag:s3], $0x2000  }
0x21: {  	s5 =	sshll.u32 s9, $0xB;
	[sflag:s3] =	ssyncset.done $0x0  }
0x22: {  	p3 =	sne.s32 s0, $0x0;
	s7 =	simm.s32 $0x8000;
	[sflag:s3] =	ssyncadd.s32 $0xFFFFE000  }
0x23: {  	p0 =	seq.s32 s9, $0xF;
	p2 =	seq.s32 s0, $0x1;
	_ =	swait.ge [sflag:s3], $0x2000  }
0x24: {  	s8 =	simm.s32 @!p3 $0x14000;
	[sflag:s3] =	ssyncset.done $0x0;
	s6 =	rddreg [dreg:$0x9]  }
0x25: {  	p0 =	por !p2, p0;
	[sflag:s3] =	ssyncadd.s32 $0xFFFFE000;
	s6 =	sadd.s32 s5, s6  }
0x26: {  	[tilespmem:s7], [sflag:$0x3] =	stream.linear.gather [hbm4b:s6+s4], $0x4000, $0x38;
	[tilespmem:$0x18000] =	vst v63  }
.Ltmp1:
0x27: {  	s6 =	sadd.s32 @!p3 s12, s5;
	s7 =	simm.s32 @!p3 $0x0;
	(pc) =	sbr.rel @p3 .LBB2_6-.Ltmp1, $4  }
0x28: {  	[tilespmem:s8], [sflag:$0xA] =	stream.linear.gather @!p3 [hbm4b:s6+s7], $0x4000, $0x38;
	[tilespmem:$0x18000] =	vst v63  }
0x29: {  	s5 =	sadd.s32 @!p0 s12, s5;
	s6 =	simm.s32 @!p0 $0x0;
	s7 =	simm.s32 @!p0 $0x10000  }
0x2a: {  	[tilespmem:s7], [sflag:$0x9] =	stream.linear.gather @!p0 [hbm4b:s5+s6], $0x4000, $0x38;
	[tilespmem:$0x18000] =	vst v63  }
0x2b: {  	p0 =	sne.s32 s9, $0xF  }
.Ltmp2:
0x2c: {  	(pc) =	sbr.rel @p2 .LBB2_7-.Ltmp2, $4  }
.Ltmp3:
0x2d: {  	s5 =	simm.s32 $0x9;
	(pc) =	sbr.rel @!p2 .LBB2_8-.Ltmp3, $4  }
0x2e: {  	_ =	swait.ge [sflag:s5], $0x4000  }
0x2f: {  	[sflag:s5] =	ssyncset.done $0x0  }
0x30: {  	[sflag:s5] =	ssyncadd.s32 $0xFFFFC000;
	s5 =	simm.s32 $0xA  }
0x31: {  	_ = 	snop  }
.LBB2_3:
.Ltmp4:
0x32: {  	(pc) =	sbr.rel .LBB2_7-.Ltmp4, $2  }
0x33: {  	_ =	sdelay $0x2  }
0x34: {  	p0 =	por $0x1, $0x1;
	s5 =	simm.s32 $0x9  }
.LBB2_6:
.Ltmp5:
0x35: {  	(pc) =	sbr.rel @!p2 .LBB2_8-.Ltmp5, $2  }
0x36: {  	_ =	sdelay $0x2  }
0x37: {  	s5 =	simm.s32 $0xA  }
.LBB2_7:
0x38: {  	_ =	swait.ge [sflag:s5], $0x4000  }
0x39: {  	[sflag:s5] =	ssyncset.done $0x0  }
0x3a: {  	[sflag:s5] =	ssyncadd.s32 $0xFFFFC000  }
.LBB2_8:
0x3b: {  	s0 =	sshll.u32 s0, $0xE;
	s18 =	simm.s32 $0x0  }
0x3c: {  	_ =	swait.ge [sflag:s21], $0x4000;
	s16 =	sor.u32 $0x10000, s0;
	s22 =	sand.u32 $0x1C00, s18  }
0x3d: {  	[sflag:s21] =	ssyncset.done $0x0;
	s5 =	sand.u32 $0x70, s18;
	s6 =	sadd.s32 s22, s16  }
0x3e: {  	[sflag:s21] =	ssyncadd.s32 $0xFFFFC000;
	s6 =	sadd.s32 s5, s6  }
0x3f: {  	v0 =	vld [tilespmem:s6+$0x0];
	_ =	sdelay $0x3  }
0x40: {  	s0 =	sor.u32 s5, s22  }
0x41: {  	[tilespmem:s0+$0x0] =	vst.add.f32.msk $0xffff, v0  }
0x42: {  	v0 =	vld [tilespmem:s6+$0x80];
	_ =	sdelay $0x3  }
0x43: {  	s5 =	sor.u32 $0x80, s0  }
0x44: {  	[tilespmem:s5+$0x0] =	vst.add.f32.msk $0xffff, v0  }
0x45: {  	s8 =	simm.s32 $0x80;
	v0 =	vld [tilespmem:s6+$0x100]  }
0x46: {  	s11 =	simm.s32 $0x10;
	s23 =	sand.u32 $0x1C00, s8  }
0x47: {  	s7 =	sand.u32 $0x70, s11;
	s10 =	sadd.s32 s23, s16  }
0x48: {  	s19 =	sadd.s32 s7, s10  }
0x49: {  	s25 =	sor.u32 $0x100, s0;
	v1 =	vld [tilespmem:s19+$0x0]  }
0x4a: {  	[tilespmem:s25+$0x0] =	vst.add.f32.msk $0xffff, v0  }
0x4b: {  	v0 =	vld [tilespmem:s6+$0x180];
	_ =	sdelay $0x1  }
0x4c: {  	s25 =	sor.u32 s7, s23  }
0x4d: {  	[tilespmem:s25+$0x0] =	vst.add.f32.msk $0xffff, v1  }
0x4e: {  	s7 =	sor.u32 $0x180, s0;
	v1 =	vld [tilespmem:s19+$0x80]  }
0x4f: {  	[tilespmem:s7+$0x0] =	vst.add.f32.msk $0xffff, v0  }
0x50: {  	v0 =	vld [tilespmem:s6+$0x200];
	_ =	sdelay $0x1  }
0x51: {  	s10 =	sor.u32 $0x80, s25  }
0x52: {  	[tilespmem:s10+$0x0] =	vst.add.f32.msk $0xffff, v1  }
0x53: {  	s22 =	simm.s32 $0x100;
	s14 =	sor.u32 $0x200, s0;
	v1 =	vld [tilespmem:s19+$0x100]  }
0x54: {  	s20 =	simm.s32 $0x20;
	s7 =	sand.u32 $0x1C00, s22;
	[tilespmem:s14+$0x0] =	vst.add.f32.msk $0xffff, v0  }
0x55: {  	s15 =	sand.u32 $0x70, s20;
	s17 =	sadd.s32 s7, s16;
	v0 =	vld [tilespmem:s6+$0x280]  }
0x56: {  	s29 =	sadd.s32 s15, s17  }
0x57: {  	s23 =	sor.u32 $0x100, s25;
	v2 =	vld [tilespmem:s29+$0x0]  }
0x58: {  	[tilespmem:s23+$0x0] =	vst.add.f32.msk $0xffff, v1  }
0x59: {  	s14 =	sor.u32 $0x280, s0;
	v1 =	vld [tilespmem:s19+$0x180]  }
0x5a: {  	[tilespmem:s14+$0x0] =	vst.add.f32.msk $0xffff, v0  }
0x5b: {  	s17 =	sor.u32 s15, s7;
	v0 =	vld [tilespmem:s6+$0x300]  }
0x5c: {  	[tilespmem:s17+$0x0] =	vst.add.f32.msk $0xffff, v2  }
0x5d: {  	s15 =	sor.u32 $0x180, s25;
	v2 =	vld [tilespmem:s29+$0x80]  }
0x5e: {  	[tilespmem:s15+$0x0] =	vst.add.f32.msk $0xffff, v1  }
0x5f: {  	s0 =	sor.u32 $0x300, s0;
	v3 =	vld [tilespmem:s19+$0x200]  }
0x60: {  	[tilespmem:s0+$0x0] =	vst.add.f32.msk $0xffff, v0  }
0x61: {  	s23 =	sor.u32 $0x80, s17;
	v0 =	vld [tilespmem:s6+$0x380]  }
0x62: {  	s18 =	sor.u32 s18, s18;
	[tilespmem:s23+$0x0] =	vst.add.f32.msk $0xffff, v2  }
0x63: {  	s10 =	simm.s32 $0x180;
	s14 =	sor.u32 $0x200, s25;
	v1 =	vld [tilespmem:s29+$0x100];
	s0 =	simm.s32 $0x30  }
0x64: {  	s5 =	sand.u32 $0x1C00, s10;
	s7 =	sand.u32 $0x70, s0;
	s6 =	simm.s32 $0x40;
	[tilespmem:s14+$0x0] =	vst.add.f32.msk $0xffff, v3  }
.LBB2_9:
0x65: {  	p2 =	sne.s32 s6, $0x3F0;
	s14 =	sadd.s32 s5, s16;
	v2 =	vld [tilespmem:s19+$0x280];
	s18 =	sor.u32 $0x380, s18  }
0x66: {  	s14 =	sadd.s32 s7, s14;
	[tilespmem:s18+$0x0] =	vst.add.f32.msk $0xffff, v0;
	s18 =	smov.u32 s8;
	s8 =	smov.u32 s22  }
0x67: {  	s15 =	sor.u32 $0x100, s17;
	s23 =	smov.u32 s11;
	s22 =	smov.u32 s10;
	v0 =	vld [tilespmem:s14+$0x0]  }
0x68: {  	s11 =	smov.u32 s20;
	s20 =	smov.u32 s0;
	s0 =	smov.u32 s6;
	[tilespmem:s15+$0x0] =	vst.add.f32.msk $0xffff, v1  }
0x69: {  	s15 =	sor.u32 $0x280, s25;
	v1 =	vld [tilespmem:s29+$0x180]  }
0x6a: {  	[tilespmem:s15+$0x0] =	vst.add.f32.msk $0xffff, v2  }
0x6b: {  	s5 =	sor.u32 s7, s5;
	v2 =	vld [tilespmem:s19+$0x300]  }
0x6c: {  	[tilespmem:s5+$0x0] =	vst.add.f32.msk $0xffff, v0  }
0x6d: {  	s7 =	sor.u32 $0x180, s17;
	v3 =	vld [tilespmem:s14+$0x80]  }
0x6e: {  	[tilespmem:s7+$0x0] =	vst.add.f32.msk $0xffff, v1  }
0x6f: {  	s7 =	sor.u32 $0x300, s25;
	s25 =	smov.u32 s17;
	s17 =	smov.u32 s5;
	v4 =	vld [tilespmem:s29+$0x200]  }
.Ltmp6:
0x70: {  	[tilespmem:s7+$0x0] =	vst.add.f32.msk $0xffff, v2;
	(pc) =	sbr.rel @p2 .LBB2_9-.Ltmp6, $4  }
0x71: {  	s5 =	sor.u32 $0x80, s17;
	v0 =	vld [tilespmem:s19+$0x380];
	s19 =	smov.u32 s29;
	s29 =	smov.u32 s14  }
0x72: {  	[tilespmem:s5+$0x0] =	vst.add.f32.msk $0xffff, v3  }
0x73: {  	s10 =	sadd.s32 $0x80, s10;
	s7 =	sand.u32 $0x70, s6;
	s14 =	sor.u32 $0x200, s25;
	v1 =	vld [tilespmem:s29+$0x100]  }
0x74: {  	s18 =	sor.u32 s18, s23;
	s6 =	sadd.s32 $0x10, s6;
	s5 =	sand.u32 $0x1C00, s10;
	[tilespmem:s14+$0x0] =	vst.add.f32.msk $0xffff, v4  }
0x75: {  	s6 =	sadd.s32 s5, s16  }
0x76: {  	s6 =	sadd.s32 s7, s6  }
0x77: {  	v2 =	vld [tilespmem:s6+$0x0];
	_ =	sdelay $0x3  }
0x78: {  	s5 =	sor.u32 s7, s5  }
0x79: {  	[tilespmem:s5+$0x0] =	vst.add.f32.msk $0xffff, v2  }
0x7a: {  	v2 =	vld [tilespmem:s6+$0x80];
	_ =	sdelay $0x3  }
0x7b: {  	s7 =	sor.u32 $0x80, s5  }
0x7c: {  	[tilespmem:s7+$0x0] =	vst.add.f32.msk $0xffff, v2  }
0x7d: {  	v2 =	vld [tilespmem:s6+$0x100];
	_ =	sdelay $0x1  }
0x7e: {  	s23 =	sor.u32 $0x100, s17  }
0x7f: {  	[tilespmem:s23+$0x0] =	vst.add.f32.msk $0xffff, v1  }
0x80: {  	s14 =	sor.u32 $0x100, s5;
	v1 =	vld [tilespmem:s29+$0x180]  }
0x81: {  	[tilespmem:s14+$0x0] =	vst.add.f32.msk $0xffff, v2  }
0x82: {  	v2 =	vld [tilespmem:s6+$0x180];
	_ =	sdelay $0x1  }
0x83: {  	s15 =	sor.u32 $0x180, s17  }
0x84: {  	[tilespmem:s15+$0x0] =	vst.add.f32.msk $0xffff, v1  }
0x85: {  	s23 =	sor.u32 $0x180, s5;
	v1 =	vld [tilespmem:s29+$0x200]  }
0x86: {  	[tilespmem:s23+$0x0] =	vst.add.f32.msk $0xffff, v2  }
0x87: {  	v2 =	vld [tilespmem:s6+$0x200]  }
0x88: {  	v3 =	vld [tilespmem:s19+$0x280];
	s7 =	sor.u32 $0x380, s18  }
0x89: {  	[tilespmem:s7+$0x0] =	vst.add.f32.msk $0xffff, v0;
	s14 =	sor.u32 $0x200, s17  }
0x8a: {  	[tilespmem:s14+$0x0] =	vst.add.f32.msk $0xffff, v1  }
0x8b: {  	s15 =	sor.u32 $0x200, s5;
	v1 =	vld [tilespmem:s29+$0x280]  }
0x8c: {  	[tilespmem:s15+$0x0] =	vst.add.f32.msk $0xffff, v2  }
0x8d: {  	s23 =	sor.u32 $0x280, s25;
	v2 =	vld [tilespmem:s6+$0x280]  }
0x8e: {  	[tilespmem:s23+$0x0] =	vst.add.f32.msk $0xffff, v3  }
0x8f: {  	s14 =	sor.u32 $0x280, s17;
	v3 =	vld [tilespmem:s19+$0x300]  }
0x90: {  	[tilespmem:s14+$0x0] =	vst.add.f32.msk $0xffff, v1  }
0x91: {  	v1 =	vld [tilespmem:s29+$0x300];
	s15 =	sor.u32 $0x280, s5  }
0x92: {  	[tilespmem:s15+$0x0] =	vst.add.f32.msk $0xffff, v2  }
0x93: {  	s23 =	sor.u32 $0x300, s25;
	v2 =	vld [tilespmem:s6+$0x300]  }
0x94: {  	[tilespmem:s23+$0x0] =	vst.add.f32.msk $0xffff, v3  }
0x95: {  	s25 =	sor.u32 $0x300, s17;
	v3 =	vld [tilespmem:s19+$0x380]  }
0x96: {  	[tilespmem:s25+$0x0] =	vst.add.f32.msk $0xffff, v1  }
0x97: {  	s5 =	sor.u32 $0x300, s5;
	v1 =	vld [tilespmem:s29+$0x380]  }
0x98: {  	s11 =	sor.u32 s8, s11;
	[tilespmem:s5+$0x0] =	vst.add.f32.msk $0xffff, v2  }
0x99: {  	s0 =	sor.u32 s10, s0;
	s14 =	sor.u32 $0x380, s11;
	v2 =	vld [tilespmem:s6+$0x380]  }
0x9a: {  	s0 =	sor.u32 $0x380, s0;
	s19 =	sshll.u32 s9, $0x4;
	[tilespmem:s14+$0x0] =	vst.add.f32.msk $0xffff, v3  }
0x9b: {  	s15 =	sor.u32 s22, s20;
	s22 =	simm.s32 $0x0;
	s18 =	rddreg [dreg:$0x4]  }
0x9c: {  	s17 =	sor.u32 $0x380, s15;
	s23 =	sand.u32 $0x1C00, s22;
	s6 =	sor.u32 s18, s19  }
0x9d: {  	s25 =	sadd.s32 s23, s16;
	s5 =	sand.u32 $0x70, s22;
	[tilespmem:s17+$0x0] =	vst.add.f32.msk $0xffff, v1;
	s11 =	sshll.u32 s6, $0x7  }
0x9e: {  	s6 =	sadd.s32 s5, s25;
	s20 =	sadd.s32 s2, s11;
	[tilespmem:s0+$0x0] =	vst.add.f32.msk $0xffff, v2  }
0x9f: {  	[hbm4b:s20+s22] =	stream.linear.scatter [tilespmem:s22], [sflag:$0x5], $0x2000, $0x38;
	[tilespmem:$0x18000] =	vst v63  }
0xa0: {  	v0 =	vld [tilespmem:s6+$0x2000];
	_ =	sdelay $0x2  }
0xa1: {  	s8 =	sor.u32 s5, s23  }
0xa2: {  	s0 =	sor.u32 $0x2000, s8  }
0xa3: {  	[tilespmem:s0+$0x0] =	vst.add.f32.msk $0xffff, v0  }
0xa4: {  	v0 =	vld [tilespmem:s6+$0x2080];
	_ =	sdelay $0x3  }
0xa5: {  	s29 =	sor.u32 $0x2080, s8  }
0xa6: {  	[tilespmem:s29+$0x0] =	vst.add.f32.msk $0xffff, v0  }
0xa7: {  	s5 =	simm.s32 $0x80;
	v0 =	vld [tilespmem:s6+$0x2100]  }
0xa8: {  	s7 =	simm.s32 $0x10;
	s0 =	sand.u32 $0x1C00, s5  }
0xa9: {  	s5 =	sand.u32 $0x70, s7;
	s10 =	sadd.s32 s0, s16  }
0xaa: {  	s22 =	sadd.s32 s5, s10  }
0xab: {  	s14 =	sor.u32 $0x2100, s8;
	v1 =	vld [tilespmem:s22+$0x2000]  }
0xac: {  	[tilespmem:s14+$0x0] =	vst.add.f32.msk $0xffff, v0  }
0xad: {  	v0 =	vld [tilespmem:s6+$0x2180]  }
0xae: {  	s20 =	sor.u32 s5, s0  }
0xaf: {  	s0 =	sor.u32 $0x2000, s20  }
0xb0: {  	[tilespmem:s0+$0x0] =	vst.add.f32.msk $0xffff, v1  }
0xb1: {  	s15 =	sor.u32 $0x2180, s8;
	v1 =	vld [tilespmem:s22+$0x2080]  }
0xb2: {  	[tilespmem:s15+$0x0] =	vst.add.f32.msk $0xffff, v0  }
0xb3: {  	v0 =	vld [tilespmem:s6+$0x2200];
	_ =	sdelay $0x1  }
0xb4: {  	s17 =	sor.u32 $0x2080, s20  }
0xb5: {  	[tilespmem:s17+$0x0] =	vst.add.f32.msk $0xffff, v1  }
0xb6: {  	s18 =	simm.s32 $0x100;
	s23 =	sor.u32 $0x2200, s8;
	v1 =	vld [tilespmem:s22+$0x2100]  }
0xb7: {  	s25 =	simm.s32 $0x20;
	s29 =	sand.u32 $0x1C00, s18;
	[tilespmem:s23+$0x0] =	vst.add.f32.msk $0xffff, v0  }
0xb8: {  	s0 =	sadd.s32 s29, s16;
	s14 =	sand.u32 $0x70, s25;
	v0 =	vld [tilespmem:s6+$0x2280]  }
0xb9: {  	s0 =	sadd.s32 s14, s0  }
0xba: {  	v2 =	vld [tilespmem:s0+$0x2000];
	s15 =	sor.u32 $0x2100, s20  }
0xbb: {  	[tilespmem:s15+$0x0] =	vst.add.f32.msk $0xffff, v1  }
0xbc: {  	s17 =	sor.u32 $0x2280, s8;
	v1 =	vld [tilespmem:s22+$0x2180]  }
0xbd: {  	s10 =	sor.u32 s14, s29;
	[tilespmem:s17+$0x0] =	vst.add.f32.msk $0xffff, v0  }
0xbe: {  	s5 =	sor.u32 $0x2000, s10;
	v0 =	vld [tilespmem:s6+$0x2300]  }
0xbf: {  	[tilespmem:s5+$0x0] =	vst.add.f32.msk $0xffff, v2  }
0xc0: {  	s18 =	sor.u32 $0x2180, s20;
	v2 =	vld [tilespmem:s0+$0x2080]  }
0xc1: {  	[tilespmem:s18+$0x0] =	vst.add.f32.msk $0xffff, v1  }
0xc2: {  	s23 =	sor.u32 $0x2300, s8;
	v3 =	vld [tilespmem:s22+$0x2200]  }
0xc3: {  	[tilespmem:s23+$0x0] =	vst.add.f32.msk $0xffff, v0  }
0xc4: {  	s25 =	sor.u32 $0x2080, s10;
	v0 =	vld [tilespmem:s6+$0x2380]  }
0xc5: {  	[tilespmem:s25+$0x0] =	vst.add.f32.msk $0xffff, v2  }
0xc6: {  	s29 =	simm.s32 $0x30;
	s14 =	sor.u32 $0x2200, s20;
	v1 =	vld [tilespmem:s0+$0x2100];
	s6 =	simm.s32 $0x180  }
0xc7: {  	s5 =	sand.u32 $0x70, s29;
	s17 =	simm.s32 $0x40;
	[tilespmem:s14+$0x0] =	vst.add.f32.msk $0xffff, v3;
	s7 =	sand.u32 $0x1C00, s6  }
.LBB2_11:
0xc8: {  	p2 =	sne.s32 s17, $0x3F0;
	s14 =	sadd.s32 s7, s16;
	v2 =	vld [tilespmem:s22+$0x2280];
	s8 =	sor.u32 $0x2380, s8  }
0xc9: {  	s14 =	sadd.s32 s5, s14;
	[tilespmem:s8+$0x0] =	vst.add.f32.msk $0xffff, v0;
	s8 =	smov.u32 s20;
	s20 =	smov.u32 s10  }
0xca: {  	v0 =	vld [tilespmem:s14+$0x2000];
	s10 =	sor.u32 $0x2100, s20  }
0xcb: {  	[tilespmem:s10+$0x0] =	vst.add.f32.msk $0xffff, v1  }
0xcc: {  	s15 =	sor.u32 $0x2280, s8;
	v1 =	vld [tilespmem:s0+$0x2180]  }
0xcd: {  	s10 =	sor.u32 s5, s7;
	[tilespmem:s15+$0x0] =	vst.add.f32.msk $0xffff, v2  }
0xce: {  	s5 =	sor.u32 $0x2000, s10;
	v2 =	vld [tilespmem:s22+$0x2300]  }
0xcf: {  	[tilespmem:s5+$0x0] =	vst.add.f32.msk $0xffff, v0  }
0xd0: {  	s5 =	sor.u32 $0x2180, s20;
	v3 =	vld [tilespmem:s14+$0x2080]  }
0xd1: {  	[tilespmem:s5+$0x0] =	vst.add.f32.msk $0xffff, v1  }
0xd2: {  	s5 =	sor.u32 $0x2300, s8;
	v4 =	vld [tilespmem:s0+$0x2200]  }
.Ltmp7:
0xd3: {  	[tilespmem:s5+$0x0] =	vst.add.f32.msk $0xffff, v2;
	(pc) =	sbr.rel @p2 .LBB2_11-.Ltmp7, $4  }
0xd4: {  	s5 =	sor.u32 $0x2080, s10;
	v0 =	vld [tilespmem:s22+$0x2380];
	s22 =	smov.u32 s0;
	s0 =	smov.u32 s14  }
0xd5: {  	[tilespmem:s5+$0x0] =	vst.add.f32.msk $0xffff, v3  }
0xd6: {  	s6 =	sadd.s32 $0x80, s6;
	s14 =	sor.u32 $0x2200, s20;
	v1 =	vld [tilespmem:s0+$0x2100]  }
0xd7: {  	s7 =	sand.u32 $0x1C00, s6;
	s5 =	sand.u32 $0x70, s17;
	s17 =	sadd.s32 $0x10, s17;
	[tilespmem:s14+$0x0] =	vst.add.f32.msk $0xffff, v4  }
0xd8: {  	s6 =	sadd.s32 s7, s16  }
0xd9: {  	s6 =	sadd.s32 s5, s6  }
0xda: {  	v2 =	vld [tilespmem:s6+$0x2000];
	_ =	sdelay $0x2  }
0xdb: {  	s5 =	sor.u32 s5, s7  }
0xdc: {  	s7 =	sor.u32 $0x2000, s5  }
0xdd: {  	[tilespmem:s7+$0x0] =	vst.add.f32.msk $0xffff, v2  }
0xde: {  	v2 =	vld [tilespmem:s6+$0x2080];
	_ =	sdelay $0x3  }
0xdf: {  	s29 =	sor.u32 $0x2080, s5  }
0xe0: {  	[tilespmem:s29+$0x0] =	vst.add.f32.msk $0xffff, v2  }
0xe1: {  	v2 =	vld [tilespmem:s6+$0x2100];
	_ =	sdelay $0x1  }
0xe2: {  	s14 =	sor.u32 $0x2100, s10  }
0xe3: {  	[tilespmem:s14+$0x0] =	vst.add.f32.msk $0xffff, v1  }
0xe4: {  	s15 =	sor.u32 $0x2100, s5;
	v1 =	vld [tilespmem:s0+$0x2180]  }
0xe5: {  	[tilespmem:s15+$0x0] =	vst.add.f32.msk $0xffff, v2  }
0xe6: {  	v2 =	vld [tilespmem:s6+$0x2180];
	_ =	sdelay $0x1  }
0xe7: {  	s17 =	sor.u32 $0x2180, s10  }
0xe8: {  	[tilespmem:s17+$0x0] =	vst.add.f32.msk $0xffff, v1  }
0xe9: {  	s18 =	sor.u32 $0x2180, s5;
	v1 =	vld [tilespmem:s0+$0x2200]  }
0xea: {  	[tilespmem:s18+$0x0] =	vst.add.f32.msk $0xffff, v2  }
0xeb: {  	v2 =	vld [tilespmem:s6+$0x2200];
	_ =	sdelay $0x1  }
0xec: {  	v3 =	vld [tilespmem:s22+$0x2280];
	s23 =	sor.u32 $0x2200, s10  }
0xed: {  	[tilespmem:s23+$0x0] =	vst.add.f32.msk $0xffff, v1  }
0xee: {  	s25 =	sor.u32 $0x2200, s5;
	v1 =	vld [tilespmem:s0+$0x2280]  }
0xef: {  	[tilespmem:s25+$0x0] =	vst.add.f32.msk $0xffff, v2  }
0xf0: {  	s29 =	sor.u32 $0x2280, s20;
	v2 =	vld [tilespmem:s6+$0x2280]  }
0xf1: {  	[tilespmem:s29+$0x0] =	vst.add.f32.msk $0xffff, v3  }
0xf2: {  	s14 =	sor.u32 $0x2280, s10;
	v3 =	vld [tilespmem:s22+$0x2300]  }
0xf3: {  	[tilespmem:s14+$0x0] =	vst.add.f32.msk $0xffff, v1  }
0xf4: {  	s15 =	sor.u32 $0x2280, s5;
	v1 =	vld [tilespmem:s0+$0x2300]  }
0xf5: {  	[tilespmem:s15+$0x0] =	vst.add.f32.msk $0xffff, v2  }
0xf6: {  	s17 =	sor.u32 $0x2300, s20;
	v2 =	vld [tilespmem:s6+$0x2300]  }
0xf7: {  	[tilespmem:s17+$0x0] =	vst.add.f32.msk $0xffff, v3  }
0xf8: {  	v3 =	vld [tilespmem:s22+$0x2380];
	s18 =	sor.u32 $0x2300, s10  }
0xf9: {  	[tilespmem:s18+$0x0] =	vst.add.f32.msk $0xffff, v1  }
0xfa: {  	s22 =	sor.u32 $0x2300, s5;
	v1 =	vld [tilespmem:s0+$0x2380]  }
0xfb: {  	[tilespmem:s22+$0x0] =	vst.add.f32.msk $0xffff, v2  }
0xfc: {  	v2 =	vld [tilespmem:s6+$0x2380]  }
0xfd: {  	s23 =	sor.u32 $0x2380, s8  }
0xfe: {  	[tilespmem:s23+$0x0] =	vst.add.f32.msk $0xffff, v0;
	s25 =	sor.u32 $0x2380, s20  }
0xff: {  	s29 =	sor.u32 $0x2380, s10;
	[tilespmem:s25+$0x0] =	vst.add.f32.msk $0xffff, v3  }
0x100: {  	[tilespmem:s29+$0x0] =	vst.add.f32.msk $0xffff, v1;
	s6 =	sor.u32 $0x2380, s5  }
0x101: {  	s7 =	sadd.s32 s11, s13;
	s8 =	simm.s32 $0x2000;
	s0 =	simm.s32 @!p1 $0x8;
	[tilespmem:s6+$0x0] =	vst.add.f32.msk $0xffff, v2  }
0x102: {  	[hbm4b:s7+s4] =	stream.linear.scatter [tilespmem:s8], [sflag:$0x5], $0x2000, $0x38;
	[tilespmem:$0x18000] =	vst v63  }
0x103: {  	_ =	swait.ge @!p1 [sflag:s0], $0x2000  }
0x104: {  	[sflag:s0] =	ssyncset.done @!p1 $0x0  }
0x105: {  	[sflag:s0] =	ssyncadd.s32 @!p1 $0xFFFFE000  }
0x106: {  	_ =	swait.ge @!p1 [sflag:s0], $0x2000  }
0x107: {  	s11 =	sadd.s32 $0x300000, s11;
	s14 =	simm.s32 $0x0;
	[sflag:s0] =	ssyncset.done @!p1 $0x0  }
0x108: {  	s10 =	sadd.s32 s1, s11;
	s18 =	simm.s32 $0xC000;
	[sflag:s0] =	ssyncadd.s32 @!p1 $0xFFFFE000  }
0x109: {  	[tilespmem:s18], [sflag:$0x4] =	stream.linear.gather [hbm4b:s10+s14], $0x4000, $0x38;
	[tilespmem:$0x18000] =	vst v63  }
0x10a: {  	s15 =	sand.u32 $0x1C00, s14;
	_ =	swait.ge [sflag:s24], $0x4000  }
0x10b: {  	s17 =	sadd.s32 s15, s16;
	s5 =	sand.u32 $0x70, s14;
	[sflag:s24] =	ssyncset.done $0x0  }
0x10c: {  	s6 =	sadd.s32 s5, s17;
	[sflag:s24] =	ssyncadd.s32 $0xFFFFC000  }
0x10d: {  	v0 =	vld [tilespmem:s6+$0x0];
	_ =	sdelay $0x2  }
0x10e: {  	s8 =	sor.u32 s5, s15  }
0x10f: {  	s0 =	sor.u32 $0x4000, s8  }
0x110: {  	[tilespmem:s0+$0x0] =	vst.add.f32.msk $0xffff, v0  }
0x111: {  	v0 =	vld [tilespmem:s6+$0x80];
	_ =	sdelay $0x3  }
0x112: {  	s20 =	sor.u32 $0x4080, s8  }
0x113: {  	[tilespmem:s20+$0x0] =	vst.add.f32.msk $0xffff, v0  }
0x114: {  	s22 =	simm.s32 $0x80;
	v0 =	vld [tilespmem:s6+$0x100]  }
0x115: {  	s23 =	simm.s32 $0x10;
	s0 =	sand.u32 $0x1C00, s22  }
0x116: {  	s5 =	sand.u32 $0x70, s23;
	s25 =	sadd.s32 s0, s16  }
0x117: {  	s22 =	sadd.s32 s5, s25  }
0x118: {  	s29 =	sor.u32 $0x4100, s8;
	v1 =	vld [tilespmem:s22+$0x0]  }
0x119: {  	[tilespmem:s29+$0x0] =	vst.add.f32.msk $0xffff, v0  }
0x11a: {  	v0 =	vld [tilespmem:s6+$0x180]  }
0x11b: {  	s20 =	sor.u32 s5, s0  }
0x11c: {  	s0 =	sor.u32 $0x4000, s20  }
0x11d: {  	[tilespmem:s0+$0x0] =	vst.add.f32.msk $0xffff, v1  }
0x11e: {  	s10 =	sor.u32 $0x4180, s8;
	v1 =	vld [tilespmem:s22+$0x80]  }
0x11f: {  	[tilespmem:s10+$0x0] =	vst.add.f32.msk $0xffff, v0  }
0x120: {  	v0 =	vld [tilespmem:s6+$0x200];
	_ =	sdelay $0x1  }
0x121: {  	s14 =	sor.u32 $0x4080, s20  }
0x122: {  	[tilespmem:s14+$0x0] =	vst.add.f32.msk $0xffff, v1  }
0x123: {  	s15 =	simm.s32 $0x100;
	s17 =	sor.u32 $0x4200, s8;
	v1 =	vld [tilespmem:s22+$0x100]  }
0x124: {  	s23 =	simm.s32 $0x20;
	s25 =	sand.u32 $0x1C00, s15;
	[tilespmem:s17+$0x0] =	vst.add.f32.msk $0xffff, v0  }
0x125: {  	s0 =	sadd.s32 s25, s16;
	s29 =	sand.u32 $0x70, s23;
	v0 =	vld [tilespmem:s6+$0x280]  }
0x126: {  	s0 =	sadd.s32 s29, s0  }
0x127: {  	v2 =	vld [tilespmem:s0+$0x0];
	s14 =	sor.u32 $0x4100, s20  }
0x128: {  	[tilespmem:s14+$0x0] =	vst.add.f32.msk $0xffff, v1  }
0x129: {  	s15 =	sor.u32 $0x4280, s8;
	v1 =	vld [tilespmem:s22+$0x180]  }
0x12a: {  	s10 =	sor.u32 s29, s25;
	[tilespmem:s15+$0x0] =	vst.add.f32.msk $0xffff, v0  }
0x12b: {  	s5 =	sor.u32 $0x4000, s10;
	v0 =	vld [tilespmem:s6+$0x300]  }
0x12c: {  	[tilespmem:s5+$0x0] =	vst.add.f32.msk $0xffff, v2  }
0x12d: {  	v2 =	vld [tilespmem:s0+$0x80];
	s17 =	sor.u32 $0x4180, s20  }
0x12e: {  	[tilespmem:s17+$0x0] =	vst.add.f32.msk $0xffff, v1  }
0x12f: {  	s23 =	sor.u32 $0x4300, s8;
	v3 =	vld [tilespmem:s22+$0x200]  }
0x130: {  	[tilespmem:s23+$0x0] =	vst.add.f32.msk $0xffff, v0  }
0x131: {  	s25 =	sor.u32 $0x4080, s10;
	v0 =	vld [tilespmem:s6+$0x380]  }
0x132: {  	[tilespmem:s25+$0x0] =	vst.add.f32.msk $0xffff, v2  }
0x133: {  	s29 =	simm.s32 $0x30;
	s14 =	sor.u32 $0x4200, s20;
	v1 =	vld [tilespmem:s0+$0x100];
	s6 =	simm.s32 $0x180  }
0x134: {  	s5 =	sand.u32 $0x70, s29;
	s17 =	simm.s32 $0x40;
	[tilespmem:s14+$0x0] =	vst.add.f32.msk $0xffff, v3;
	s7 =	sand.u32 $0x1C00, s6  }
.LBB2_13:
0x135: {  	p1 =	sne.s32 s17, $0x3F0;
	s14 =	sadd.s32 s7, s16;
	v2 =	vld [tilespmem:s22+$0x280];
	s8 =	sor.u32 $0x4380, s8  }
0x136: {  	s14 =	sadd.s32 s5, s14;
	[tilespmem:s8+$0x0] =	vst.add.f32.msk $0xffff, v0;
	s8 =	smov.u32 s20;
	s20 =	smov.u32 s10  }
0x137: {  	v0 =	vld [tilespmem:s14+$0x0];
	s10 =	sor.u32 $0x4100, s20  }
0x138: {  	[tilespmem:s10+$0x0] =	vst.add.f32.msk $0xffff, v1  }
0x139: {  	s15 =	sor.u32 $0x4280, s8;
	v1 =	vld [tilespmem:s0+$0x180]  }
0x13a: {  	s10 =	sor.u32 s5, s7;
	[tilespmem:s15+$0x0] =	vst.add.f32.msk $0xffff, v2  }
0x13b: {  	s5 =	sor.u32 $0x4000, s10;
	v2 =	vld [tilespmem:s22+$0x300]  }
0x13c: {  	[tilespmem:s5+$0x0] =	vst.add.f32.msk $0xffff, v0  }
0x13d: {  	s5 =	sor.u32 $0x4180, s20;
	v3 =	vld [tilespmem:s14+$0x80]  }
0x13e: {  	[tilespmem:s5+$0x0] =	vst.add.f32.msk $0xffff, v1  }
0x13f: {  	s5 =	sor.u32 $0x4300, s8;
	v4 =	vld [tilespmem:s0+$0x200]  }
.Ltmp8:
0x140: {  	[tilespmem:s5+$0x0] =	vst.add.f32.msk $0xffff, v2;
	(pc) =	sbr.rel @p1 .LBB2_13-.Ltmp8, $4  }
0x141: {  	s5 =	sor.u32 $0x4080, s10;
	v0 =	vld [tilespmem:s22+$0x380];
	s22 =	smov.u32 s0;
	s0 =	smov.u32 s14  }
0x142: {  	[tilespmem:s5+$0x0] =	vst.add.f32.msk $0xffff, v3  }
0x143: {  	s6 =	sadd.s32 $0x80, s6;
	s14 =	sor.u32 $0x4200, s20;
	v1 =	vld [tilespmem:s0+$0x100]  }
0x144: {  	s7 =	sand.u32 $0x1C00, s6;
	s5 =	sand.u32 $0x70, s17;
	s17 =	sadd.s32 $0x10, s17;
	[tilespmem:s14+$0x0] =	vst.add.f32.msk $0xffff, v4  }
0x145: {  	s6 =	sadd.s32 s7, s16  }
0x146: {  	s6 =	sadd.s32 s5, s6  }
0x147: {  	v2 =	vld [tilespmem:s6+$0x0];
	_ =	sdelay $0x2  }
0x148: {  	s5 =	sor.u32 s5, s7  }
0x149: {  	s7 =	sor.u32 $0x4000, s5  }
0x14a: {  	[tilespmem:s7+$0x0] =	vst.add.f32.msk $0xffff, v2  }
0x14b: {  	v2 =	vld [tilespmem:s6+$0x80];
	_ =	sdelay $0x3  }
0x14c: {  	s17 =	sor.u32 $0x4080, s5  }
0x14d: {  	[tilespmem:s17+$0x0] =	vst.add.f32.msk $0xffff, v2  }
0x14e: {  	v2 =	vld [tilespmem:s6+$0x100]  }
0x14f: {  	s23 =	sor.u32 $0x4100, s10  }
0x150: {  	[tilespmem:s23+$0x0] =	vst.add.f32.msk $0xffff, v1  }
0x151: {  	v1 =	vld [tilespmem:s0+$0x180]  }
0x152: {  	s25 =	sor.u32 $0x4100, s5  }
0x153: {  	[tilespmem:s25+$0x0] =	vst.add.f32.msk $0xffff, v2  }
0x154: {  	v2 =	vld [tilespmem:s6+$0x180]  }
0x155: {  	s29 =	sor.u32 $0x4180, s10;
	v3 =	vld [tilespmem:s22+$0x280]  }
0x156: {  	[tilespmem:s29+$0x0] =	vst.add.f32.msk $0xffff, v1  }
0x157: {  	v1 =	vld [tilespmem:s0+$0x200]  }
0x158: {  	s14 =	sor.u32 $0x4180, s5  }
0x159: {  	[tilespmem:s14+$0x0] =	vst.add.f32.msk $0xffff, v2  }
0x15a: {  	s23 =	sor.u32 $0x4280, s20;
	v2 =	vld [tilespmem:s6+$0x200]  }
0x15b: {  	s15 =	sor.u32 $0x4200, s10;
	[tilespmem:s23+$0x0] =	vst.add.f32.msk $0xffff, v3  }
0x15c: {  	[tilespmem:s15+$0x0] =	vst.add.f32.msk $0xffff, v1  }
0x15d: {  	v1 =	vld [tilespmem:s0+$0x280]  }
0x15e: {  	v3 =	vld [tilespmem:s22+$0x300];
	s17 =	sor.u32 $0x4200, s5  }
0x15f: {  	[tilespmem:s17+$0x0] =	vst.add.f32.msk $0xffff, v2  }
0x160: {  	v2 =	vld [tilespmem:s6+$0x280]  }
0x161: {  	s25 =	sor.u32 $0x4280, s10  }
0x162: {  	[tilespmem:s25+$0x0] =	vst.add.f32.msk $0xffff, v1  }
0x163: {  	v1 =	vld [tilespmem:s0+$0x300];
	s14 =	sor.u32 $0x4300, s20  }
0x164: {  	s29 =	sor.u32 $0x4280, s5;
	[tilespmem:s14+$0x0] =	vst.add.f32.msk $0xffff, v3  }
0x165: {  	[tilespmem:s29+$0x0] =	vst.add.f32.msk $0xffff, v2  }
0x166: {  	v2 =	vld [tilespmem:s6+$0x300]  }
0x167: {  	s15 =	sor.u32 $0x4300, s10;
	v3 =	vld [tilespmem:s22+$0x380]  }
0x168: {  	[tilespmem:s15+$0x0] =	vst.add.f32.msk $0xffff, v1  }
0x169: {  	s22 =	sor.u32 $0x4380, s8;
	v1 =	vld [tilespmem:s0+$0x380]  }
0x16a: {  	[tilespmem:s22+$0x0] =	vst.add.f32.msk $0xffff, v0;
	s17 =	sor.u32 $0x4300, s5  }
0x16b: {  	[tilespmem:s17+$0x0] =	vst.add.f32.msk $0xffff, v2  }
0x16c: {  	s23 =	sor.u32 $0x4380, s20;
	v2 =	vld [tilespmem:s6+$0x380]  }
0x16d: {  	[tilespmem:s23+$0x0] =	vst.add.f32.msk $0xffff, v3  }
0x16e: {  	s7 =	simm.s32 $0x0;
	s29 =	rddreg [dreg:$0x5]  }
0x16f: {  	s25 =	sor.u32 $0x4380, s10;
	s10 =	simm.s32 $0x4000;
	s6 =	sor.u32 s29, s19  }
0x170: {  	s14 =	sand.u32 $0x1C00, s7;
	s5 =	sor.u32 $0x4380, s5;
	[tilespmem:s25+$0x0] =	vst.add.f32.msk $0xffff, v1;
	s8 =	sshll.u32 s6, $0x7  }
0x171: {  	s15 =	sadd.s32 s14, s16;
	s6 =	sadd.s32 s2, s8;
	[tilespmem:s5+$0x0] =	vst.add.f32.msk $0xffff, v2;
	s5 =	sand.u32 $0x70, s7  }
0x172: {  	[hbm4b:s6+s7] =	stream.linear.scatter [tilespmem:s10], [sflag:$0x6], $0x2000, $0x38;
	[tilespmem:$0x18000] =	vst v63  }
0x173: {  	s6 =	sadd.s32 s5, s15  }
0x174: {  	v0 =	vld [tilespmem:s6+$0x2000];
	_ =	sdelay $0x2  }
0x175: {  	s20 =	sor.u32 s5, s14  }
0x176: {  	s0 =	sor.u32 $0x6000, s20  }
0x177: {  	[tilespmem:s0+$0x0] =	vst.add.f32.msk $0xffff, v0  }
0x178: {  	v0 =	vld [tilespmem:s6+$0x2080];
	_ =	sdelay $0x3  }
0x179: {  	s17 =	sor.u32 $0x6080, s20  }
0x17a: {  	[tilespmem:s17+$0x0] =	vst.add.f32.msk $0xffff, v0  }
0x17b: {  	s22 =	simm.s32 $0x80;
	v0 =	vld [tilespmem:s6+$0x2100]  }
0x17c: {  	s23 =	simm.s32 $0x10;
	s0 =	sand.u32 $0x1C00, s22  }
0x17d: {  	s5 =	sand.u32 $0x70, s23;
	s25 =	sadd.s32 s0, s16  }
0x17e: {  	s25 =	sadd.s32 s5, s25  }
0x17f: {  	s29 =	sor.u32 $0x6100, s20;
	v1 =	vld [tilespmem:s25+$0x2000]  }
0x180: {  	[tilespmem:s29+$0x0] =	vst.add.f32.msk $0xffff, v0  }
0x181: {  	v0 =	vld [tilespmem:s6+$0x2180]  }
0x182: {  	s22 =	sor.u32 s5, s0  }
0x183: {  	s0 =	sor.u32 $0x6000, s22  }
0x184: {  	[tilespmem:s0+$0x0] =	vst.add.f32.msk $0xffff, v1  }
0x185: {  	s5 =	sor.u32 $0x6180, s20;
	v1 =	vld [tilespmem:s25+$0x2080]  }
0x186: {  	[tilespmem:s5+$0x0] =	vst.add.f32.msk $0xffff, v0  }
0x187: {  	v0 =	vld [tilespmem:s6+$0x2200];
	_ =	sdelay $0x1  }
0x188: {  	s7 =	sor.u32 $0x6080, s22  }
0x189: {  	[tilespmem:s7+$0x0] =	vst.add.f32.msk $0xffff, v1  }
0x18a: {  	s10 =	simm.s32 $0x100;
	s14 =	sor.u32 $0x6200, s20;
	v1 =	vld [tilespmem:s25+$0x2100]  }
0x18b: {  	s15 =	simm.s32 $0x20;
	s17 =	sand.u32 $0x1C00, s10;
	[tilespmem:s14+$0x0] =	vst.add.f32.msk $0xffff, v0  }
0x18c: {  	s23 =	sand.u32 $0x70, s15;
	s0 =	sadd.s32 s17, s16;
	v0 =	vld [tilespmem:s6+$0x2280]  }
0x18d: {  	s0 =	sadd.s32 s23, s0  }
0x18e: {  	v2 =	vld [tilespmem:s0+$0x2000];
	s29 =	sor.u32 $0x6100, s22  }
0x18f: {  	[tilespmem:s29+$0x0] =	vst.add.f32.msk $0xffff, v1  }
0x190: {  	v1 =	vld [tilespmem:s25+$0x2180];
	s14 =	sor.u32 $0x6280, s20  }
0x191: {  	s10 =	sor.u32 s23, s17;
	[tilespmem:s14+$0x0] =	vst.add.f32.msk $0xffff, v0  }
0x192: {  	s5 =	sor.u32 $0x6000, s10;
	v0 =	vld [tilespmem:s6+$0x2300]  }
0x193: {  	[tilespmem:s5+$0x0] =	vst.add.f32.msk $0xffff, v2  }
0x194: {  	s15 =	sor.u32 $0x6180, s22;
	v2 =	vld [tilespmem:s0+$0x2080]  }
0x195: {  	[tilespmem:s15+$0x0] =	vst.add.f32.msk $0xffff, v1  }
0x196: {  	s17 =	sor.u32 $0x6300, s20;
	v3 =	vld [tilespmem:s25+$0x2200]  }
0x197: {  	[tilespmem:s17+$0x0] =	vst.add.f32.msk $0xffff, v0  }
0x198: {  	s23 =	sor.u32 $0x6080, s10;
	v0 =	vld [tilespmem:s6+$0x2380]  }
0x199: {  	[tilespmem:s23+$0x0] =	vst.add.f32.msk $0xffff, v2  }
0x19a: {  	s29 =	simm.s32 $0x30;
	v1 =	vld [tilespmem:s0+$0x2100];
	s14 =	sor.u32 $0x6200, s22;
	s6 =	simm.s32 $0x180  }
0x19b: {  	s5 =	sand.u32 $0x70, s29;
	[tilespmem:s14+$0x0] =	vst.add.f32.msk $0xffff, v3;
	s17 =	simm.s32 $0x40;
	s7 =	sand.u32 $0x1C00, s6  }
.LBB2_15:
0x19c: {  	p1 =	sne.s32 s17, $0x3F0;
	s14 =	sadd.s32 s7, s16;
	v2 =	vld [tilespmem:s25+$0x2280];
	s15 =	sor.u32 $0x6380, s20  }
0x19d: {  	s20 =	smov.u32 s22;
	s22 =	smov.u32 s10;
	s14 =	sadd.s32 s5, s14;
	[tilespmem:s15+$0x0] =	vst.add.f32.msk $0xffff, v0  }
0x19e: {  	s10 =	sor.u32 $0x6100, s22;
	v0 =	vld [tilespmem:s14+$0x2000]  }
0x19f: {  	[tilespmem:s10+$0x0] =	vst.add.f32.msk $0xffff, v1  }
0x1a0: {  	s15 =	sor.u32 $0x6280, s20;
	v1 =	vld [tilespmem:s0+$0x2180]  }
0x1a1: {  	s10 =	sor.u32 s5, s7;
	[tilespmem:s15+$0x0] =	vst.add.f32.msk $0xffff, v2  }
0x1a2: {  	s5 =	sor.u32 $0x6000, s10;
	v2 =	vld [tilespmem:s25+$0x2300]  }
0x1a3: {  	[tilespmem:s5+$0x0] =	vst.add.f32.msk $0xffff, v0  }
0x1a4: {  	s5 =	sor.u32 $0x6180, s22;
	v3 =	vld [tilespmem:s14+$0x2080]  }
0x1a5: {  	[tilespmem:s5+$0x0] =	vst.add.f32.msk $0xffff, v1  }
0x1a6: {  	s5 =	sor.u32 $0x6300, s20;
	v4 =	vld [tilespmem:s0+$0x2200]  }
.Ltmp9:
0x1a7: {  	[tilespmem:s5+$0x0] =	vst.add.f32.msk $0xffff, v2;
	(pc) =	sbr.rel @p1 .LBB2_15-.Ltmp9, $4  }
0x1a8: {  	s5 =	sor.u32 $0x6080, s10;
	v0 =	vld [tilespmem:s25+$0x2380];
	s25 =	smov.u32 s0;
	s0 =	smov.u32 s14  }
0x1a9: {  	[tilespmem:s5+$0x0] =	vst.add.f32.msk $0xffff, v3  }
0x1aa: {  	s6 =	sadd.s32 $0x80, s6;
	s14 =	sor.u32 $0x6200, s22;
	v1 =	vld [tilespmem:s0+$0x2100]  }
0x1ab: {  	s7 =	sand.u32 $0x1C00, s6;
	s5 =	sand.u32 $0x70, s17;
	s17 =	sadd.s32 $0x10, s17;
	[tilespmem:s14+$0x0] =	vst.add.f32.msk $0xffff, v4  }
0x1ac: {  	s6 =	sadd.s32 s7, s16  }
0x1ad: {  	s6 =	sadd.s32 s5, s6  }
0x1ae: {  	v2 =	vld [tilespmem:s6+$0x2000];
	_ =	sdelay $0x2  }
0x1af: {  	s5 =	sor.u32 s5, s7  }
0x1b0: {  	s7 =	sor.u32 $0x6000, s5  }
0x1b1: {  	[tilespmem:s7+$0x0] =	vst.add.f32.msk $0xffff, v2  }
0x1b2: {  	v2 =	vld [tilespmem:s6+$0x2080];
	_ =	sdelay $0x3  }
0x1b3: {  	s14 =	sor.u32 $0x6080, s5  }
0x1b4: {  	[tilespmem:s14+$0x0] =	vst.add.f32.msk $0xffff, v2  }
0x1b5: {  	v2 =	vld [tilespmem:s6+$0x2100];
	_ =	sdelay $0x1  }
0x1b6: {  	s15 =	sor.u32 $0x6100, s10  }
0x1b7: {  	[tilespmem:s15+$0x0] =	vst.add.f32.msk $0xffff, v1  }
0x1b8: {  	s17 =	sor.u32 $0x6100, s5;
	v1 =	vld [tilespmem:s0+$0x2180]  }
0x1b9: {  	[tilespmem:s17+$0x0] =	vst.add.f32.msk $0xffff, v2  }
0x1ba: {  	v2 =	vld [tilespmem:s6+$0x2180];
	_ =	sdelay $0x1  }
0x1bb: {  	s23 =	sor.u32 $0x6180, s10  }
0x1bc: {  	[tilespmem:s23+$0x0] =	vst.add.f32.msk $0xffff, v1  }
0x1bd: {  	s29 =	sor.u32 $0x6180, s5;
	v1 =	vld [tilespmem:s0+$0x2200]  }
0x1be: {  	[tilespmem:s29+$0x0] =	vst.add.f32.msk $0xffff, v2  }
0x1bf: {  	v2 =	vld [tilespmem:s6+$0x2200];
	_ =	sdelay $0x1  }
0x1c0: {  	v3 =	vld [tilespmem:s25+$0x2280];
	s14 =	sor.u32 $0x6200, s10  }
0x1c1: {  	[tilespmem:s14+$0x0] =	vst.add.f32.msk $0xffff, v1  }
0x1c2: {  	s15 =	sor.u32 $0x6200, s5;
	v1 =	vld [tilespmem:s0+$0x2280]  }
0x1c3: {  	[tilespmem:s15+$0x0] =	vst.add.f32.msk $0xffff, v2  }
0x1c4: {  	s17 =	sor.u32 $0x6280, s22;
	v2 =	vld [tilespmem:s6+$0x2280]  }
0x1c5: {  	[tilespmem:s17+$0x0] =	vst.add.f32.msk $0xffff, v3  }
0x1c6: {  	s23 =	sor.u32 $0x6280, s10;
	v3 =	vld [tilespmem:s25+$0x2300]  }
0x1c7: {  	[tilespmem:s23+$0x0] =	vst.add.f32.msk $0xffff, v1  }
0x1c8: {  	v1 =	vld [tilespmem:s0+$0x2300];
	s29 =	sor.u32 $0x6280, s5  }
0x1c9: {  	[tilespmem:s29+$0x0] =	vst.add.f32.msk $0xffff, v2  }
0x1ca: {  	s14 =	sor.u32 $0x6300, s22;
	v2 =	vld [tilespmem:s6+$0x2300]  }
0x1cb: {  	[tilespmem:s14+$0x0] =	vst.add.f32.msk $0xffff, v3  }
0x1cc: {  	v3 =	vld [tilespmem:s25+$0x2380];
	s15 =	sor.u32 $0x6300, s10  }
0x1cd: {  	[tilespmem:s15+$0x0] =	vst.add.f32.msk $0xffff, v1  }
0x1ce: {  	s17 =	sor.u32 $0x6300, s5;
	v1 =	vld [tilespmem:s0+$0x2380]  }
0x1cf: {  	[tilespmem:s17+$0x0] =	vst.add.f32.msk $0xffff, v2  }
0x1d0: {  	v2 =	vld [tilespmem:s6+$0x2380]  }
0x1d1: {  	s23 =	sor.u32 $0x6380, s20  }
0x1d2: {  	[tilespmem:s23+$0x0] =	vst.add.f32.msk $0xffff, v0;
	s25 =	sor.u32 $0x6380, s22  }
0x1d3: {  	[tilespmem:s25+$0x0] =	vst.add.f32.msk $0xffff, v3;
	s29 =	sor.u32 $0x6380, s10  }
0x1d4: {  	s7 =	sand.u32 $0x1FFFF800, s8;
	[tilespmem:s29+$0x0] =	vst.add.f32.msk $0xffff, v1;
	s6 =	sor.u32 $0x6380, s5  }
0x1d5: {  	s8 =	sadd.s32 s7, s13;
	s10 =	simm.s32 $0x6000;
	[tilespmem:s6+$0x0] =	vst.add.f32.msk $0xffff, v2  }
0x1d6: {  	[hbm4b:s8+s4] =	stream.linear.scatter [tilespmem:s10], [sflag:$0x6], $0x2000, $0x38;
	[tilespmem:$0x18000] =	vst v63  }
0x1d7: {  	_ =	swait.ge [sflag:s26], $0x2000  }
0x1d8: {  	[sflag:s26] =	ssyncset.done $0x0  }
0x1d9: {  	[sflag:s26] =	ssyncadd.s32 $0xFFFFE000  }
0x1da: {  	_ =	swait.ge [sflag:s26], $0x2000  }
0x1db: {  	s0 =	rddreg [dreg:$0xb]  }
0x1dc: {  	s0 =	sadd.s32 @p0 s19, s0  }
0x1dd: {  	s14 =	simm.s32 $0x0;
	[sflag:s26] =	ssyncset.done $0x0;
	s0 =	sshll.u32 @p0 s0, $0x7  }
0x1de: {  	s5 =	simm.s32 @p0 $0x0;
	[sflag:s26] =	ssyncadd.s32 $0xFFFFE000;
	s0 =	sadd.s32 @p0 s1, s0  }
0x1df: {  	[tilespmem:s5], [sflag:$0x1] =	stream.linear.gather @p0 [hbm4b:s0+s5], $0x4000, $0x38;
	[tilespmem:$0x18000] =	vst v63  }
0x1e0: {  	s15 =	sand.u32 $0x1C00, s14;
	_ =	swait.ge [sflag:s28], $0x4000  }
0x1e1: {  	s17 =	sadd.s32 s15, s16;
	s0 =	sand.u32 $0x70, s14;
	[sflag:s28] =	ssyncset.done $0x0  }
0x1e2: {  	s6 =	sadd.s32 s0, s17;
	[sflag:s28] =	ssyncadd.s32 $0xFFFFC000  }
0x1e3: {  	v0 =	vld [tilespmem:s6+$0x0];
	_ =	sdelay $0x2  }
0x1e4: {  	s8 =	sor.u32 s0, s15  }
0x1e5: {  	s0 =	sor.u32 $0x8000, s8  }
0x1e6: {  	[tilespmem:s0+$0x0] =	vst.add.f32.msk $0xffff, v0  }
0x1e7: {  	v0 =	vld [tilespmem:s6+$0x80];
	_ =	sdelay $0x3  }
0x1e8: {  	s20 =	sor.u32 $0x8080, s8  }
0x1e9: {  	[tilespmem:s20+$0x0] =	vst.add.f32.msk $0xffff, v0  }
0x1ea: {  	s22 =	simm.s32 $0x80;
	v0 =	vld [tilespmem:s6+$0x100]  }
0x1eb: {  	s23 =	simm.s32 $0x10;
	s0 =	sand.u32 $0x1C00, s22  }
0x1ec: {  	s5 =	sand.u32 $0x70, s23;
	s25 =	sadd.s32 s0, s16  }
0x1ed: {  	s22 =	sadd.s32 s5, s25  }
0x1ee: {  	s29 =	sor.u32 $0x8100, s8;
	v1 =	vld [tilespmem:s22+$0x0]  }
0x1ef: {  	[tilespmem:s29+$0x0] =	vst.add.f32.msk $0xffff, v0  }
0x1f0: {  	v0 =	vld [tilespmem:s6+$0x180]  }
0x1f1: {  	s20 =	sor.u32 s5, s0  }
0x1f2: {  	s0 =	sor.u32 $0x8000, s20  }
0x1f3: {  	[tilespmem:s0+$0x0] =	vst.add.f32.msk $0xffff, v1  }
0x1f4: {  	s10 =	sor.u32 $0x8180, s8;
	v1 =	vld [tilespmem:s22+$0x80]  }
0x1f5: {  	[tilespmem:s10+$0x0] =	vst.add.f32.msk $0xffff, v0  }
0x1f6: {  	v0 =	vld [tilespmem:s6+$0x200];
	_ =	sdelay $0x1  }
0x1f7: {  	s14 =	sor.u32 $0x8080, s20  }
0x1f8: {  	[tilespmem:s14+$0x0] =	vst.add.f32.msk $0xffff, v1  }
0x1f9: {  	s15 =	simm.s32 $0x100;
	s17 =	sor.u32 $0x8200, s8;
	v1 =	vld [tilespmem:s22+$0x100]  }
0x1fa: {  	s23 =	simm.s32 $0x20;
	s25 =	sand.u32 $0x1C00, s15;
	[tilespmem:s17+$0x0] =	vst.add.f32.msk $0xffff, v0  }
0x1fb: {  	s0 =	sadd.s32 s25, s16;
	s29 =	sand.u32 $0x70, s23;
	v0 =	vld [tilespmem:s6+$0x280]  }
0x1fc: {  	s0 =	sadd.s32 s29, s0  }
0x1fd: {  	v2 =	vld [tilespmem:s0+$0x0];
	s14 =	sor.u32 $0x8100, s20  }
0x1fe: {  	[tilespmem:s14+$0x0] =	vst.add.f32.msk $0xffff, v1  }
0x1ff: {  	s15 =	sor.u32 $0x8280, s8;
	v1 =	vld [tilespmem:s22+$0x180]  }
0x200: {  	s10 =	sor.u32 s29, s25;
	[tilespmem:s15+$0x0] =	vst.add.f32.msk $0xffff, v0  }
0x201: {  	s5 =	sor.u32 $0x8000, s10;
	v0 =	vld [tilespmem:s6+$0x300]  }
0x202: {  	[tilespmem:s5+$0x0] =	vst.add.f32.msk $0xffff, v2  }
0x203: {  	v2 =	vld [tilespmem:s0+$0x80];
	s17 =	sor.u32 $0x8180, s20  }
0x204: {  	[tilespmem:s17+$0x0] =	vst.add.f32.msk $0xffff, v1  }
0x205: {  	s23 =	sor.u32 $0x8300, s8;
	v3 =	vld [tilespmem:s22+$0x200]  }
0x206: {  	[tilespmem:s23+$0x0] =	vst.add.f32.msk $0xffff, v0  }
0x207: {  	s25 =	sor.u32 $0x8080, s10;
	v0 =	vld [tilespmem:s6+$0x380]  }
0x208: {  	[tilespmem:s25+$0x0] =	vst.add.f32.msk $0xffff, v2  }
0x209: {  	s29 =	simm.s32 $0x30;
	s14 =	sor.u32 $0x8200, s20;
	v1 =	vld [tilespmem:s0+$0x100];
	s6 =	simm.s32 $0x180  }
0x20a: {  	s5 =	sand.u32 $0x70, s29;
	s17 =	simm.s32 $0x40;
	[tilespmem:s14+$0x0] =	vst.add.f32.msk $0xffff, v3;
	s7 =	sand.u32 $0x1C00, s6  }
.LBB2_17:
0x20b: {  	p1 =	sne.s32 s17, $0x3F0;
	s14 =	sadd.s32 s7, s16;
	v2 =	vld [tilespmem:s22+$0x280];
	s8 =	sor.u32 $0x8380, s8  }
0x20c: {  	s14 =	sadd.s32 s5, s14;
	[tilespmem:s8+$0x0] =	vst.add.f32.msk $0xffff, v0;
	s8 =	smov.u32 s20;
	s20 =	smov.u32 s10  }
0x20d: {  	v0 =	vld [tilespmem:s14+$0x0];
	s10 =	sor.u32 $0x8100, s20  }
0x20e: {  	[tilespmem:s10+$0x0] =	vst.add.f32.msk $0xffff, v1  }
0x20f: {  	s15 =	sor.u32 $0x8280, s8;
	v1 =	vld [tilespmem:s0+$0x180]  }
0x210: {  	s10 =	sor.u32 s5, s7;
	[tilespmem:s15+$0x0] =	vst.add.f32.msk $0xffff, v2  }
0x211: {  	s5 =	sor.u32 $0x8000, s10;
	v2 =	vld [tilespmem:s22+$0x300]  }
0x212: {  	[tilespmem:s5+$0x0] =	vst.add.f32.msk $0xffff, v0  }
0x213: {  	s5 =	sor.u32 $0x8180, s20;
	v3 =	vld [tilespmem:s14+$0x80]  }
0x214: {  	[tilespmem:s5+$0x0] =	vst.add.f32.msk $0xffff, v1  }
0x215: {  	s5 =	sor.u32 $0x8300, s8;
	v4 =	vld [tilespmem:s0+$0x200]  }
.Ltmp10:
0x216: {  	[tilespmem:s5+$0x0] =	vst.add.f32.msk $0xffff, v2;
	(pc) =	sbr.rel @p1 .LBB2_17-.Ltmp10, $4  }
0x217: {  	s5 =	sor.u32 $0x8080, s10;
	v0 =	vld [tilespmem:s22+$0x380];
	s22 =	smov.u32 s0;
	s0 =	smov.u32 s14  }
0x218: {  	[tilespmem:s5+$0x0] =	vst.add.f32.msk $0xffff, v3  }
0x219: {  	s6 =	sadd.s32 $0x80, s6;
	s14 =	sor.u32 $0x8200, s20;
	v1 =	vld [tilespmem:s0+$0x100]  }
0x21a: {  	s7 =	sand.u32 $0x1C00, s6;
	s5 =	sand.u32 $0x70, s17;
	s17 =	sadd.s32 $0x10, s17;
	[tilespmem:s14+$0x0] =	vst.add.f32.msk $0xffff, v4  }
0x21b: {  	s6 =	sadd.s32 s7, s16  }
0x21c: {  	s6 =	sadd.s32 s5, s6  }
0x21d: {  	v2 =	vld [tilespmem:s6+$0x0];
	_ =	sdelay $0x2  }
0x21e: {  	s5 =	sor.u32 s5, s7  }
0x21f: {  	s7 =	sor.u32 $0x8000, s5  }
0x220: {  	[tilespmem:s7+$0x0] =	vst.add.f32.msk $0xffff, v2  }
0x221: {  	v2 =	vld [tilespmem:s6+$0x80];
	_ =	sdelay $0x3  }
0x222: {  	s17 =	sor.u32 $0x8080, s5  }
0x223: {  	[tilespmem:s17+$0x0] =	vst.add.f32.msk $0xffff, v2  }
0x224: {  	v2 =	vld [tilespmem:s6+$0x100]  }
0x225: {  	s23 =	sor.u32 $0x8100, s10  }
0x226: {  	[tilespmem:s23+$0x0] =	vst.add.f32.msk $0xffff, v1  }
0x227: {  	v1 =	vld [tilespmem:s0+$0x180]  }
0x228: {  	s25 =	sor.u32 $0x8100, s5  }
0x229: {  	[tilespmem:s25+$0x0] =	vst.add.f32.msk $0xffff, v2  }
0x22a: {  	v2 =	vld [tilespmem:s6+$0x180]  }
0x22b: {  	s29 =	sor.u32 $0x8180, s10;
	v3 =	vld [tilespmem:s22+$0x280]  }
0x22c: {  	[tilespmem:s29+$0x0] =	vst.add.f32.msk $0xffff, v1  }
0x22d: {  	v1 =	vld [tilespmem:s0+$0x200]  }
0x22e: {  	s14 =	sor.u32 $0x8180, s5  }
0x22f: {  	[tilespmem:s14+$0x0] =	vst.add.f32.msk $0xffff, v2  }
0x230: {  	s23 =	sor.u32 $0x8280, s20;
	v2 =	vld [tilespmem:s6+$0x200]  }
0x231: {  	s15 =	sor.u32 $0x8200, s10;
	[tilespmem:s23+$0x0] =	vst.add.f32.msk $0xffff, v3  }
0x232: {  	[tilespmem:s15+$0x0] =	vst.add.f32.msk $0xffff, v1  }
0x233: {  	v1 =	vld [tilespmem:s0+$0x280]  }
0x234: {  	v3 =	vld [tilespmem:s22+$0x300];
	s17 =	sor.u32 $0x8200, s5  }
0x235: {  	[tilespmem:s17+$0x0] =	vst.add.f32.msk $0xffff, v2  }
0x236: {  	v2 =	vld [tilespmem:s6+$0x280]  }
0x237: {  	s25 =	sor.u32 $0x8280, s10  }
0x238: {  	[tilespmem:s25+$0x0] =	vst.add.f32.msk $0xffff, v1  }
0x239: {  	v1 =	vld [tilespmem:s0+$0x300];
	s14 =	sor.u32 $0x8300, s20  }
0x23a: {  	s29 =	sor.u32 $0x8280, s5;
	[tilespmem:s14+$0x0] =	vst.add.f32.msk $0xffff, v3  }
0x23b: {  	[tilespmem:s29+$0x0] =	vst.add.f32.msk $0xffff, v2  }
0x23c: {  	v2 =	vld [tilespmem:s6+$0x300]  }
0x23d: {  	s15 =	sor.u32 $0x8300, s10;
	v3 =	vld [tilespmem:s22+$0x380]  }
0x23e: {  	[tilespmem:s15+$0x0] =	vst.add.f32.msk $0xffff, v1  }
0x23f: {  	s22 =	sor.u32 $0x8380, s8;
	v1 =	vld [tilespmem:s0+$0x380]  }
0x240: {  	[tilespmem:s22+$0x0] =	vst.add.f32.msk $0xffff, v0;
	s17 =	sor.u32 $0x8300, s5  }
0x241: {  	[tilespmem:s17+$0x0] =	vst.add.f32.msk $0xffff, v2  }
0x242: {  	s23 =	sor.u32 $0x8380, s20;
	v2 =	vld [tilespmem:s6+$0x380]  }
0x243: {  	[tilespmem:s23+$0x0] =	vst.add.f32.msk $0xffff, v3  }
0x244: {  	s7 =	simm.s32 $0x0;
	s29 =	rddreg [dreg:$0x6]  }
0x245: {  	s25 =	sor.u32 $0x8380, s10;
	s10 =	simm.s32 $0x8000;
	s6 =	sor.u32 s29, s19  }
0x246: {  	s14 =	sand.u32 $0x1C00, s7;
	s5 =	sor.u32 $0x8380, s5;
	[tilespmem:s25+$0x0] =	vst.add.f32.msk $0xffff, v1;
	s8 =	sshll.u32 s6, $0x7  }
0x247: {  	s15 =	sadd.s32 s14, s16;
	s6 =	sadd.s32 s2, s8;
	[tilespmem:s5+$0x0] =	vst.add.f32.msk $0xffff, v2;
	s5 =	sand.u32 $0x70, s7  }
0x248: {  	[hbm4b:s6+s7] =	stream.linear.scatter [tilespmem:s10], [sflag:$0x7], $0x2000, $0x38;
	[tilespmem:$0x18000] =	vst v63  }
0x249: {  	s6 =	sadd.s32 s5, s15  }
0x24a: {  	v0 =	vld [tilespmem:s6+$0x2000];
	_ =	sdelay $0x2  }
0x24b: {  	s20 =	sor.u32 s5, s14  }
0x24c: {  	s0 =	sor.u32 $0xA000, s20  }
0x24d: {  	[tilespmem:s0+$0x0] =	vst.add.f32.msk $0xffff, v0  }
0x24e: {  	v0 =	vld [tilespmem:s6+$0x2080];
	_ =	sdelay $0x3  }
0x24f: {  	s17 =	sor.u32 $0xA080, s20  }
0x250: {  	[tilespmem:s17+$0x0] =	vst.add.f32.msk $0xffff, v0  }
0x251: {  	s22 =	simm.s32 $0x80;
	v0 =	vld [tilespmem:s6+$0x2100]  }
0x252: {  	s23 =	simm.s32 $0x10;
	s0 =	sand.u32 $0x1C00, s22  }
0x253: {  	s5 =	sand.u32 $0x70, s23;
	s25 =	sadd.s32 s0, s16  }
0x254: {  	s25 =	sadd.s32 s5, s25  }
0x255: {  	s29 =	sor.u32 $0xA100, s20;
	v1 =	vld [tilespmem:s25+$0x2000]  }
0x256: {  	[tilespmem:s29+$0x0] =	vst.add.f32.msk $0xffff, v0  }
0x257: {  	v0 =	vld [tilespmem:s6+$0x2180]  }
0x258: {  	s22 =	sor.u32 s5, s0  }
0x259: {  	s0 =	sor.u32 $0xA000, s22  }
0x25a: {  	[tilespmem:s0+$0x0] =	vst.add.f32.msk $0xffff, v1  }
0x25b: {  	s5 =	sor.u32 $0xA180, s20;
	v1 =	vld [tilespmem:s25+$0x2080]  }
0x25c: {  	[tilespmem:s5+$0x0] =	vst.add.f32.msk $0xffff, v0  }
0x25d: {  	v0 =	vld [tilespmem:s6+$0x2200];
	_ =	sdelay $0x1  }
0x25e: {  	s7 =	sor.u32 $0xA080, s22  }
0x25f: {  	[tilespmem:s7+$0x0] =	vst.add.f32.msk $0xffff, v1  }
0x260: {  	s10 =	simm.s32 $0x100;
	s14 =	sor.u32 $0xA200, s20;
	v1 =	vld [tilespmem:s25+$0x2100]  }
0x261: {  	s15 =	simm.s32 $0x20;
	s17 =	sand.u32 $0x1C00, s10;
	[tilespmem:s14+$0x0] =	vst.add.f32.msk $0xffff, v0  }
0x262: {  	s23 =	sand.u32 $0x70, s15;
	s0 =	sadd.s32 s17, s16;
	v0 =	vld [tilespmem:s6+$0x2280]  }
0x263: {  	s0 =	sadd.s32 s23, s0  }
0x264: {  	v2 =	vld [tilespmem:s0+$0x2000];
	s29 =	sor.u32 $0xA100, s22  }
0x265: {  	[tilespmem:s29+$0x0] =	vst.add.f32.msk $0xffff, v1  }
0x266: {  	v1 =	vld [tilespmem:s25+$0x2180];
	s14 =	sor.u32 $0xA280, s20  }
0x267: {  	s10 =	sor.u32 s23, s17;
	[tilespmem:s14+$0x0] =	vst.add.f32.msk $0xffff, v0  }
0x268: {  	s5 =	sor.u32 $0xA000, s10;
	v0 =	vld [tilespmem:s6+$0x2300]  }
0x269: {  	[tilespmem:s5+$0x0] =	vst.add.f32.msk $0xffff, v2  }
0x26a: {  	s15 =	sor.u32 $0xA180, s22;
	v2 =	vld [tilespmem:s0+$0x2080]  }
0x26b: {  	[tilespmem:s15+$0x0] =	vst.add.f32.msk $0xffff, v1  }
0x26c: {  	s17 =	sor.u32 $0xA300, s20;
	v3 =	vld [tilespmem:s25+$0x2200]  }
0x26d: {  	[tilespmem:s17+$0x0] =	vst.add.f32.msk $0xffff, v0  }
0x26e: {  	s23 =	sor.u32 $0xA080, s10;
	v0 =	vld [tilespmem:s6+$0x2380]  }
0x26f: {  	[tilespmem:s23+$0x0] =	vst.add.f32.msk $0xffff, v2  }
0x270: {  	s29 =	simm.s32 $0x30;
	v1 =	vld [tilespmem:s0+$0x2100];
	s14 =	sor.u32 $0xA200, s22;
	s6 =	simm.s32 $0x180  }
0x271: {  	s5 =	sand.u32 $0x70, s29;
	[tilespmem:s14+$0x0] =	vst.add.f32.msk $0xffff, v3;
	s17 =	simm.s32 $0x40;
	s7 =	sand.u32 $0x1C00, s6  }
.LBB2_19:
0x272: {  	p1 =	sne.s32 s17, $0x3F0;
	s14 =	sadd.s32 s7, s16;
	v2 =	vld [tilespmem:s25+$0x2280];
	s15 =	sor.u32 $0xA380, s20  }
0x273: {  	s20 =	smov.u32 s22;
	s22 =	smov.u32 s10;
	s14 =	sadd.s32 s5, s14;
	[tilespmem:s15+$0x0] =	vst.add.f32.msk $0xffff, v0  }
0x274: {  	s10 =	sor.u32 $0xA100, s22;
	v0 =	vld [tilespmem:s14+$0x2000]  }
0x275: {  	[tilespmem:s10+$0x0] =	vst.add.f32.msk $0xffff, v1  }
0x276: {  	s15 =	sor.u32 $0xA280, s20;
	v1 =	vld [tilespmem:s0+$0x2180]  }
0x277: {  	s10 =	sor.u32 s5, s7;
	[tilespmem:s15+$0x0] =	vst.add.f32.msk $0xffff, v2  }
0x278: {  	s5 =	sor.u32 $0xA000, s10;
	v2 =	vld [tilespmem:s25+$0x2300]  }
0x279: {  	[tilespmem:s5+$0x0] =	vst.add.f32.msk $0xffff, v0  }
0x27a: {  	s5 =	sor.u32 $0xA180, s22;
	v3 =	vld [tilespmem:s14+$0x2080]  }
0x27b: {  	[tilespmem:s5+$0x0] =	vst.add.f32.msk $0xffff, v1  }
0x27c: {  	s5 =	sor.u32 $0xA300, s20;
	v4 =	vld [tilespmem:s0+$0x2200]  }
.Ltmp11:
0x27d: {  	[tilespmem:s5+$0x0] =	vst.add.f32.msk $0xffff, v2;
	(pc) =	sbr.rel @p1 .LBB2_19-.Ltmp11, $4  }
0x27e: {  	s5 =	sor.u32 $0xA080, s10;
	v0 =	vld [tilespmem:s25+$0x2380];
	s25 =	smov.u32 s0;
	s0 =	smov.u32 s14  }
0x27f: {  	[tilespmem:s5+$0x0] =	vst.add.f32.msk $0xffff, v3  }
0x280: {  	s6 =	sadd.s32 $0x80, s6;
	s14 =	sor.u32 $0xA200, s22;
	v1 =	vld [tilespmem:s0+$0x2100]  }
0x281: {  	s7 =	sand.u32 $0x1C00, s6;
	s5 =	sand.u32 $0x70, s17;
	s17 =	sadd.s32 $0x10, s17;
	[tilespmem:s14+$0x0] =	vst.add.f32.msk $0xffff, v4  }
0x282: {  	s6 =	sadd.s32 s7, s16  }
0x283: {  	s6 =	sadd.s32 s5, s6  }
0x284: {  	v2 =	vld [tilespmem:s6+$0x2000];
	_ =	sdelay $0x2  }
0x285: {  	s5 =	sor.u32 s5, s7  }
0x286: {  	s7 =	sor.u32 $0xA000, s5  }
0x287: {  	[tilespmem:s7+$0x0] =	vst.add.f32.msk $0xffff, v2  }
0x288: {  	v2 =	vld [tilespmem:s6+$0x2080];
	_ =	sdelay $0x3  }
0x289: {  	s23 =	sor.u32 $0xA080, s5  }
0x28a: {  	[tilespmem:s23+$0x0] =	vst.add.f32.msk $0xffff, v2  }
0x28b: {  	v2 =	vld [tilespmem:s6+$0x2100];
	_ =	sdelay $0x1  }
0x28c: {  	s29 =	sor.u32 $0xA100, s10  }
0x28d: {  	[tilespmem:s29+$0x0] =	vst.add.f32.msk $0xffff, v1  }
0x28e: {  	s14 =	sor.u32 $0xA100, s5;
	v1 =	vld [tilespmem:s0+$0x2180]  }
0x28f: {  	[tilespmem:s14+$0x0] =	vst.add.f32.msk $0xffff, v2  }
0x290: {  	v2 =	vld [tilespmem:s6+$0x2180];
	_ =	sdelay $0x1  }
0x291: {  	s15 =	sor.u32 $0xA180, s10  }
0x292: {  	[tilespmem:s15+$0x0] =	vst.add.f32.msk $0xffff, v1  }
0x293: {  	s17 =	sor.u32 $0xA180, s5;
	v1 =	vld [tilespmem:s0+$0x2200]  }
0x294: {  	[tilespmem:s17+$0x0] =	vst.add.f32.msk $0xffff, v2  }
0x295: {  	v2 =	vld [tilespmem:s6+$0x2200];
	_ =	sdelay $0x1  }
0x296: {  	v3 =	vld [tilespmem:s25+$0x2280];
	s23 =	sor.u32 $0xA200, s10  }
0x297: {  	[tilespmem:s23+$0x0] =	vst.add.f32.msk $0xffff, v1  }
0x298: {  	s29 =	sor.u32 $0xA200, s5;
	v1 =	vld [tilespmem:s0+$0x2280]  }
0x299: {  	[tilespmem:s29+$0x0] =	vst.add.f32.msk $0xffff, v2  }
0x29a: {  	s14 =	sor.u32 $0xA280, s22;
	v2 =	vld [tilespmem:s6+$0x2280]  }
0x29b: {  	[tilespmem:s14+$0x0] =	vst.add.f32.msk $0xffff, v3  }
0x29c: {  	s15 =	sor.u32 $0xA280, s10;
	v3 =	vld [tilespmem:s25+$0x2300]  }
0x29d: {  	[tilespmem:s15+$0x0] =	vst.add.f32.msk $0xffff, v1  }
0x29e: {  	v1 =	vld [tilespmem:s0+$0x2300];
	s17 =	sor.u32 $0xA280, s5  }
0x29f: {  	[tilespmem:s17+$0x0] =	vst.add.f32.msk $0xffff, v2  }
0x2a0: {  	s23 =	sor.u32 $0xA300, s22;
	v2 =	vld [tilespmem:s6+$0x2300]  }
0x2a1: {  	[tilespmem:s23+$0x0] =	vst.add.f32.msk $0xffff, v3  }
0x2a2: {  	v3 =	vld [tilespmem:s25+$0x2380];
	s25 =	sor.u32 $0xA300, s10  }
0x2a3: {  	[tilespmem:s25+$0x0] =	vst.add.f32.msk $0xffff, v1  }
0x2a4: {  	v1 =	vld [tilespmem:s0+$0x2380];
	s29 =	sor.u32 $0xA300, s5  }
0x2a5: {  	[tilespmem:s29+$0x0] =	vst.add.f32.msk $0xffff, v2  }
0x2a6: {  	v2 =	vld [tilespmem:s6+$0x2380]  }
0x2a7: {  	s7 =	sor.u32 $0xA380, s22  }
0x2a8: {  	s10 =	sor.u32 $0xA380, s10;
	[tilespmem:s7+$0x0] =	vst.add.f32.msk $0xffff, v3  }
0x2a9: {  	[tilespmem:s10+$0x0] =	vst.add.f32.msk $0xffff, v1;
	s6 =	sor.u32 $0xA380, s20  }
0x2aa: {  	s14 =	sor.u32 $0xA380, s5;
	s15 =	sand.u32 $0x1FFFF800, s8;
	[tilespmem:s6+$0x0] =	vst.add.f32.msk $0xffff, v0  }
0x2ab: {  	s17 =	sadd.s32 s15, s13;
	s20 =	simm.s32 $0xA000;
	[tilespmem:s14+$0x0] =	vst.add.f32.msk $0xffff, v2  }
0x2ac: {  	[hbm4b:s17+s4] =	stream.linear.scatter [tilespmem:s20], [sflag:$0x7], $0x2000, $0x38;
	[tilespmem:$0x18000] =	vst v63  }
0x2ad: {  	_ =	swait.ge [sflag:s30], $0x2000  }
0x2ae: {  	[sflag:s30] =	ssyncset.done $0x0  }
0x2af: {  	[sflag:s30] =	ssyncadd.s32 $0xFFFFE000  }
0x2b0: {  	_ =	swait.ge [sflag:s30], $0x2000  }
0x2b1: {  	s0 =	rddreg [dreg:$0xc]  }
0x2b2: {  	s22 =	simm.s32 $0x0;
	s0 =	sadd.s32 @p0 s19, s0  }
0x2b3: {  	s5 =	simm.s32 @p0 $0x0;
	[sflag:s30] =	ssyncset.done $0x0;
	s0 =	sshll.u32 @p0 s0, $0x7  }
0x2b4: {  	s6 =	simm.s32 @p0 $0x4000;
	[sflag:s30] =	ssyncadd.s32 $0xFFFFE000;
	s0 =	sadd.s32 @p0 s1, s0  }
0x2b5: {  	[tilespmem:s6], [sflag:$0x2] =	stream.linear.gather @p0 [hbm4b:s0+s5], $0x4000, $0x38;
	[tilespmem:$0x18000] =	vst v63  }
0x2b6: {  	s23 =	sand.u32 $0x1C00, s22;
	_ =	swait.ge [sflag:s31], $0x4000  }
0x2b7: {  	s25 =	sadd.s32 s23, s16;
	s0 =	sand.u32 $0x70, s22;
	[sflag:s31] =	ssyncset.done $0x0  }
0x2b8: {  	s6 =	sadd.s32 s0, s25;
	[sflag:s31] =	ssyncadd.s32 $0xFFFFC000  }
0x2b9: {  	v0 =	vld [tilespmem:s6+$0x0];
	_ =	sdelay $0x2  }
0x2ba: {  	s8 =	sor.u32 s0, s23  }
0x2bb: {  	s0 =	sor.u32 $0xC000, s8  }
0x2bc: {  	[tilespmem:s0+$0x0] =	vst.add.f32.msk $0xffff, v0  }
0x2bd: {  	v0 =	vld [tilespmem:s6+$0x80];
	_ =	sdelay $0x3  }
0x2be: {  	s29 =	sor.u32 $0xC080, s8  }
0x2bf: {  	[tilespmem:s29+$0x0] =	vst.add.f32.msk $0xffff, v0  }
0x2c0: {  	s5 =	simm.s32 $0x80;
	v0 =	vld [tilespmem:s6+$0x100]  }
0x2c1: {  	s7 =	simm.s32 $0x10;
	s0 =	sand.u32 $0x1C00, s5  }
0x2c2: {  	s5 =	sand.u32 $0x70, s7;
	s10 =	sadd.s32 s0, s16  }
0x2c3: {  	s20 =	sadd.s32 s5, s10  }
0x2c4: {  	s14 =	sor.u32 $0xC100, s8;
	v1 =	vld [tilespmem:s20+$0x0]  }
0x2c5: {  	[tilespmem:s14+$0x0] =	vst.add.f32.msk $0xffff, v0  }
0x2c6: {  	v0 =	vld [tilespmem:s6+$0x180]  }
0x2c7: {  	s19 =	sor.u32 s5, s0  }
0x2c8: {  	s0 =	sor.u32 $0xC000, s19  }
0x2c9: {  	[tilespmem:s0+$0x0] =	vst.add.f32.msk $0xffff, v1  }
0x2ca: {  	s15 =	sor.u32 $0xC180, s8;
	v1 =	vld [tilespmem:s20+$0x80]  }
0x2cb: {  	[tilespmem:s15+$0x0] =	vst.add.f32.msk $0xffff, v0  }
0x2cc: {  	v0 =	vld [tilespmem:s6+$0x200];
	_ =	sdelay $0x1  }
0x2cd: {  	s17 =	sor.u32 $0xC080, s19  }
0x2ce: {  	[tilespmem:s17+$0x0] =	vst.add.f32.msk $0xffff, v1  }
0x2cf: {  	s22 =	simm.s32 $0x100;
	s23 =	sor.u32 $0xC200, s8;
	v1 =	vld [tilespmem:s20+$0x100]  }
0x2d0: {  	s25 =	simm.s32 $0x20;
	s29 =	sand.u32 $0x1C00, s22;
	[tilespmem:s23+$0x0] =	vst.add.f32.msk $0xffff, v0  }
0x2d1: {  	s0 =	sadd.s32 s29, s16;
	s14 =	sand.u32 $0x70, s25;
	v0 =	vld [tilespmem:s6+$0x280]  }
0x2d2: {  	s0 =	sadd.s32 s14, s0  }
0x2d3: {  	v2 =	vld [tilespmem:s0+$0x0];
	s15 =	sor.u32 $0xC100, s19  }
0x2d4: {  	[tilespmem:s15+$0x0] =	vst.add.f32.msk $0xffff, v1  }
0x2d5: {  	s17 =	sor.u32 $0xC280, s8;
	v1 =	vld [tilespmem:s20+$0x180]  }
0x2d6: {  	s10 =	sor.u32 s14, s29;
	[tilespmem:s17+$0x0] =	vst.add.f32.msk $0xffff, v0  }
0x2d7: {  	s5 =	sor.u32 $0xC000, s10;
	v0 =	vld [tilespmem:s6+$0x300]  }
0x2d8: {  	[tilespmem:s5+$0x0] =	vst.add.f32.msk $0xffff, v2  }
0x2d9: {  	s22 =	sor.u32 $0xC180, s19;
	v2 =	vld [tilespmem:s0+$0x80]  }
0x2da: {  	[tilespmem:s22+$0x0] =	vst.add.f32.msk $0xffff, v1  }
0x2db: {  	s23 =	sor.u32 $0xC300, s8;
	v3 =	vld [tilespmem:s20+$0x200]  }
0x2dc: {  	[tilespmem:s23+$0x0] =	vst.add.f32.msk $0xffff, v0  }
0x2dd: {  	s25 =	sor.u32 $0xC080, s10;
	v0 =	vld [tilespmem:s6+$0x380]  }
0x2de: {  	[tilespmem:s25+$0x0] =	vst.add.f32.msk $0xffff, v2  }
0x2df: {  	s29 =	simm.s32 $0x30;
	s14 =	sor.u32 $0xC200, s19;
	v1 =	vld [tilespmem:s0+$0x100];
	s6 =	simm.s32 $0x180  }
0x2e0: {  	s5 =	sand.u32 $0x70, s29;
	s17 =	simm.s32 $0x40;
	[tilespmem:s14+$0x0] =	vst.add.f32.msk $0xffff, v3;
	s7 =	sand.u32 $0x1C00, s6  }
.LBB2_21:
0x2e1: {  	p0 =	sne.s32 s17, $0x3F0;
	s14 =	sadd.s32 s7, s16;
	v2 =	vld [tilespmem:s20+$0x280];
	s8 =	sor.u32 $0xC380, s8  }
0x2e2: {  	s14 =	sadd.s32 s5, s14;
	[tilespmem:s8+$0x0] =	vst.add.f32.msk $0xffff, v0;
	s8 =	smov.u32 s19;
	s19 =	smov.u32 s10  }
0x2e3: {  	v0 =	vld [tilespmem:s14+$0x0];
	s10 =	sor.u32 $0xC100, s19  }
0x2e4: {  	[tilespmem:s10+$0x0] =	vst.add.f32.msk $0xffff, v1  }
0x2e5: {  	s15 =	sor.u32 $0xC280, s8;
	v1 =	vld [tilespmem:s0+$0x180]  }
0x2e6: {  	s10 =	sor.u32 s5, s7;
	[tilespmem:s15+$0x0] =	vst.add.f32.msk $0xffff, v2  }
0x2e7: {  	s5 =	sor.u32 $0xC000, s10;
	v2 =	vld [tilespmem:s20+$0x300]  }
0x2e8: {  	[tilespmem:s5+$0x0] =	vst.add.f32.msk $0xffff, v0  }
0x2e9: {  	s5 =	sor.u32 $0xC180, s19;
	v3 =	vld [tilespmem:s14+$0x80]  }
0x2ea: {  	[tilespmem:s5+$0x0] =	vst.add.f32.msk $0xffff, v1  }
0x2eb: {  	s5 =	sor.u32 $0xC300, s8;
	v4 =	vld [tilespmem:s0+$0x200]  }
.Ltmp12:
0x2ec: {  	[tilespmem:s5+$0x0] =	vst.add.f32.msk $0xffff, v2;
	(pc) =	sbr.rel @p0 .LBB2_21-.Ltmp12, $4  }
0x2ed: {  	s5 =	sor.u32 $0xC080, s10;
	v0 =	vld [tilespmem:s20+$0x380];
	s20 =	smov.u32 s0;
	s0 =	smov.u32 s14  }
0x2ee: {  	[tilespmem:s5+$0x0] =	vst.add.f32.msk $0xffff, v3  }
0x2ef: {  	s6 =	sadd.s32 $0x80, s6;
	s14 =	sor.u32 $0xC200, s19;
	v1 =	vld [tilespmem:s0+$0x100]  }
0x2f0: {  	s7 =	sand.u32 $0x1C00, s6;
	s5 =	sand.u32 $0x70, s17;
	s17 =	sadd.s32 $0x10, s17;
	[tilespmem:s14+$0x0] =	vst.add.f32.msk $0xffff, v4  }
0x2f1: {  	s6 =	sadd.s32 s7, s16  }
0x2f2: {  	s6 =	sadd.s32 s5, s6  }
0x2f3: {  	v2 =	vld [tilespmem:s6+$0x0];
	_ =	sdelay $0x2  }
0x2f4: {  	s5 =	sor.u32 s5, s7  }
0x2f5: {  	s7 =	sor.u32 $0xC000, s5  }
0x2f6: {  	[tilespmem:s7+$0x0] =	vst.add.f32.msk $0xffff, v2  }
0x2f7: {  	v2 =	vld [tilespmem:s6+$0x80];
	_ =	sdelay $0x3  }
0x2f8: {  	s14 =	sor.u32 $0xC080, s5  }
0x2f9: {  	[tilespmem:s14+$0x0] =	vst.add.f32.msk $0xffff, v2  }
0x2fa: {  	v2 =	vld [tilespmem:s6+$0x100];
	_ =	sdelay $0x1  }
0x2fb: {  	s15 =	sor.u32 $0xC100, s10  }
0x2fc: {  	[tilespmem:s15+$0x0] =	vst.add.f32.msk $0xffff, v1  }
0x2fd: {  	s17 =	sor.u32 $0xC100, s5;
	v1 =	vld [tilespmem:s0+$0x180]  }
0x2fe: {  	[tilespmem:s17+$0x0] =	vst.add.f32.msk $0xffff, v2  }
0x2ff: {  	v2 =	vld [tilespmem:s6+$0x180];
	_ =	sdelay $0x1  }
0x300: {  	s22 =	sor.u32 $0xC180, s10  }
0x301: {  	[tilespmem:s22+$0x0] =	vst.add.f32.msk $0xffff, v1  }
0x302: {  	s23 =	sor.u32 $0xC180, s5;
	v1 =	vld [tilespmem:s0+$0x200]  }
0x303: {  	[tilespmem:s23+$0x0] =	vst.add.f32.msk $0xffff, v2  }
0x304: {  	v2 =	vld [tilespmem:s6+$0x200];
	_ =	sdelay $0x1  }
0x305: {  	v3 =	vld [tilespmem:s20+$0x280];
	s25 =	sor.u32 $0xC200, s10  }
0x306: {  	[tilespmem:s25+$0x0] =	vst.add.f32.msk $0xffff, v1  }
0x307: {  	s29 =	sor.u32 $0xC200, s5;
	v1 =	vld [tilespmem:s0+$0x280]  }
0x308: {  	[tilespmem:s29+$0x0] =	vst.add.f32.msk $0xffff, v2  }
0x309: {  	s14 =	sor.u32 $0xC280, s19;
	v2 =	vld [tilespmem:s6+$0x280]  }
0x30a: {  	[tilespmem:s14+$0x0] =	vst.add.f32.msk $0xffff, v3  }
0x30b: {  	s15 =	sor.u32 $0xC280, s10;
	v3 =	vld [tilespmem:s20+$0x300]  }
0x30c: {  	[tilespmem:s15+$0x0] =	vst.add.f32.msk $0xffff, v1  }
0x30d: {  	s17 =	sor.u32 $0xC280, s5;
	v1 =	vld [tilespmem:s0+$0x300]  }
0x30e: {  	[tilespmem:s17+$0x0] =	vst.add.f32.msk $0xffff, v2  }
0x30f: {  	s22 =	sor.u32 $0xC300, s19;
	v2 =	vld [tilespmem:s6+$0x300]  }
0x310: {  	[tilespmem:s22+$0x0] =	vst.add.f32.msk $0xffff, v3  }
0x311: {  	v3 =	vld [tilespmem:s20+$0x380];
	s23 =	sor.u32 $0xC300, s10  }
0x312: {  	[tilespmem:s23+$0x0] =	vst.add.f32.msk $0xffff, v1  }
0x313: {  	s25 =	sor.u32 $0xC300, s5;
	v1 =	vld [tilespmem:s0+$0x380]  }
0x314: {  	[tilespmem:s25+$0x0] =	vst.add.f32.msk $0xffff, v2  }
0x315: {  	v2 =	vld [tilespmem:s6+$0x380]  }
0x316: {  	s29 =	sor.u32 $0xC380, s8  }
0x317: {  	s7 =	sor.u32 $0xC380, s10;
	s14 =	simm.s32 $0x0;
	[tilespmem:s29+$0x0] =	vst.add.f32.msk $0xffff, v0  }
0x318: {  	s15 =	sand.u32 $0x1C00, s14;
	[tilespmem:s7+$0x0] =	vst.add.f32.msk $0xffff, v1;
	s6 =	sor.u32 $0xC380, s19  }
0x319: {  	s8 =	sor.u32 $0xC380, s5;
	s5 =	sand.u32 $0x70, s14;
	s17 =	sadd.s32 s15, s16;
	[tilespmem:s6+$0x0] =	vst.add.f32.msk $0xffff, v3  }
0x31a: {  	s10 =	sadd.s32 s2, s11;
	s6 =	sadd.s32 s5, s17;
	[tilespmem:s8+$0x0] =	vst.add.f32.msk $0xffff, v2  }
0x31b: {  	[hbm4b:s10+s14] =	stream.linear.scatter [tilespmem:s18], [sflag:$0x8], $0x2000, $0x38;
	[tilespmem:$0x18000] =	vst v63  }
0x31c: {  	v0 =	vld [tilespmem:s6+$0x2000];
	_ =	sdelay $0x2  }
0x31d: {  	s8 =	sor.u32 s5, s15  }
0x31e: {  	s0 =	sor.u32 $0xE000, s8  }
0x31f: {  	[tilespmem:s0+$0x0] =	vst.add.f32.msk $0xffff, v0  }
0x320: {  	v0 =	vld [tilespmem:s6+$0x2080];
	_ =	sdelay $0x3  }
0x321: {  	s18 =	sor.u32 $0xE080, s8  }
0x322: {  	[tilespmem:s18+$0x0] =	vst.add.f32.msk $0xffff, v0  }
0x323: {  	s19 =	simm.s32 $0x80;
	v0 =	vld [tilespmem:s6+$0x2100]  }
0x324: {  	s20 =	simm.s32 $0x10;
	s0 =	sand.u32 $0x1C00, s19  }
0x325: {  	s5 =	sand.u32 $0x70, s20;
	s22 =	sadd.s32 s0, s16  }
0x326: {  	s20 =	sadd.s32 s5, s22  }
0x327: {  	s23 =	sor.u32 $0xE100, s8;
	v1 =	vld [tilespmem:s20+$0x2000]  }
0x328: {  	[tilespmem:s23+$0x0] =	vst.add.f32.msk $0xffff, v0  }
0x329: {  	v0 =	vld [tilespmem:s6+$0x2180]  }
0x32a: {  	s19 =	sor.u32 s5, s0  }
0x32b: {  	s0 =	sor.u32 $0xE000, s19  }
0x32c: {  	[tilespmem:s0+$0x0] =	vst.add.f32.msk $0xffff, v1  }
0x32d: {  	s25 =	sor.u32 $0xE180, s8;
	v1 =	vld [tilespmem:s20+$0x2080]  }
0x32e: {  	[tilespmem:s25+$0x0] =	vst.add.f32.msk $0xffff, v0  }
0x32f: {  	v0 =	vld [tilespmem:s6+$0x2200];
	_ =	sdelay $0x1  }
0x330: {  	s29 =	sor.u32 $0xE080, s19  }
0x331: {  	[tilespmem:s29+$0x0] =	vst.add.f32.msk $0xffff, v1  }
0x332: {  	s7 =	sor.u32 $0xE200, s8;
	s5 =	simm.s32 $0x100;
	v1 =	vld [tilespmem:s20+$0x2100]  }
0x333: {  	s10 =	simm.s32 $0x20;
	s14 =	sand.u32 $0x1C00, s5;
	[tilespmem:s7+$0x0] =	vst.add.f32.msk $0xffff, v0  }
0x334: {  	s15 =	sand.u32 $0x70, s10;
	s0 =	sadd.s32 s14, s16;
	v0 =	vld [tilespmem:s6+$0x2280]  }
0x335: {  	s0 =	sadd.s32 s15, s0  }
0x336: {  	s17 =	sor.u32 $0xE100, s19;
	v2 =	vld [tilespmem:s0+$0x2000]  }
0x337: {  	[tilespmem:s17+$0x0] =	vst.add.f32.msk $0xffff, v1  }
0x338: {  	s18 =	sor.u32 $0xE280, s8;
	v1 =	vld [tilespmem:s20+$0x2180]  }
0x339: {  	s10 =	sor.u32 s15, s14;
	[tilespmem:s18+$0x0] =	vst.add.f32.msk $0xffff, v0  }
0x33a: {  	s5 =	sor.u32 $0xE000, s10;
	v0 =	vld [tilespmem:s6+$0x2300]  }
0x33b: {  	[tilespmem:s5+$0x0] =	vst.add.f32.msk $0xffff, v2  }
0x33c: {  	s22 =	sor.u32 $0xE180, s19;
	v2 =	vld [tilespmem:s0+$0x2080]  }
0x33d: {  	[tilespmem:s22+$0x0] =	vst.add.f32.msk $0xffff, v1  }
0x33e: {  	s23 =	sor.u32 $0xE300, s8;
	v3 =	vld [tilespmem:s20+$0x2200]  }
0x33f: {  	[tilespmem:s23+$0x0] =	vst.add.f32.msk $0xffff, v0  }
0x340: {  	s25 =	sor.u32 $0xE080, s10;
	v0 =	vld [tilespmem:s6+$0x2380]  }
0x341: {  	[tilespmem:s25+$0x0] =	vst.add.f32.msk $0xffff, v2  }
0x342: {  	s14 =	sor.u32 $0xE200, s19;
	s29 =	simm.s32 $0x30;
	v1 =	vld [tilespmem:s0+$0x2100];
	s6 =	simm.s32 $0x180  }
0x343: {  	s5 =	sand.u32 $0x70, s29;
	s17 =	simm.s32 $0x40;
	[tilespmem:s14+$0x0] =	vst.add.f32.msk $0xffff, v3;
	s7 =	sand.u32 $0x1C00, s6  }
.LBB2_23:
0x344: {  	p0 =	sne.s32 s17, $0x3F0;
	s14 =	sadd.s32 s7, s16;
	v2 =	vld [tilespmem:s20+$0x2280];
	s8 =	sor.u32 $0xE380, s8  }
0x345: {  	s14 =	sadd.s32 s5, s14;
	[tilespmem:s8+$0x0] =	vst.add.f32.msk $0xffff, v0;
	s8 =	smov.u32 s19;
	s19 =	smov.u32 s10  }
0x346: {  	v0 =	vld [tilespmem:s14+$0x2000];
	s10 =	sor.u32 $0xE100, s19  }
0x347: {  	[tilespmem:s10+$0x0] =	vst.add.f32.msk $0xffff, v1  }
0x348: {  	s15 =	sor.u32 $0xE280, s8;
	v1 =	vld [tilespmem:s0+$0x2180]  }
0x349: {  	s10 =	sor.u32 s5, s7;
	[tilespmem:s15+$0x0] =	vst.add.f32.msk $0xffff, v2  }
0x34a: {  	s5 =	sor.u32 $0xE000, s10;
	v2 =	vld [tilespmem:s20+$0x2300]  }
0x34b: {  	[tilespmem:s5+$0x0] =	vst.add.f32.msk $0xffff, v0  }
0x34c: {  	s5 =	sor.u32 $0xE180, s19;
	v3 =	vld [tilespmem:s14+$0x2080]  }
0x34d: {  	[tilespmem:s5+$0x0] =	vst.add.f32.msk $0xffff, v1  }
0x34e: {  	s5 =	sor.u32 $0xE300, s8;
	v4 =	vld [tilespmem:s0+$0x2200]  }
.Ltmp13:
0x34f: {  	[tilespmem:s5+$0x0] =	vst.add.f32.msk $0xffff, v2;
	(pc) =	sbr.rel @p0 .LBB2_23-.Ltmp13, $4  }
0x350: {  	s5 =	sor.u32 $0xE080, s10;
	v0 =	vld [tilespmem:s20+$0x2380];
	s20 =	smov.u32 s0;
	s0 =	smov.u32 s14  }
0x351: {  	[tilespmem:s5+$0x0] =	vst.add.f32.msk $0xffff, v3  }
0x352: {  	s6 =	sadd.s32 $0x80, s6;
	s14 =	sor.u32 $0xE200, s19;
	v1 =	vld [tilespmem:s0+$0x2100]  }
0x353: {  	s7 =	sand.u32 $0x1C00, s6;
	s5 =	sand.u32 $0x70, s17;
	s17 =	sadd.s32 $0x10, s17;
	[tilespmem:s14+$0x0] =	vst.add.f32.msk $0xffff, v4  }
0x354: {  	s6 =	sadd.s32 s7, s16  }
0x355: {  	s6 =	sadd.s32 s5, s6  }
0x356: {  	v2 =	vld [tilespmem:s6+$0x2000];
	_ =	sdelay $0x2  }
0x357: {  	s5 =	sor.u32 s5, s7  }
0x358: {  	s7 =	sor.u32 $0xE000, s5  }
0x359: {  	[tilespmem:s7+$0x0] =	vst.add.f32.msk $0xffff, v2  }
0x35a: {  	v2 =	vld [tilespmem:s6+$0x2080];
	_ =	sdelay $0x3  }
0x35b: {  	s14 =	sor.u32 $0xE080, s5  }
0x35c: {  	[tilespmem:s14+$0x0] =	vst.add.f32.msk $0xffff, v2  }
0x35d: {  	v2 =	vld [tilespmem:s6+$0x2100];
	_ =	sdelay $0x1  }
0x35e: {  	s15 =	sor.u32 $0xE100, s10  }
0x35f: {  	[tilespmem:s15+$0x0] =	vst.add.f32.msk $0xffff, v1  }
0x360: {  	s16 =	sor.u32 $0xE100, s5;
	v1 =	vld [tilespmem:s0+$0x2180]  }
0x361: {  	[tilespmem:s16+$0x0] =	vst.add.f32.msk $0xffff, v2  }
0x362: {  	v2 =	vld [tilespmem:s6+$0x2180];
	_ =	sdelay $0x1  }
0x363: {  	s17 =	sor.u32 $0xE180, s10  }
0x364: {  	[tilespmem:s17+$0x0] =	vst.add.f32.msk $0xffff, v1  }
0x365: {  	s18 =	sor.u32 $0xE180, s5;
	v1 =	vld [tilespmem:s0+$0x2200]  }
0x366: {  	[tilespmem:s18+$0x0] =	vst.add.f32.msk $0xffff, v2  }
0x367: {  	v2 =	vld [tilespmem:s6+$0x2200];
	_ =	sdelay $0x1  }
0x368: {  	v3 =	vld [tilespmem:s20+$0x2280];
	s22 =	sor.u32 $0xE200, s10  }
0x369: {  	[tilespmem:s22+$0x0] =	vst.add.f32.msk $0xffff, v1  }
0x36a: {  	s23 =	sor.u32 $0xE200, s5;
	v1 =	vld [tilespmem:s0+$0x2280]  }
0x36b: {  	[tilespmem:s23+$0x0] =	vst.add.f32.msk $0xffff, v2  }
0x36c: {  	s25 =	sor.u32 $0xE280, s19;
	v2 =	vld [tilespmem:s6+$0x2280]  }
0x36d: {  	[tilespmem:s25+$0x0] =	vst.add.f32.msk $0xffff, v3  }
0x36e: {  	s29 =	sor.u32 $0xE280, s10;
	v3 =	vld [tilespmem:s20+$0x2300]  }
0x36f: {  	[tilespmem:s29+$0x0] =	vst.add.f32.msk $0xffff, v1  }
0x370: {  	s14 =	sor.u32 $0xE280, s5;
	v1 =	vld [tilespmem:s0+$0x2300]  }
0x371: {  	[tilespmem:s14+$0x0] =	vst.add.f32.msk $0xffff, v2  }
0x372: {  	s15 =	sor.u32 $0xE300, s19;
	v2 =	vld [tilespmem:s6+$0x2300]  }
0x373: {  	[tilespmem:s15+$0x0] =	vst.add.f32.msk $0xffff, v3  }
0x374: {  	v3 =	vld [tilespmem:s20+$0x2380];
	s16 =	sor.u32 $0xE300, s10  }
0x375: {  	[tilespmem:s16+$0x0] =	vst.add.f32.msk $0xffff, v1  }
0x376: {  	s17 =	sor.u32 $0xE300, s5;
	v1 =	vld [tilespmem:s0+$0x2380]  }
0x377: {  	[tilespmem:s17+$0x0] =	vst.add.f32.msk $0xffff, v2  }
0x378: {  	s9 =	sadd.s32 $0x1, s9;
	v2 =	vld [tilespmem:s6+$0x2380]  }
0x379: {  	p0 =	sne.s32 s9, $0x10;
	s20 =	sor.u32 $0xE380, s19  }
.Ltmp14:
0x37a: {  	[tilespmem:s20+$0x0] =	vst.add.f32.msk $0xffff, v3;
	s18 =	sor.u32 $0xE380, s8;
	(pc) =	sbr.rel @p0 .LBB2_2-.Ltmp14, $4  }
0x37b: {  	s22 =	sor.u32 $0xE380, s10;
	[tilespmem:s18+$0x0] =	vst.add.f32.msk $0xffff, v0  }
0x37c: {  	s23 =	sor.u32 $0xE380, s5;
	[tilespmem:s22+$0x0] =	vst.add.f32.msk $0xffff, v1  }
0x37d: {  	s25 =	sadd.s32 s11, s13;
	s29 =	simm.s32 $0xE000;
	[tilespmem:s23+$0x0] =	vst.add.f32.msk $0xffff, v2  }
0x37e: {  	[hbm4b:s25+s4] =	stream.linear.scatter [tilespmem:s29], [sflag:$0x8], $0x2000, $0x38;
	[tilespmem:$0x18000] =	vst v63  }
0x37f: {  	_ =	swait.ge [sflag:s3], $0x2000  }
0x380: {  	[sflag:s3] =	ssyncset.done $0x0  }
0x381: {  	[sflag:s3] =	ssyncadd.s32 $0xFFFFE000  }
0x382: {  	_ =	swait.ge [sflag:s3], $0x2000  }
0x383: {  	[sflag:s3] =	ssyncset.done $0x0  }
0x384: {  	s5 =	simm.s32 $0x8;
	[sflag:s3] =	ssyncadd.s32 $0xFFFFE000  }
0x385: {  	_ =	swait.ge [sflag:s5], $0x2000  }
0x386: {  	[sflag:s5] =	ssyncset.done $0x0  }
0x387: {  	[sflag:s5] =	ssyncadd.s32 $0xFFFFE000  }
0x388: {  	_ =	swait.ge [sflag:s5], $0x2000  }
0x389: {  	s6 =	rddreg [dreg:$0xe]  }
0x38a: {  	s0 =	rddreg [dreg:$0xd];
	s6 =	sadd.s32 $0x1, s6  }
0x38b: {  	p0 =	sne.s32 s6, s0  }
.Ltmp15:
0x38c: {  	_ = 	snop;
	(pc) =	sbr.rel @p0 .LBB2_1-.Ltmp15, $3  }
0x38d: {  	_ =	sdelay $0x1  }
0x38e: {  	[sflag:s5] =	ssyncset.done $0x0  }
0x38f: {  	[sflag:s5] =	ssyncadd.s32 $0xFFFFE000  }
0x390: {  	_ =	sfence.sel $0x180000  }
0x391: {  	[bflag:$0x0] =	sbarrier.arrive $0xFFFF  }
0x392: {  	_ =	strace $0x90000047  }
0x393: {  	s0 =	stileid.u32;
	[bflag:$0x2] =	sbarrier.arrive $0xFFFF  }
0x394: {  	p0 =	sne.s32 s0, $0x0;
	s0 =	rddreg [dreg:$0x3]  }
0x395: {  	s0 =	sadd.s32 @!p0 $0x100000, s0  }
0x396: {  	[sflag:s0] =	ssyncadd.tile.s32 @!p0 $0x1;
	_ =	shalt  }
.Lfunc_end2:
_tile_overlayer_lowered:
.L_overlay_start_2:
0x397: {  	(tag) =	ssettag $0x2  }
0x398: {  	s0 =	rddreg [dreg:$0x0];
	s2 =	stileid.u32  }
0x399: {  	s1 =	rddreg [dreg:$0x1];
	p0 =	sne.s32 s2, $0x0  }
0x39a: {  	s3 =	rddreg [dreg:$0x2];
	[bflag:$0x3] =	sbarrier.arrive $0xFFFF;
	s2 =	simm.s32 @!p0 $0x1C0B  }
0x39b: {  	[timem:s3], [sflag:s2] =	dma.local @!p0 [hbm:s0], s1  }
0x39c: {  	s0 =	simm.s32 @!p0 $0xB  }
0x39d: {  	_ =	swait.ge @!p0 [sflag:s0], s1  }
0x39e: {  	s1 =	ssub.s32 @!p0 $0x0, s1;
	[sflag:s0] =	ssyncset.done @!p0 $0x0  }
0x39f: {  	[sflag:s0] =	ssyncadd.s32 @!p0 s1  }
0x3a0: {  	[bflag:$0x3] =	sbarrier.arrive $0xFFFF  }
0x3a1: {  	_ =	shalt  }

</sc_bundles>
